<compile_context>
chip_gen: v7x
topology: tpu7x:2x2x1
jax: 0.10.2.dev20260603
libtpu: 0.0.44.dev20260713+nightly
codegen_flags: <defaults>
</compile_context>

<pallas_src>
import functools

import jax
import jax.numpy as jnp
from jax import lax
from jax.experimental import pallas as pl
from jax.experimental.pallas import tpu as pltpu
from jax.experimental.pallas import tpu_sc as plsc

VOCAB = 100000
B = 4096
L = 200

_INFO = plsc.get_sparse_core_info()
_NC = _INFO.num_cores
_NS = _INFO.num_subcores
_NW = _NC * _NS
_LANES = _INFO.num_lanes

_ROWS_PER_W = B // _NW
_CHUNK_ROWS = 32
_NCHUNK = _ROWS_PER_W // _CHUNK_ROWS
_GPC = _CHUNK_ROWS // _LANES
_FULL = L // _LANES
_TAIL = L - _FULL * _LANES
_TSTRIDE = _LANES + 1


def _sc_body(ids_hbm, table_hbm, out_hbm, table_sp, table_v, ids_a, ids_b,
             tbuf, out_v, sem_t, sem_a, sem_b):
    sid = lax.axis_index("s")
    wid = sid * _NC + lax.axis_index("c")

    @pl.when(sid == 0)
    def _():
        pltpu.sync_copy(table_hbm, table_sp)

    plsc.subcore_barrier()
    tcopy = pltpu.make_async_copy(table_sp, table_v, sem_t)
    tcopy.start()

    base_row = pl.multiple_of(wid * _ROWS_PER_W, 8)
    bufs = [ids_a, ids_b]
    sems = [sem_a, sem_b]

    def chunk_copy(c):
        return pltpu.make_async_copy(
            ids_hbm.at[pl.ds(base_row + c * _CHUNK_ROWS, _CHUNK_ROWS), :],
            bufs[c % 2], sems[c % 2])

    chunk_copy(0).start()
    chunk_copy(1).start()

    lane = lax.broadcasted_iota(jnp.int32, (_LANES,), 0)
    tail_mask = lane >= (_LANES - _TAIL)
    zero = jnp.zeros((_LANES,), jnp.float32)

    for c in range(_NCHUNK):
        chunk_copy(c).wait()
        if c == 0:
            tcopy.wait()
        buf = bufs[c % 2]

        def row_body(a, carry, buf=buf):
            for g in range(_GPC):
                r = g * _LANES + a
                acc = zero
                for cc in range(_FULL):
                    ids16 = buf[r, pl.ds(cc * _LANES, _LANES)]
                    acc = acc + plsc.load_gather(table_v, [ids16])
                ids_t = buf[r, pl.ds(L - _LANES, _LANES)]
                vals_t = plsc.load_gather(table_v, [ids_t])
                acc = acc + jnp.where(tail_mask, vals_t, zero)
                tbuf[pl.ds((g * _LANES + a) * _TSTRIDE, _LANES)] = acc
            return carry

        lax.fori_loop(0, _LANES, row_body, 0, unroll=2)

        for g in range(_GPC):
            tot = zero
            for k in range(_LANES):
                tot = tot + plsc.load_gather(
                    tbuf, [(lane + g * _LANES) * _TSTRIDE + k])
            out_v[pl.ds(c * _CHUNK_ROWS + g * _LANES, _LANES)] = tot

        if c + 2 < _NCHUNK:
            chunk_copy(c + 2).start()

    base_out = pl.multiple_of(wid * _ROWS_PER_W, 8)
    pltpu.sync_copy(out_v, out_hbm.at[pl.ds(base_out, _ROWS_PER_W)])


@jax.jit
def kernel(predicted_ids, table):
    mesh = plsc.VectorSubcoreMesh(core_axis_name="c", subcore_axis_name="s")
    f = functools.partial(
        pl.kernel, mesh=mesh,
        compiler_params=pltpu.CompilerParams(needs_layout_passes=False),
        out_type=jax.ShapeDtypeStruct((B,), jnp.float32),
        scratch_types=[
            pltpu.VMEM_SHARED((VOCAB,), jnp.float32),
            pltpu.VMEM((VOCAB,), jnp.float32),
            pltpu.VMEM((_CHUNK_ROWS, L), jnp.int32),
            pltpu.VMEM((_CHUNK_ROWS, L), jnp.int32),
            pltpu.VMEM(((_CHUNK_ROWS - 1) * _TSTRIDE + _LANES,), jnp.float32),
            pltpu.VMEM((_ROWS_PER_W,), jnp.float32),
            pltpu.SemaphoreType.DMA,
            pltpu.SemaphoreType.DMA,
            pltpu.SemaphoreType.DMA,
        ],
    )(_sc_body)
    return f(predicted_ids, table)

# --- scband reference (transcript-rebuilt; emitter-appended) ---
"""Pipeline reference for scband-postprocessor-73272142069767 (READ-ONLY COPY).

The authoritative reference and input builder live on the scoring server;
editing this copy changes nothing except your own understanding.
"""

import jax, jax.numpy as jnp
import numpy as np

VOCAB = 100000
B = 4096
L = 200

def setup_inputs(seed: int = 0) -> dict:
    key = jax.random.key(seed)
    k1, k2 = jax.random.split(key)
    # predicted ids into the vocab table (line numbers of the vocab file)
    predicted_ids = jax.random.randint(k1, (B, L), 0, VOCAB, dtype=jnp.int32)
    # The original layer maps each id to a string (a line of the vocab file)
    # via a StaticHashTable keyed by LINE_NUMBER. Strings are not expressible
    # in JAX arrays, so the table is materialized as a numeric code per vocab
    # entry; the lookup structure (gather by id) is identical.
    table = jax.random.uniform(k2, (VOCAB,), dtype=jnp.float32)
    return {"predicted_ids": predicted_ids, "table": table}

def reference(predicted_ids, table):
    # indices_table.lookup(tf.cast(predicted_ids, tf.int64)) -> gather rows
    chars_decoded = jnp.take(table, predicted_ids.astype(jnp.int32), axis=0)  # [B, L]
    # tf.strings.reduce_join(..., axis=1) -> reduction along the sequence axis
    sentence_decoded = jnp.sum(chars_decoded, axis=1)  # [B]
    return sentence_decoded

if __name__ == "__main__":
    import jax
    _d = setup_inputs()
    print(jax.jit(kernel)(*tuple(_d.values())))

</pallas_src>

<mosaic_0001>
#map = affine_map<(d0, d1) -> (0, 0)>
#map1 = affine_map<(d0, d1) -> (0)>
module attributes {stable_mosaic.version = 14 : i64} {
  func.func @_sc_body(%arg0: i32, %arg1: i32, %arg2: memref<4096x200xi32, #tpu.memory_space<hbm>>, %arg3: memref<100000xf32, #tpu.memory_space<hbm>>, %arg4: memref<4096xf32, #tpu.memory_space<hbm>>, %arg5: memref<100000xf32, #tpu.memory_space<vmem_shared>>, %arg6: memref<100000xf32, #tpu.memory_space<vmem>>, %arg7: memref<32x200xi32, #tpu.memory_space<vmem>>, %arg8: memref<32x200xi32, #tpu.memory_space<vmem>>, %arg9: memref<543xf32, #tpu.memory_space<vmem>>, %arg10: memref<128xf32, #tpu.memory_space<vmem>>, %arg11: memref<!tpu.dma_semaphore, #tpu.memory_space<semaphore_mem>>, %arg12: memref<!tpu.dma_semaphore, #tpu.memory_space<semaphore_mem>>, %arg13: memref<!tpu.dma_semaphore, #tpu.memory_space<semaphore_mem>>) attributes {dimension_semantics = [#tpu.dimension_semantics<core_parallel>, #tpu.dimension_semantics<subcore_parallel>], iteration_bounds = array<i64: 2, 16>, scalar_prefetch = 0 : i64, scratch_operands = 9 : i64, tpu.core_type = #tpu.core_type<sc_vector_subcore>, window_params = [{transform_indices = #map}, {transform_indices = #map1}, {transform_indices = #map1}]} {
    %mul3A = arith.constant 2 : i32
    %mul3A_0 = arith.muli %arg1, %mul3A : i32
    %add3A = arith.addi %mul3A_0, %arg0 : i32
    %eq3A = arith.constant 0 : i32
    %eq3A_1 = arith.cmpi eq, %arg1, %eq3A : i32
    %convert_element_type3A = arith.extui %eq3A_1 : i1 to i32
    %cond3A = arith.constant 0 : i32
    %cond3A_2 = arith.cmpi ne, %convert_element_type3A, %cond3A : i32
    scf.if %cond3A_2 {
      "tpu.region"() ({
        %run_scoped3A = tpu.sem_alloc : memref<!tpu.dma_semaphore, #tpu.memory_space<semaphore_mem>>
        tpu.enqueue_dma source(%arg3 : memref<100000xf32, #tpu.memory_space<hbm>>) target(%arg5 : memref<100000xf32, #tpu.memory_space<vmem_shared>>) target_semaphore(%run_scoped3A : memref<!tpu.dma_semaphore, #tpu.memory_space<semaphore_mem>>)
        tpu.wait_dma2 semaphore(%run_scoped3A : memref<!tpu.dma_semaphore, #tpu.memory_space<semaphore_mem>>) src(%arg3 : memref<100000xf32, #tpu.memory_space<hbm>>) dst(%arg5 : memref<100000xf32, #tpu.memory_space<vmem_shared>>)
        tpu.yield
      }) : () -> ()
    } else {
    }
    %barrier3A = arith.constant 0 : index
    tpu.barrier barrier_id(%barrier3A)
    tpu.enqueue_dma source(%arg5 : memref<100000xf32, #tpu.memory_space<vmem_shared>>) target(%arg6 : memref<100000xf32, #tpu.memory_space<vmem>>) target_semaphore(%arg11 : memref<!tpu.dma_semaphore, #tpu.memory_space<semaphore_mem>>)
    %mul3A_3 = arith.constant 128 : i32
    %mul3A_4 = arith.muli %add3A, %mul3A_3 : i32
    %multiple_of3A = tpu.assume_multiple %mul3A_4, 8 : i32
    %add3A_5 = arith.constant 0 : i32
    %add3A_6 = arith.addi %multiple_of3A, %add3A_5 : i32
    %dma_start3A = arith.constant 0 : i32
    %dma_start3A_7 = tpu.memref_slice %arg2[%add3A_6, %dma_start3A] : memref<4096x200xi32, #tpu.memory_space<hbm>> -> memref<32x200xi32, #tpu.memory_space<hbm>>
    %dma_start3A_8 = arith.constant 0 : i32
    %dma_start3A_9 = tpu.memref_slice %arg2[%add3A_6, %dma_start3A_8] : memref<4096x200xi32, #tpu.memory_space<hbm>> -> memref<32x200xi32, #tpu.memory_space<hbm>>
    tpu.enqueue_dma source(%dma_start3A_9 : memref<32x200xi32, #tpu.memory_space<hbm>>) target(%arg7 : memref<32x200xi32, #tpu.memory_space<vmem>>) target_semaphore(%arg12 : memref<!tpu.dma_semaphore, #tpu.memory_space<semaphore_mem>>)
    %add3A_10 = arith.constant 32 : i32
    %add3A_11 = arith.addi %multiple_of3A, %add3A_10 : i32
    %dma_start3A_12 = arith.constant 0 : i32
    %dma_start3A_13 = tpu.memref_slice %arg2[%add3A_11, %dma_start3A_12] : memref<4096x200xi32, #tpu.memory_space<hbm>> -> memref<32x200xi32, #tpu.memory_space<hbm>>
    %dma_start3A_14 = arith.constant 0 : i32
    %dma_start3A_15 = tpu.memref_slice %arg2[%add3A_11, %dma_start3A_14] : memref<4096x200xi32, #tpu.memory_space<hbm>> -> memref<32x200xi32, #tpu.memory_space<hbm>>
    tpu.enqueue_dma source(%dma_start3A_15 : memref<32x200xi32, #tpu.memory_space<hbm>>) target(%arg8 : memref<32x200xi32, #tpu.memory_space<vmem>>) target_semaphore(%arg13 : memref<!tpu.dma_semaphore, #tpu.memory_space<semaphore_mem>>)
    %iota3A = tpu.iota {dimensions = array<i32: 0>} : vector<16xi32>
    %ge3A = arith.constant 8 : i32
    %ge3A_16 = vector.broadcast %ge3A : i32 to vector<16xi32>
    %ge3A_17 = arith.cmpi sge, %iota3A, %ge3A_16 : vector<16xi32>
    %broadcast_in_dim3A = arith.constant 0.000000e+00 : f32
    %broadcast_in_dim3A_18 = vector.broadcast %broadcast_in_dim3A : f32 to vector<16xf32>
    %add3A_19 = arith.constant 0 : i32
    %add3A_20 = arith.addi %multiple_of3A, %add3A_19 : i32
    %dma_wait3A = arith.constant 0 : i32
    %dma_wait3A_21 = tpu.memref_slice %arg2[%add3A_20, %dma_wait3A] : memref<4096x200xi32, #tpu.memory_space<hbm>> -> memref<32x200xi32, #tpu.memory_space<hbm>>
    %dma_wait3A_22 = arith.constant 0 : i32
    %dma_wait3A_23 = tpu.memref_slice %arg2[%add3A_20, %dma_wait3A_22] : memref<4096x200xi32, #tpu.memory_space<hbm>> -> memref<32x200xi32, #tpu.memory_space<hbm>>
    tpu.wait_dma2 semaphore(%arg12 : memref<!tpu.dma_semaphore, #tpu.memory_space<semaphore_mem>>) src(%dma_wait3A_23 : memref<32x200xi32, #tpu.memory_space<hbm>>) dst(%arg7 : memref<32x200xi32, #tpu.memory_space<vmem>>)
    tpu.wait_dma2 semaphore(%arg11 : memref<!tpu.dma_semaphore, #tpu.memory_space<semaphore_mem>>) src(%arg5 : memref<100000xf32, #tpu.memory_space<vmem_shared>>) dst(%arg6 : memref<100000xf32, #tpu.memory_space<vmem>>)
    %scan3A = arith.constant 0 : i32
    %scan3A_24 = arith.constant 0 : i32
    %scan3A_25 = arith.constant 16 : i32
    %scan3A_26 = arith.addi %scan3A_24, %scan3A_25 : i32
    %scan3A_27 = arith.constant 2 : i32
    scf.for %scan3A_1502 = %scan3A_24 to %scan3A_26 step %scan3A_27  : i32 {
      %add3A_1503 = arith.constant 0 : i32
      %add3A_1504 = arith.addi %add3A_1503, %scan3A_1502 : i32
      %get3A = arith.index_cast %add3A_1504 : i32 to index
      %get3A_1505 = arith.constant 0 : index
      %get3A_1506 = tpu.vector_load %arg7[%get3A, %get3A_1505] {strides = array<i32>} : memref<32x200xi32, #tpu.memory_space<vmem>>, vector<16xi32>,
      %gather3A_1507 = tpu.vector_load_idx %arg6[%get3A_1506] : memref<100000xf32, #tpu.memory_space<vmem>>[vector<16xi32>], vector<16xf32>,
      %add3A_1508 = arith.addf %broadcast_in_dim3A_18, %gather3A_1507 : vector<16xf32>
      %get3A_1509 = arith.index_cast %add3A_1504 : i32 to index
      %get3A_1510 = arith.constant 16 : index
      %get3A_1511 = tpu.vector_load %arg7[%get3A_1509, %get3A_1510] {strides = array<i32>} : memref<32x200xi32, #tpu.memory_space<vmem>>, vector<16xi32>,
      %gather3A_1512 = tpu.vector_load_idx %arg6[%get3A_1511] : memref<100000xf32, #tpu.memory_space<vmem>>[vector<16xi32>], vector<16xf32>,
      %add3A_1513 = arith.addf %add3A_1508, %gather3A_1512 : vector<16xf32>
      %get3A_1514 = arith.index_cast %add3A_1504 : i32 to index
      %get3A_1515 = arith.constant 32 : index
      %get3A_1516 = tpu.vector_load %arg7[%get3A_1514, %get3A_1515] {strides = array<i32>} : memref<32x200xi32, #tpu.memory_space<vmem>>, vector<16xi32>,
      %gather3A_1517 = tpu.vector_load_idx %arg6[%get3A_1516] : memref<100000xf32, #tpu.memory_space<vmem>>[vector<16xi32>], vector<16xf32>,
      %add3A_1518 = arith.addf %add3A_1513, %gather3A_1517 : vector<16xf32>
      %get3A_1519 = arith.index_cast %add3A_1504 : i32 to index
      %get3A_1520 = arith.constant 48 : index
      %get3A_1521 = tpu.vector_load %arg7[%get3A_1519, %get3A_1520] {strides = array<i32>} : memref<32x200xi32, #tpu.memory_space<vmem>>, vector<16xi32>,
      %gather3A_1522 = tpu.vector_load_idx %arg6[%get3A_1521] : memref<100000xf32, #tpu.memory_space<vmem>>[vector<16xi32>], vector<16xf32>,
      %add3A_1523 = arith.addf %add3A_1518, %gather3A_1522 : vector<16xf32>
      %get3A_1524 = arith.index_cast %add3A_1504 : i32 to index
      %get3A_1525 = arith.constant 64 : index
      %get3A_1526 = tpu.vector_load %arg7[%get3A_1524, %get3A_1525] {strides = array<i32>} : memref<32x200xi32, #tpu.memory_space<vmem>>, vector<16xi32>,
      %gather3A_1527 = tpu.vector_load_idx %arg6[%get3A_1526] : memref<100000xf32, #tpu.memory_space<vmem>>[vector<16xi32>], vector<16xf32>,
      %add3A_1528 = arith.addf %add3A_1523, %gather3A_1527 : vector<16xf32>
      %get3A_1529 = arith.index_cast %add3A_1504 : i32 to index
      %get3A_1530 = arith.constant 80 : index
      %get3A_1531 = tpu.vector_load %arg7[%get3A_1529, %get3A_1530] {strides = array<i32>} : memref<32x200xi32, #tpu.memory_space<vmem>>, vector<16xi32>,
      %gather3A_1532 = tpu.vector_load_idx %arg6[%get3A_1531] : memref<100000xf32, #tpu.memory_space<vmem>>[vector<16xi32>], vector<16xf32>,
      %add3A_1533 = arith.addf %add3A_1528, %gather3A_1532 : vector<16xf32>
      %get3A_1534 = arith.index_cast %add3A_1504 : i32 to index
      %get3A_1535 = arith.constant 96 : index
      %get3A_1536 = tpu.vector_load %arg7[%get3A_1534, %get3A_1535] {strides = array<i32>} : memref<32x200xi32, #tpu.memory_space<vmem>>, vector<16xi32>,
      %gather3A_1537 = tpu.vector_load_idx %arg6[%get3A_1536] : memref<100000xf32, #tpu.memory_space<vmem>>[vector<16xi32>], vector<16xf32>,
      %add3A_1538 = arith.addf %add3A_1533, %gather3A_1537 : vector<16xf32>
      %get3A_1539 = arith.index_cast %add3A_1504 : i32 to index
      %get3A_1540 = arith.constant 112 : index
      %get3A_1541 = tpu.vector_load %arg7[%get3A_1539, %get3A_1540] {strides = array<i32>} : memref<32x200xi32, #tpu.memory_space<vmem>>, vector<16xi32>,
      %gather3A_1542 = tpu.vector_load_idx %arg6[%get3A_1541] : memref<100000xf32, #tpu.memory_space<vmem>>[vector<16xi32>], vector<16xf32>,
      %add3A_1543 = arith.addf %add3A_1538, %gather3A_1542 : vector<16xf32>
      %get3A_1544 = arith.index_cast %add3A_1504 : i32 to index
      %get3A_1545 = arith.constant 128 : index
      %get3A_1546 = tpu.vector_load %arg7[%get3A_1544, %get3A_1545] {strides = array<i32>} : memref<32x200xi32, #tpu.memory_space<vmem>>, vector<16xi32>,
      %gather3A_1547 = tpu.vector_load_idx %arg6[%get3A_1546] : memref<100000xf32, #tpu.memory_space<vmem>>[vector<16xi32>], vector<16xf32>,
      %add3A_1548 = arith.addf %add3A_1543, %gather3A_1547 : vector<16xf32>
      %get3A_1549 = arith.index_cast %add3A_1504 : i32 to index
      %get3A_1550 = arith.constant 144 : index
      %get3A_1551 = tpu.vector_load %arg7[%get3A_1549, %get3A_1550] {strides = array<i32>} : memref<32x200xi32, #tpu.memory_space<vmem>>, vector<16xi32>,
      %gather3A_1552 = tpu.vector_load_idx %arg6[%get3A_1551] : memref<100000xf32, #tpu.memory_space<vmem>>[vector<16xi32>], vector<16xf32>,
      %add3A_1553 = arith.addf %add3A_1548, %gather3A_1552 : vector<16xf32>
      %get3A_1554 = arith.index_cast %add3A_1504 : i32 to index
      %get3A_1555 = arith.constant 160 : index
      %get3A_1556 = tpu.vector_load %arg7[%get3A_1554, %get3A_1555] {strides = array<i32>} : memref<32x200xi32, #tpu.memory_space<vmem>>, vector<16xi32>,
      %gather3A_1557 = tpu.vector_load_idx %arg6[%get3A_1556] : memref<100000xf32, #tpu.memory_space<vmem>>[vector<16xi32>], vector<16xf32>,
      %add3A_1558 = arith.addf %add3A_1553, %gather3A_1557 : vector<16xf32>
      %get3A_1559 = arith.index_cast %add3A_1504 : i32 to index
      %get3A_1560 = arith.constant 176 : index
      %get3A_1561 = tpu.vector_load %arg7[%get3A_1559, %get3A_1560] {strides = array<i32>} : memref<32x200xi32, #tpu.memory_space<vmem>>, vector<16xi32>,
      %gather3A_1562 = tpu.vector_load_idx %arg6[%get3A_1561] : memref<100000xf32, #tpu.memory_space<vmem>>[vector<16xi32>], vector<16xf32>,
      %add3A_1563 = arith.addf %add3A_1558, %gather3A_1562 : vector<16xf32>
      %get3A_1564 = arith.index_cast %add3A_1504 : i32 to index
      %get3A_1565 = arith.constant 184 : index
      %get3A_1566 = tpu.vector_load %arg7[%get3A_1564, %get3A_1565] {strides = array<i32>} : memref<32x200xi32, #tpu.memory_space<vmem>>, vector<16xi32>,
      %gather3A_1567 = tpu.vector_load_idx %arg6[%get3A_1566] : memref<100000xf32, #tpu.memory_space<vmem>>[vector<16xi32>], vector<16xf32>,
      %select_n3A = arith.select %ge3A_17, %gather3A_1567, %broadcast_in_dim3A_18 : vector<16xi1>, vector<16xf32>
      %add3A_1568 = arith.addf %add3A_1563, %select_n3A : vector<16xf32>
      %add3A_1569 = arith.constant 0 : i32
      %add3A_1570 = arith.addi %add3A_1569, %scan3A_1502 : i32
      %mul3A_1571 = arith.constant 17 : i32
      %mul3A_1572 = arith.muli %add3A_1570, %mul3A_1571 : i32
      %swap3A_1573 = arith.index_cast %mul3A_1572 : i32 to index
      %swap3A_1574 = tpu.vector_load %arg9[%swap3A_1573] {strides = array<i32>} : memref<543xf32, #tpu.memory_space<vmem>>, vector<16xf32>,
      tpu.vector_store %arg9[%swap3A_1573], %add3A_1568 {strides = array<i32>} : memref<543xf32, #tpu.memory_space<vmem>>, vector<16xf32>,
      %add3A_1575 = arith.constant 16 : i32
      %add3A_1576 = arith.addi %add3A_1575, %scan3A_1502 : i32
      %get3A_1577 = arith.index_cast %add3A_1576 : i32 to index
      %get3A_1578 = arith.constant 0 : index
      %get3A_1579 = tpu.vector_load %arg7[%get3A_1577, %get3A_1578] {strides = array<i32>} : memref<32x200xi32, #tpu.memory_space<vmem>>, vector<16xi32>,
      %gather3A_1580 = tpu.vector_load_idx %arg6[%get3A_1579] : memref<100000xf32, #tpu.memory_space<vmem>>[vector<16xi32>], vector<16xf32>,
      %add3A_1581 = arith.addf %broadcast_in_dim3A_18, %gather3A_1580 : vector<16xf32>
      %get3A_1582 = arith.index_cast %add3A_1576 : i32 to index
      %get3A_1583 = arith.constant 16 : index
      %get3A_1584 = tpu.vector_load %arg7[%get3A_1582, %get3A_1583] {strides = array<i32>} : memref<32x200xi32, #tpu.memory_space<vmem>>, vector<16xi32>,
      %gather3A_1585 = tpu.vector_load_idx %arg6[%get3A_1584] : memref<100000xf32, #tpu.memory_space<vmem>>[vector<16xi32>], vector<16xf32>,
      %add3A_1586 = arith.addf %add3A_1581, %gather3A_1585 : vector<16xf32>
      %get3A_1587 = arith.index_cast %add3A_1576 : i32 to index
      %get3A_1588 = arith.constant 32 : index
      %get3A_1589 = tpu.vector_load %arg7[%get3A_1587, %get3A_1588] {strides = array<i32>} : memref<32x200xi32, #tpu.memory_space<vmem>>, vector<16xi32>,
      %gather3A_1590 = tpu.vector_load_idx %arg6[%get3A_1589] : memref<100000xf32, #tpu.memory_space<vmem>>[vector<16xi32>], vector<16xf32>,
      %add3A_1591 = arith.addf %add3A_1586, %gather3A_1590 : vector<16xf32>
      %get3A_1592 = arith.index_cast %add3A_1576 : i32 to index
      %get3A_1593 = arith.constant 48 : index
      %get3A_1594 = tpu.vector_load %arg7[%get3A_1592, %get3A_1593] {strides = array<i32>} : memref<32x200xi32, #tpu.memory_space<vmem>>, vector<16xi32>,
      %gather3A_1595 = tpu.vector_load_idx %arg6[%get3A_1594] : memref<100000xf32, #tpu.memory_space<vmem>>[vector<16xi32>], vector<16xf32>,
      %add3A_1596 = arith.addf %add3A_1591, %gather3A_1595 : vector<16xf32>
      %get3A_1597 = arith.index_cast %add3A_1576 : i32 to index
      %get3A_1598 = arith.constant 64 : index
      %get3A_1599 = tpu.vector_load %arg7[%get3A_1597, %get3A_1598] {strides = array<i32>} : memref<32x200xi32, #tpu.memory_space<vmem>>, vector<16xi32>,
      %gather3A_1600 = tpu.vector_load_idx %arg6[%get3A_1599] : memref<100000xf32, #tpu.memory_space<vmem>>[vector<16xi32>], vector<16xf32>,
      %add3A_1601 = arith.addf %add3A_1596, %gather3A_1600 : vector<16xf32>
      %get3A_1602 = arith.index_cast %add3A_1576 : i32 to index
      %get3A_1603 = arith.constant 80 : index
      %get3A_1604 = tpu.vector_load %arg7[%get3A_1602, %get3A_1603] {strides = array<i32>} : memref<32x200xi32, #tpu.memory_space<vmem>>, vector<16xi32>,
      %gather3A_1605 = tpu.vector_load_idx %arg6[%get3A_1604] : memref<100000xf32, #tpu.memory_space<vmem>>[vector<16xi32>], vector<16xf32>,
      %add3A_1606 = arith.addf %add3A_1601, %gather3A_1605 : vector<16xf32>
      %get3A_1607 = arith.index_cast %add3A_1576 : i32 to index
      %get3A_1608 = arith.constant 96 : index
      %get3A_1609 = tpu.vector_load %arg7[%get3A_1607, %get3A_1608] {strides = array<i32>} : memref<32x200xi32, #tpu.memory_space<vmem>>, vector<16xi32>,
      %gather3A_1610 = tpu.vector_load_idx %arg6[%get3A_1609] : memref<100000xf32, #tpu.memory_space<vmem>>[vector<16xi32>], vector<16xf32>,
      %add3A_1611 = arith.addf %add3A_1606, %gather3A_1610 : vector<16xf32>
      %get3A_1612 = arith.index_cast %add3A_1576 : i32 to index
      %get3A_1613 = arith.constant 112 : index
      %get3A_1614 = tpu.vector_load %arg7[%get3A_1612, %get3A_1613] {strides = array<i32>} : memref<32x200xi32, #tpu.memory_space<vmem>>, vector<16xi32>,
      %gather3A_1615 = tpu.vector_load_idx %arg6[%get3A_1614] : memref<100000xf32, #tpu.memory_space<vmem>>[vector<16xi32>], vector<16xf32>,
      %add3A_1616 = arith.addf %add3A_1611, %gather3A_1615 : vector<16xf32>
      %get3A_1617 = arith.index_cast %add3A_1576 : i32 to index
      %get3A_1618 = arith.constant 128 : index
      %get3A_1619 = tpu.vector_load %arg7[%get3A_1617, %get3A_1618] {strides = array<i32>} : memref<32x200xi32, #tpu.memory_space<vmem>>, vector<16xi32>,
      %gather3A_1620 = tpu.vector_load_idx %arg6[%get3A_1619] : memref<100000xf32, #tpu.memory_space<vmem>>[vector<16xi32>], vector<16xf32>,
      %add3A_1621 = arith.addf %add3A_1616, %gather3A_1620 : vector<16xf32>
      %get3A_1622 = arith.index_cast %add3A_1576 : i32 to index
      %get3A_1623 = arith.constant 144 : index
      %get3A_1624 = tpu.vector_load %arg7[%get3A_1622, %get3A_1623] {strides = array<i32>} : memref<32x200xi32, #tpu.memory_space<vmem>>, vector<16xi32>,
      %gather3A_1625 = tpu.vector_load_idx %arg6[%get3A_1624] : memref<100000xf32, #tpu.memory_space<vmem>>[vector<16xi32>], vector<16xf32>,
      %add3A_1626 = arith.addf %add3A_1621, %gather3A_1625 : vector<16xf32>
      %get3A_1627 = arith.index_cast %add3A_1576 : i32 to index
      %get3A_1628 = arith.constant 160 : index
      %get3A_1629 = tpu.vector_load %arg7[%get3A_1627, %get3A_1628] {strides = array<i32>} : memref<32x200xi32, #tpu.memory_space<vmem>>, vector<16xi32>,
      %gather3A_1630 = tpu.vector_load_idx %arg6[%get3A_1629] : memref<100000xf32, #tpu.memory_space<vmem>>[vector<16xi32>], vector<16xf32>,
      %add3A_1631 = arith.addf %add3A_1626, %gather3A_1630 : vector<16xf32>
      %get3A_1632 = arith.index_cast %add3A_1576 : i32 to index
      %get3A_1633 = arith.constant 176 : index
      %get3A_1634 = tpu.vector_load %arg7[%get3A_1632, %get3A_1633] {strides = array<i32>} : memref<32x200xi32, #tpu.memory_space<vmem>>, vector<16xi32>,
      %gather3A_1635 = tpu.vector_load_idx %arg6[%get3A_1634] : memref<100000xf32, #tpu.memory_space<vmem>>[vector<16xi32>], vector<16xf32>,
      %add3A_1636 = arith.addf %add3A_1631, %gather3A_1635 : vector<16xf32>
      %get3A_1637 = arith.index_cast %add3A_1576 : i32 to index
      %get3A_1638 = arith.constant 184 : index
      %get3A_1639 = tpu.vector_load %arg7[%get3A_1637, %get3A_1638] {strides = array<i32>} : memref<32x200xi32, #tpu.memory_space<vmem>>, vector<16xi32>,
      %gather3A_1640 = tpu.vector_load_idx %arg6[%get3A_1639] : memref<100000xf32, #tpu.memory_space<vmem>>[vector<16xi32>], vector<16xf32>,
      %select_n3A_1641 = arith.select %ge3A_17, %gather3A_1640, %broadcast_in_dim3A_18 : vector<16xi1>, vector<16xf32>
      %add3A_1642 = arith.addf %add3A_1636, %select_n3A_1641 : vector<16xf32>
      %add3A_1643 = arith.constant 16 : i32
      %add3A_1644 = arith.addi %add3A_1643, %scan3A_1502 : i32
      %mul3A_1645 = arith.constant 17 : i32
      %mul3A_1646 = arith.muli %add3A_1644, %mul3A_1645 : i32
      %swap3A_1647 = arith.index_cast %mul3A_1646 : i32 to index
      %swap3A_1648 = tpu.vector_load %arg9[%swap3A_1647] {strides = array<i32>} : memref<543xf32, #tpu.memory_space<vmem>>, vector<16xf32>,
      tpu.vector_store %arg9[%swap3A_1647], %add3A_1642 {strides = array<i32>} : memref<543xf32, #tpu.memory_space<vmem>>, vector<16xf32>,
      %scan3A_1649 = arith.constant 1 : i32
      %scan3A_1650 = arith.addi %scan3A_1502, %scan3A_1649 : i32
      %add3A_1651 = arith.constant 0 : i32
      %add3A_1652 = arith.addi %add3A_1651, %scan3A_1650 : i32
      %get3A_1653 = arith.index_cast %add3A_1652 : i32 to index
      %get3A_1654 = arith.constant 0 : index
      %get3A_1655 = tpu.vector_load %arg7[%get3A_1653, %get3A_1654] {strides = array<i32>} : memref<32x200xi32, #tpu.memory_space<vmem>>, vector<16xi32>,
      %gather3A_1656 = tpu.vector_load_idx %arg6[%get3A_1655] : memref<100000xf32, #tpu.memory_space<vmem>>[vector<16xi32>], vector<16xf32>,
      %add3A_1657 = arith.addf %broadcast_in_dim3A_18, %gather3A_1656 : vector<16xf32>
      %get3A_1658 = arith.index_cast %add3A_1652 : i32 to index
      %get3A_1659 = arith.constant 16 : index
      %get3A_1660 = tpu.vector_load %arg7[%get3A_1658, %get3A_1659] {strides = array<i32>} : memref<32x200xi32, #tpu.memory_space<vmem>>, vector<16xi32>,
      %gather3A_1661 = tpu.vector_load_idx %arg6[%get3A_1660] : memref<100000xf32, #tpu.memory_space<vmem>>[vector<16xi32>], vector<16xf32>,
      %add3A_1662 = arith.addf %add3A_1657, %gather3A_1661 : vector<16xf32>
      %get3A_1663 = arith.index_cast %add3A_1652 : i32 to index
      %get3A_1664 = arith.constant 32 : index
      %get3A_1665 = tpu.vector_load %arg7[%get3A_1663, %get3A_1664] {strides = array<i32>} : memref<32x200xi32, #tpu.memory_space<vmem>>, vector<16xi32>,
      %gather3A_1666 = tpu.vector_load_idx %arg6[%get3A_1665] : memref<100000xf32, #tpu.memory_space<vmem>>[vector<16xi32>], vector<16xf32>,
      %add3A_1667 = arith.addf %add3A_1662, %gather3A_1666 : vector<16xf32>
      %get3A_1668 = arith.index_cast %add3A_1652 : i32 to index
      %get3A_1669 = arith.constant 48 : index
      %get3A_1670 = tpu.vector_load %arg7[%get3A_1668, %get3A_1669] {strides = array<i32>} : memref<32x200xi32, #tpu.memory_space<vmem>>, vector<16xi32>,
      %gather3A_1671 = tpu.vector_load_idx %arg6[%get3A_1670] : memref<100000xf32, #tpu.memory_space<vmem>>[vector<16xi32>], vector<16xf32>,
      %add3A_1672 = arith.addf %add3A_1667, %gather3A_1671 : vector<16xf32>
      %get3A_1673 = arith.index_cast %add3A_1652 : i32 to index
      %get3A_1674 = arith.constant 64 : index
      %get3A_1675 = tpu.vector_load %arg7[%get3A_1673, %get3A_1674] {strides = array<i32>} : memref<32x200xi32, #tpu.memory_space<vmem>>, vector<16xi32>,
      %gather3A_1676 = tpu.vector_load_idx %arg6[%get3A_1675] : memref<100000xf32, #tpu.memory_space<vmem>>[vector<16xi32>], vector<16xf32>,
      %add3A_1677 = arith.addf %add3A_1672, %gather3A_1676 : vector<16xf32>
      %get3A_1678 = arith.index_cast %add3A_1652 : i32 to index
      %get3A_1679 = arith.constant 80 : index
      %get3A_1680 = tpu.vector_load %arg7[%get3A_1678, %get3A_1679] {strides = array<i32>} : memref<32x200xi32, #tpu.memory_space<vmem>>, vector<16xi32>,
      %gather3A_1681 = tpu.vector_load_idx %arg6[%get3A_1680] : memref<100000xf32, #tpu.memory_space<vmem>>[vector<16xi32>], vector<16xf32>,
      %add3A_1682 = arith.addf %add3A_1677, %gather3A_1681 : vector<16xf32>
      %get3A_1683 = arith.index_cast %add3A_1652 : i32 to index
      %get3A_1684 = arith.constant 96 : index
      %get3A_1685 = tpu.vector_load %arg7[%get3A_1683, %get3A_1684] {strides = array<i32>} : memref<32x200xi32, #tpu.memory_space<vmem>>, vector<16xi32>,
      %gather3A_1686 = tpu.vector_load_idx %arg6[%get3A_1685] : memref<100000xf32, #tpu.memory_space<vmem>>[vector<16xi32>], vector<16xf32>,
      %add3A_1687 = arith.addf %add3A_1682, %gather3A_1686 : vector<16xf32>
      %get3A_1688 = arith.index_cast %add3A_1652 : i32 to index
      %get3A_1689 = arith.constant 112 : index
      %get3A_1690 = tpu.vector_load %arg7[%get3A_1688, %get3A_1689] {strides = array<i32>} : memref<32x200xi32, #tpu.memory_space<vmem>>, vector<16xi32>,
      %gather3A_1691 = tpu.vector_load_idx %arg6[%get3A_1690] : memref<100000xf32, #tpu.memory_space<vmem>>[vector<16xi32>], vector<16xf32>,
      %add3A_1692 = arith.addf %add3A_1687, %gather3A_1691 : vector<16xf32>
      %get3A_1693 = arith.index_cast %add3A_1652 : i32 to index
      %get3A_1694 = arith.constant 128 : index
      %get3A_1695 = tpu.vector_load %arg7[%get3A_1693, %get3A_1694] {strides = array<i32>} : memref<32x200xi32, #tpu.memory_space<vmem>>, vector<16xi32>,
      %gather3A_1696 = tpu.vector_load_idx %arg6[%get3A_1695] : memref<100000xf32, #tpu.memory_space<vmem>>[vector<16xi32>], vector<16xf32>,
      %add3A_1697 = arith.addf %add3A_1692, %gather3A_1696 : vector<16xf32>
      %get3A_1698 = arith.index_cast %add3A_1652 : i32 to index
      %get3A_1699 = arith.constant 144 : index
      %get3A_1700 = tpu.vector_load %arg7[%get3A_1698, %get3A_1699] {strides = array<i32>} : memref<32x200xi32, #tpu.memory_space<vmem>>, vector<16xi32>,
      %gather3A_1701 = tpu.vector_load_idx %arg6[%get3A_1700] : memref<100000xf32, #tpu.memory_space<vmem>>[vector<16xi32>], vector<16xf32>,
      %add3A_1702 = arith.addf %add3A_1697, %gather3A_1701 : vector<16xf32>
      %get3A_1703 = arith.index_cast %add3A_1652 : i32 to index
      %get3A_1704 = arith.constant 160 : index
      %get3A_1705 = tpu.vector_load %arg7[%get3A_1703, %get3A_1704] {strides = array<i32>} : memref<32x200xi32, #tpu.memory_space<vmem>>, vector<16xi32>,
      %gather3A_1706 = tpu.vector_load_idx %arg6[%get3A_1705] : memref<100000xf32, #tpu.memory_space<vmem>>[vector<16xi32>], vector<16xf32>,
      %add3A_1707 = arith.addf %add3A_1702, %gather3A_1706 : vector<16xf32>
      %get3A_1708 = arith.index_cast %add3A_1652 : i32 to index
      %get3A_1709 = arith.constant 176 : index
      %get3A_1710 = tpu.vector_load %arg7[%get3A_1708, %get3A_1709] {strides = array<i32>} : memref<32x200xi32, #tpu.memory_space<vmem>>, vector<16xi32>,
      %gather3A_1711 = tpu.vector_load_idx %arg6[%get3A_1710] : memref<100000xf32, #tpu.memory_space<vmem>>[vector<16xi32>], vector<16xf32>,
      %add3A_1712 = arith.addf %add3A_1707, %gather3A_1711 : vector<16xf32>
      %get3A_1713 = arith.index_cast %add3A_1652 : i32 to index
      %get3A_1714 = arith.constant 184 : index
      %get3A_1715 = tpu.vector_load %arg7[%get3A_1713, %get3A_1714] {strides = array<i32>} : memref<32x200xi32, #tpu.memory_space<vmem>>, vector<16xi32>,
      %gather3A_1716 = tpu.vector_load_idx %arg6[%get3A_1715] : memref<100000xf32, #tpu.memory_space<vmem>>[vector<16xi32>], vector<16xf32>,
      %select_n3A_1717 = arith.select %ge3A_17, %gather3A_1716, %broadcast_in_dim3A_18 : vector<16xi1>, vector<16xf32>
      %add3A_1718 = arith.addf %add3A_1712, %select_n3A_1717 : vector<16xf32>
      %add3A_1719 = arith.constant 0 : i32
      %add3A_1720 = arith.addi %add3A_1719, %scan3A_1650 : i32
      %mul3A_1721 = arith.constant 17 : i32
      %mul3A_1722 = arith.muli %add3A_1720, %mul3A_1721 : i32
      %swap3A_1723 = arith.index_cast %mul3A_1722 : i32 to index
      %swap3A_1724 = tpu.vector_load %arg9[%swap3A_1723] {strides = array<i32>} : memref<543xf32, #tpu.memory_space<vmem>>, vector<16xf32>,
      tpu.vector_store %arg9[%swap3A_1723], %add3A_1718 {strides = array<i32>} : memref<543xf32, #tpu.memory_space<vmem>>, vector<16xf32>,
      %add3A_1725 = arith.constant 16 : i32
      %add3A_1726 = arith.addi %add3A_1725, %scan3A_1650 : i32
      %get3A_1727 = arith.index_cast %add3A_1726 : i32 to index
      %get3A_1728 = arith.constant 0 : index
      %get3A_1729 = tpu.vector_load %arg7[%get3A_1727, %get3A_1728] {strides = array<i32>} : memref<32x200xi32, #tpu.memory_space<vmem>>, vector<16xi32>,
      %gather3A_1730 = tpu.vector_load_idx %arg6[%get3A_1729] : memref<100000xf32, #tpu.memory_space<vmem>>[vector<16xi32>], vector<16xf32>,
      %add3A_1731 = arith.addf %broadcast_in_dim3A_18, %gather3A_1730 : vector<16xf32>
      %get3A_1732 = arith.index_cast %add3A_1726 : i32 to index
      %get3A_1733 = arith.constant 16 : index
      %get3A_1734 = tpu.vector_load %arg7[%get3A_1732, %get3A_1733] {strides = array<i32>} : memref<32x200xi32, #tpu.memory_space<vmem>>, vector<16xi32>,
      %gather3A_1735 = tpu.vector_load_idx %arg6[%get3A_1734] : memref<100000xf32, #tpu.memory_space<vmem>>[vector<16xi32>], vector<16xf32>,
      %add3A_1736 = arith.addf %add3A_1731, %gather3A_1735 : vector<16xf32>
      %get3A_1737 = arith.index_cast %add3A_1726 : i32 to index
      %get3A_1738 = arith.constant 32 : index
      %get3A_1739 = tpu.vector_load %arg7[%get3A_1737, %get3A_1738] {strides = array<i32>} : memref<32x200xi32, #tpu.memory_space<vmem>>, vector<16xi32>,
      %gather3A_1740 = tpu.vector_load_idx %arg6[%get3A_1739] : memref<100000xf32, #tpu.memory_space<vmem>>[vector<16xi32>], vector<16xf32>,
      %add3A_1741 = arith.addf %add3A_1736, %gather3A_1740 : vector<16xf32>
      %get3A_1742 = arith.index_cast %add3A_1726 : i32 to index
      %get3A_1743 = arith.constant 48 : index
      %get3A_1744 = tpu.vector_load %arg7[%get3A_1742, %get3A_1743] {strides = array<i32>} : memref<32x200xi32, #tpu.memory_space<vmem>>, vector<16xi32>,
      %gather3A_1745 = tpu.vector_load_idx %arg6[%get3A_1744] : memref<100000xf32, #tpu.memory_space<vmem>>[vector<16xi32>], vector<16xf32>,
      %add3A_1746 = arith.addf %add3A_1741, %gather3A_1745 : vector<16xf32>
      %get3A_1747 = arith.index_cast %add3A_1726 : i32 to index
      %get3A_1748 = arith.constant 64 : index
      %get3A_1749 = tpu.vector_load %arg7[%get3A_1747, %get3A_1748] {strides = array<i32>} : memref<32x200xi32, #tpu.memory_space<vmem>>, vector<16xi32>,
      %gather3A_1750 = tpu.vector_load_idx %arg6[%get3A_1749] : memref<100000xf32, #tpu.memory_space<vmem>>[vector<16xi32>], vector<16xf32>,
      %add3A_1751 = arith.addf %add3A_1746, %gather3A_1750 : vector<16xf32>
      %get3A_1752 = arith.index_cast %add3A_1726 : i32 to index
      %get3A_1753 = arith.constant 80 : index
      %get3A_1754 = tpu.vector_load %arg7[%get3A_1752, %get3A_1753] {strides = array<i32>} : memref<32x200xi32, #tpu.memory_space<vmem>>, vector<16xi32>,
      %gather3A_1755 = tpu.vector_load_idx %arg6[%get3A_1754] : memref<100000xf32, #tpu.memory_space<vmem>>[vector<16xi32>], vector<16xf32>,
      %add3A_1756 = arith.addf %add3A_1751, %gather3A_1755 : vector<16xf32>
      %get3A_1757 = arith.index_cast %add3A_1726 : i32 to index
      %get3A_1758 = arith.constant 96 : index
      %get3A_1759 = tpu.vector_load %arg7[%get3A_1757, %get3A_1758] {strides = array<i32>} : memref<32x200xi32, #tpu.memory_space<vmem>>, vector<16xi32>,
      %gather3A_1760 = tpu.vector_load_idx %arg6[%get3A_1759] : memref<100000xf32, #tpu.memory_space<vmem>>[vector<16xi32>], vector<16xf32>,
      %add3A_1761 = arith.addf %add3A_1756, %gather3A_1760 : vector<16xf32>
      %get3A_1762 = arith.index_cast %add3A_1726 : i32 to index
      %get3A_1763 = arith.constant 112 : index
      %get3A_1764 = tpu.vector_load %arg7[%get3A_1762, %get3A_1763] {strides = array<i32>} : memref<32x200xi32, #tpu.memory_space<vmem>>, vector<16xi32>,
      %gather3A_1765 = tpu.vector_load_idx %arg6[%get3A_1764] : memref<100000xf32, #tpu.memory_space<vmem>>[vector<16xi32>], vector<16xf32>,
      %add3A_1766 = arith.addf %add3A_1761, %gather3A_1765 : vector<16xf32>
      %get3A_1767 = arith.index_cast %add3A_1726 : i32 to index
      %get3A_1768 = arith.constant 128 : index
      %get3A_1769 = tpu.vector_load %arg7[%get3A_1767, %get3A_1768] {strides = array<i32>} : memref<32x200xi32, #tpu.memory_space<vmem>>, vector<16xi32>,
      %gather3A_1770 = tpu.vector_load_idx %arg6[%get3A_1769] : memref<100000xf32, #tpu.memory_space<vmem>>[vector<16xi32>], vector<16xf32>,
      %add3A_1771 = arith.addf %add3A_1766, %gather3A_1770 : vector<16xf32>
      %get3A_1772 = arith.index_cast %add3A_1726 : i32 to index
      %get3A_1773 = arith.constant 144 : index
      %get3A_1774 = tpu.vector_load %arg7[%get3A_1772, %get3A_1773] {strides = array<i32>} : memref<32x200xi32, #tpu.memory_space<vmem>>, vector<16xi32>,
      %gather3A_1775 = tpu.vector_load_idx %arg6[%get3A_1774] : memref<100000xf32, #tpu.memory_space<vmem>>[vector<16xi32>], vector<16xf32>,
      %add3A_1776 = arith.addf %add3A_1771, %gather3A_1775 : vector<16xf32>
      %get3A_1777 = arith.index_cast %add3A_1726 : i32 to index
      %get3A_1778 = arith.constant 160 : index
      %get3A_1779 = tpu.vector_load %arg7[%get3A_1777, %get3A_1778] {strides = array<i32>} : memref<32x200xi32, #tpu.memory_space<vmem>>, vector<16xi32>,
      %gather3A_1780 = tpu.vector_load_idx %arg6[%get3A_1779] : memref<100000xf32, #tpu.memory_space<vmem>>[vector<16xi32>], vector<16xf32>,
      %add3A_1781 = arith.addf %add3A_1776, %gather3A_1780 : vector<16xf32>
      %get3A_1782 = arith.index_cast %add3A_1726 : i32 to index
      %get3A_1783 = arith.constant 176 : index
      %get3A_1784 = tpu.vector_load %arg7[%get3A_1782, %get3A_1783] {strides = array<i32>} : memref<32x200xi32, #tpu.memory_space<vmem>>, vector<16xi32>,
      %gather3A_1785 = tpu.vector_load_idx %arg6[%get3A_1784] : memref<100000xf32, #tpu.memory_space<vmem>>[vector<16xi32>], vector<16xf32>,
      %add3A_1786 = arith.addf %add3A_1781, %gather3A_1785 : vector<16xf32>
      %get3A_1787 = arith.index_cast %add3A_1726 : i32 to index
      %get3A_1788 = arith.constant 184 : index
      %get3A_1789 = tpu.vector_load %arg7[%get3A_1787, %get3A_1788] {strides = array<i32>} : memref<32x200xi32, #tpu.memory_space<vmem>>, vector<16xi32>,
      %gather3A_1790 = tpu.vector_load_idx %arg6[%get3A_1789] : memref<100000xf32, #tpu.memory_space<vmem>>[vector<16xi32>], vector<16xf32>,
      %select_n3A_1791 = arith.select %ge3A_17, %gather3A_1790, %broadcast_in_dim3A_18 : vector<16xi1>, vector<16xf32>
      %add3A_1792 = arith.addf %add3A_1786, %select_n3A_1791 : vector<16xf32>
      %add3A_1793 = arith.constant 16 : i32
      %add3A_1794 = arith.addi %add3A_1793, %scan3A_1650 : i32
      %mul3A_1795 = arith.constant 17 : i32
      %mul3A_1796 = arith.muli %add3A_1794, %mul3A_1795 : i32
      %swap3A_1797 = arith.index_cast %mul3A_1796 : i32 to index
      %swap3A_1798 = tpu.vector_load %arg9[%swap3A_1797] {strides = array<i32>} : memref<543xf32, #tpu.memory_space<vmem>>, vector<16xf32>,
      tpu.vector_store %arg9[%swap3A_1797], %add3A_1792 {strides = array<i32>} : memref<543xf32, #tpu.memory_space<vmem>>, vector<16xf32>,
    }
    %scan3A_28 = arith.constant 16 : i32
    %add3A_29 = arith.constant 0 : i32
    %add3A_30 = vector.broadcast %add3A_29 : i32 to vector<16xi32>
    %add3A_31 = arith.addi %iota3A, %add3A_30 : vector<16xi32>
    %mul3A_32 = arith.constant 17 : i32
    %mul3A_33 = vector.broadcast %mul3A_32 : i32 to vector<16xi32>
    %mul3A_34 = arith.muli %add3A_31, %mul3A_33 : vector<16xi32>
    %add3A_35 = arith.constant 0 : i32
    %add3A_36 = vector.broadcast %add3A_35 : i32 to vector<16xi32>
    %add3A_37 = arith.addi %mul3A_34, %add3A_36 : vector<16xi32>
    %gather3A = tpu.vector_load_idx %arg9[%add3A_37] : memref<543xf32, #tpu.memory_space<vmem>>[vector<16xi32>], vector<16xf32>,
    %add3A_38 = arith.addf %broadcast_in_dim3A_18, %gather3A : vector<16xf32>
    %add3A_39 = arith.constant 0 : i32
    %add3A_40 = vector.broadcast %add3A_39 : i32 to vector<16xi32>
    %add3A_41 = arith.addi %iota3A, %add3A_40 : vector<16xi32>
    %mul3A_42 = arith.constant 17 : i32
    %mul3A_43 = vector.broadcast %mul3A_42 : i32 to vector<16xi32>
    %mul3A_44 = arith.muli %add3A_41, %mul3A_43 : vector<16xi32>
    %add3A_45 = arith.constant 1 : i32
    %add3A_46 = vector.broadcast %add3A_45 : i32 to vector<16xi32>
    %add3A_47 = arith.addi %mul3A_44, %add3A_46 : vector<16xi32>
    %gather3A_48 = tpu.vector_load_idx %arg9[%add3A_47] : memref<543xf32, #tpu.memory_space<vmem>>[vector<16xi32>], vector<16xf32>,
    %add3A_49 = arith.addf %add3A_38, %gather3A_48 : vector<16xf32>
    %add3A_50 = arith.constant 0 : i32
    %add3A_51 = vector.broadcast %add3A_50 : i32 to vector<16xi32>
    %add3A_52 = arith.addi %iota3A, %add3A_51 : vector<16xi32>
    %mul3A_53 = arith.constant 17 : i32
    %mul3A_54 = vector.broadcast %mul3A_53 : i32 to vector<16xi32>
    %mul3A_55 = arith.muli %add3A_52, %mul3A_54 : vector<16xi32>
    %add3A_56 = arith.constant 2 : i32
    %add3A_57 = vector.broadcast %add3A_56 : i32 to vector<16xi32>
    %add3A_58 = arith.addi %mul3A_55, %add3A_57 : vector<16xi32>
    %gather3A_59 = tpu.vector_load_idx %arg9[%add3A_58] : memref<543xf32, #tpu.memory_space<vmem>>[vector<16xi32>], vector<16xf32>,
    %add3A_60 = arith.addf %add3A_49, %gather3A_59 : vector<16xf32>
    %add3A_61 = arith.constant 0 : i32
    %add3A_62 = vector.broadcast %add3A_61 : i32 to vector<16xi32>
    %add3A_63 = arith.addi %iota3A, %add3A_62 : vector<16xi32>
    %mul3A_64 = arith.constant 17 : i32
    %mul3A_65 = vector.broadcast %mul3A_64 : i32 to vector<16xi32>
    %mul3A_66 = arith.muli %add3A_63, %mul3A_65 : vector<16xi32>
    %add3A_67 = arith.constant 3 : i32
    %add3A_68 = vector.broadcast %add3A_67 : i32 to vector<16xi32>
    %add3A_69 = arith.addi %mul3A_66, %add3A_68 : vector<16xi32>
    %gather3A_70 = tpu.vector_load_idx %arg9[%add3A_69] : memref<543xf32, #tpu.memory_space<vmem>>[vector<16xi32>], vector<16xf32>,
    %add3A_71 = arith.addf %add3A_60, %gather3A_70 : vector<16xf32>
    %add3A_72 = arith.constant 0 : i32
    %add3A_73 = vector.broadcast %add3A_72 : i32 to vector<16xi32>
    %add3A_74 = arith.addi %iota3A, %add3A_73 : vector<16xi32>
    %mul3A_75 = arith.constant 17 : i32
    %mul3A_76 = vector.broadcast %mul3A_75 : i32 to vector<16xi32>
    %mul3A_77 = arith.muli %add3A_74, %mul3A_76 : vector<16xi32>
    %add3A_78 = arith.constant 4 : i32
    %add3A_79 = vector.broadcast %add3A_78 : i32 to vector<16xi32>
    %add3A_80 = arith.addi %mul3A_77, %add3A_79 : vector<16xi32>
    %gather3A_81 = tpu.vector_load_idx %arg9[%add3A_80] : memref<543xf32, #tpu.memory_space<vmem>>[vector<16xi32>], vector<16xf32>,
    %add3A_82 = arith.addf %add3A_71, %gather3A_81 : vector<16xf32>
    %add3A_83 = arith.constant 0 : i32
    %add3A_84 = vector.broadcast %add3A_83 : i32 to vector<16xi32>
    %add3A_85 = arith.addi %iota3A, %add3A_84 : vector<16xi32>
    %mul3A_86 = arith.constant 17 : i32
    %mul3A_87 = vector.broadcast %mul3A_86 : i32 to vector<16xi32>
    %mul3A_88 = arith.muli %add3A_85, %mul3A_87 : vector<16xi32>
    %add3A_89 = arith.constant 5 : i32
    %add3A_90 = vector.broadcast %add3A_89 : i32 to vector<16xi32>
    %add3A_91 = arith.addi %mul3A_88, %add3A_90 : vector<16xi32>
    %gather3A_92 = tpu.vector_load_idx %arg9[%add3A_91] : memref<543xf32, #tpu.memory_space<vmem>>[vector<16xi32>], vector<16xf32>,
    %add3A_93 = arith.addf %add3A_82, %gather3A_92 : vector<16xf32>
    %add3A_94 = arith.constant 0 : i32
    %add3A_95 = vector.broadcast %add3A_94 : i32 to vector<16xi32>
    %add3A_96 = arith.addi %iota3A, %add3A_95 : vector<16xi32>
    %mul3A_97 = arith.constant 17 : i32
    %mul3A_98 = vector.broadcast %mul3A_97 : i32 to vector<16xi32>
    %mul3A_99 = arith.muli %add3A_96, %mul3A_98 : vector<16xi32>
    %add3A_100 = arith.constant 6 : i32
    %add3A_101 = vector.broadcast %add3A_100 : i32 to vector<16xi32>
    %add3A_102 = arith.addi %mul3A_99, %add3A_101 : vector<16xi32>
    %gather3A_103 = tpu.vector_load_idx %arg9[%add3A_102] : memref<543xf32, #tpu.memory_space<vmem>>[vector<16xi32>], vector<16xf32>,
    %add3A_104 = arith.addf %add3A_93, %gather3A_103 : vector<16xf32>
    %add3A_105 = arith.constant 0 : i32
    %add3A_106 = vector.broadcast %add3A_105 : i32 to vector<16xi32>
    %add3A_107 = arith.addi %iota3A, %add3A_106 : vector<16xi32>
    %mul3A_108 = arith.constant 17 : i32
    %mul3A_109 = vector.broadcast %mul3A_108 : i32 to vector<16xi32>
    %mul3A_110 = arith.muli %add3A_107, %mul3A_109 : vector<16xi32>
    %add3A_111 = arith.constant 7 : i32
    %add3A_112 = vector.broadcast %add3A_111 : i32 to vector<16xi32>
    %add3A_113 = arith.addi %mul3A_110, %add3A_112 : vector<16xi32>
    %gather3A_114 = tpu.vector_load_idx %arg9[%add3A_113] : memref<543xf32, #tpu.memory_space<vmem>>[vector<16xi32>], vector<16xf32>,
    %add3A_115 = arith.addf %add3A_104, %gather3A_114 : vector<16xf32>
    %add3A_116 = arith.constant 0 : i32
    %add3A_117 = vector.broadcast %add3A_116 : i32 to vector<16xi32>
    %add3A_118 = arith.addi %iota3A, %add3A_117 : vector<16xi32>
    %mul3A_119 = arith.constant 17 : i32
    %mul3A_120 = vector.broadcast %mul3A_119 : i32 to vector<16xi32>
    %mul3A_121 = arith.muli %add3A_118, %mul3A_120 : vector<16xi32>
    %add3A_122 = arith.constant 8 : i32
    %add3A_123 = vector.broadcast %add3A_122 : i32 to vector<16xi32>
    %add3A_124 = arith.addi %mul3A_121, %add3A_123 : vector<16xi32>
    %gather3A_125 = tpu.vector_load_idx %arg9[%add3A_124] : memref<543xf32, #tpu.memory_space<vmem>>[vector<16xi32>], vector<16xf32>,
    %add3A_126 = arith.addf %add3A_115, %gather3A_125 : vector<16xf32>
    %add3A_127 = arith.constant 0 : i32
    %add3A_128 = vector.broadcast %add3A_127 : i32 to vector<16xi32>
    %add3A_129 = arith.addi %iota3A, %add3A_128 : vector<16xi32>
    %mul3A_130 = arith.constant 17 : i32
    %mul3A_131 = vector.broadcast %mul3A_130 : i32 to vector<16xi32>
    %mul3A_132 = arith.muli %add3A_129, %mul3A_131 : vector<16xi32>
    %add3A_133 = arith.constant 9 : i32
    %add3A_134 = vector.broadcast %add3A_133 : i32 to vector<16xi32>
    %add3A_135 = arith.addi %mul3A_132, %add3A_134 : vector<16xi32>
    %gather3A_136 = tpu.vector_load_idx %arg9[%add3A_135] : memref<543xf32, #tpu.memory_space<vmem>>[vector<16xi32>], vector<16xf32>,
    %add3A_137 = arith.addf %add3A_126, %gather3A_136 : vector<16xf32>
    %add3A_138 = arith.constant 0 : i32
    %add3A_139 = vector.broadcast %add3A_138 : i32 to vector<16xi32>
    %add3A_140 = arith.addi %iota3A, %add3A_139 : vector<16xi32>
    %mul3A_141 = arith.constant 17 : i32
    %mul3A_142 = vector.broadcast %mul3A_141 : i32 to vector<16xi32>
    %mul3A_143 = arith.muli %add3A_140, %mul3A_142 : vector<16xi32>
    %add3A_144 = arith.constant 10 : i32
    %add3A_145 = vector.broadcast %add3A_144 : i32 to vector<16xi32>
    %add3A_146 = arith.addi %mul3A_143, %add3A_145 : vector<16xi32>
    %gather3A_147 = tpu.vector_load_idx %arg9[%add3A_146] : memref<543xf32, #tpu.memory_space<vmem>>[vector<16xi32>], vector<16xf32>,
    %add3A_148 = arith.addf %add3A_137, %gather3A_147 : vector<16xf32>
    %add3A_149 = arith.constant 0 : i32
    %add3A_150 = vector.broadcast %add3A_149 : i32 to vector<16xi32>
    %add3A_151 = arith.addi %iota3A, %add3A_150 : vector<16xi32>
    %mul3A_152 = arith.constant 17 : i32
    %mul3A_153 = vector.broadcast %mul3A_152 : i32 to vector<16xi32>
    %mul3A_154 = arith.muli %add3A_151, %mul3A_153 : vector<16xi32>
    %add3A_155 = arith.constant 11 : i32
    %add3A_156 = vector.broadcast %add3A_155 : i32 to vector<16xi32>
    %add3A_157 = arith.addi %mul3A_154, %add3A_156 : vector<16xi32>
    %gather3A_158 = tpu.vector_load_idx %arg9[%add3A_157] : memref<543xf32, #tpu.memory_space<vmem>>[vector<16xi32>], vector<16xf32>,
    %add3A_159 = arith.addf %add3A_148, %gather3A_158 : vector<16xf32>
    %add3A_160 = arith.constant 0 : i32
    %add3A_161 = vector.broadcast %add3A_160 : i32 to vector<16xi32>
    %add3A_162 = arith.addi %iota3A, %add3A_161 : vector<16xi32>
    %mul3A_163 = arith.constant 17 : i32
    %mul3A_164 = vector.broadcast %mul3A_163 : i32 to vector<16xi32>
    %mul3A_165 = arith.muli %add3A_162, %mul3A_164 : vector<16xi32>
    %add3A_166 = arith.constant 12 : i32
    %add3A_167 = vector.broadcast %add3A_166 : i32 to vector<16xi32>
    %add3A_168 = arith.addi %mul3A_165, %add3A_167 : vector<16xi32>
    %gather3A_169 = tpu.vector_load_idx %arg9[%add3A_168] : memref<543xf32, #tpu.memory_space<vmem>>[vector<16xi32>], vector<16xf32>,
    %add3A_170 = arith.addf %add3A_159, %gather3A_169 : vector<16xf32>
    %add3A_171 = arith.constant 0 : i32
    %add3A_172 = vector.broadcast %add3A_171 : i32 to vector<16xi32>
    %add3A_173 = arith.addi %iota3A, %add3A_172 : vector<16xi32>
    %mul3A_174 = arith.constant 17 : i32
    %mul3A_175 = vector.broadcast %mul3A_174 : i32 to vector<16xi32>
    %mul3A_176 = arith.muli %add3A_173, %mul3A_175 : vector<16xi32>
    %add3A_177 = arith.constant 13 : i32
    %add3A_178 = vector.broadcast %add3A_177 : i32 to vector<16xi32>
    %add3A_179 = arith.addi %mul3A_176, %add3A_178 : vector<16xi32>
    %gather3A_180 = tpu.vector_load_idx %arg9[%add3A_179] : memref<543xf32, #tpu.memory_space<vmem>>[vector<16xi32>], vector<16xf32>,
    %add3A_181 = arith.addf %add3A_170, %gather3A_180 : vector<16xf32>
    %add3A_182 = arith.constant 0 : i32
    %add3A_183 = vector.broadcast %add3A_182 : i32 to vector<16xi32>
    %add3A_184 = arith.addi %iota3A, %add3A_183 : vector<16xi32>
    %mul3A_185 = arith.constant 17 : i32
    %mul3A_186 = vector.broadcast %mul3A_185 : i32 to vector<16xi32>
    %mul3A_187 = arith.muli %add3A_184, %mul3A_186 : vector<16xi32>
    %add3A_188 = arith.constant 14 : i32
    %add3A_189 = vector.broadcast %add3A_188 : i32 to vector<16xi32>
    %add3A_190 = arith.addi %mul3A_187, %add3A_189 : vector<16xi32>
    %gather3A_191 = tpu.vector_load_idx %arg9[%add3A_190] : memref<543xf32, #tpu.memory_space<vmem>>[vector<16xi32>], vector<16xf32>,
    %add3A_192 = arith.addf %add3A_181, %gather3A_191 : vector<16xf32>
    %add3A_193 = arith.constant 0 : i32
    %add3A_194 = vector.broadcast %add3A_193 : i32 to vector<16xi32>
    %add3A_195 = arith.addi %iota3A, %add3A_194 : vector<16xi32>
    %mul3A_196 = arith.constant 17 : i32
    %mul3A_197 = vector.broadcast %mul3A_196 : i32 to vector<16xi32>
    %mul3A_198 = arith.muli %add3A_195, %mul3A_197 : vector<16xi32>
    %add3A_199 = arith.constant 15 : i32
    %add3A_200 = vector.broadcast %add3A_199 : i32 to vector<16xi32>
    %add3A_201 = arith.addi %mul3A_198, %add3A_200 : vector<16xi32>
    %gather3A_202 = tpu.vector_load_idx %arg9[%add3A_201] : memref<543xf32, #tpu.memory_space<vmem>>[vector<16xi32>], vector<16xf32>,
    %add3A_203 = arith.addf %add3A_192, %gather3A_202 : vector<16xf32>
    %swap3A = arith.constant 0 : index
    %swap3A_204 = tpu.vector_load %arg10[%swap3A] {strides = array<i32>} : memref<128xf32, #tpu.memory_space<vmem>>, vector<16xf32>,
    tpu.vector_store %arg10[%swap3A], %add3A_203 {strides = array<i32>} : memref<128xf32, #tpu.memory_space<vmem>>, vector<16xf32>,
    %add3A_205 = arith.constant 16 : i32
    %add3A_206 = vector.broadcast %add3A_205 : i32 to vector<16xi32>
    %add3A_207 = arith.addi %iota3A, %add3A_206 : vector<16xi32>
    %mul3A_208 = arith.constant 17 : i32
    %mul3A_209 = vector.broadcast %mul3A_208 : i32 to vector<16xi32>
    %mul3A_210 = arith.muli %add3A_207, %mul3A_209 : vector<16xi32>
    %add3A_211 = arith.constant 0 : i32
    %add3A_212 = vector.broadcast %add3A_211 : i32 to vector<16xi32>
    %add3A_213 = arith.addi %mul3A_210, %add3A_212 : vector<16xi32>
    %gather3A_214 = tpu.vector_load_idx %arg9[%add3A_213] : memref<543xf32, #tpu.memory_space<vmem>>[vector<16xi32>], vector<16xf32>,
    %add3A_215 = arith.addf %broadcast_in_dim3A_18, %gather3A_214 : vector<16xf32>
    %add3A_216 = arith.constant 16 : i32
    %add3A_217 = vector.broadcast %add3A_216 : i32 to vector<16xi32>
    %add3A_218 = arith.addi %iota3A, %add3A_217 : vector<16xi32>
    %mul3A_219 = arith.constant 17 : i32
    %mul3A_220 = vector.broadcast %mul3A_219 : i32 to vector<16xi32>
    %mul3A_221 = arith.muli %add3A_218, %mul3A_220 : vector<16xi32>
    %add3A_222 = arith.constant 1 : i32
    %add3A_223 = vector.broadcast %add3A_222 : i32 to vector<16xi32>
    %add3A_224 = arith.addi %mul3A_221, %add3A_223 : vector<16xi32>
    %gather3A_225 = tpu.vector_load_idx %arg9[%add3A_224] : memref<543xf32, #tpu.memory_space<vmem>>[vector<16xi32>], vector<16xf32>,
    %add3A_226 = arith.addf %add3A_215, %gather3A_225 : vector<16xf32>
    %add3A_227 = arith.constant 16 : i32
    %add3A_228 = vector.broadcast %add3A_227 : i32 to vector<16xi32>
    %add3A_229 = arith.addi %iota3A, %add3A_228 : vector<16xi32>
    %mul3A_230 = arith.constant 17 : i32
    %mul3A_231 = vector.broadcast %mul3A_230 : i32 to vector<16xi32>
    %mul3A_232 = arith.muli %add3A_229, %mul3A_231 : vector<16xi32>
    %add3A_233 = arith.constant 2 : i32
    %add3A_234 = vector.broadcast %add3A_233 : i32 to vector<16xi32>
    %add3A_235 = arith.addi %mul3A_232, %add3A_234 : vector<16xi32>
    %gather3A_236 = tpu.vector_load_idx %arg9[%add3A_235] : memref<543xf32, #tpu.memory_space<vmem>>[vector<16xi32>], vector<16xf32>,
    %add3A_237 = arith.addf %add3A_226, %gather3A_236 : vector<16xf32>
    %add3A_238 = arith.constant 16 : i32
    %add3A_239 = vector.broadcast %add3A_238 : i32 to vector<16xi32>
    %add3A_240 = arith.addi %iota3A, %add3A_239 : vector<16xi32>
    %mul3A_241 = arith.constant 17 : i32
    %mul3A_242 = vector.broadcast %mul3A_241 : i32 to vector<16xi32>
    %mul3A_243 = arith.muli %add3A_240, %mul3A_242 : vector<16xi32>
    %add3A_244 = arith.constant 3 : i32
    %add3A_245 = vector.broadcast %add3A_244 : i32 to vector<16xi32>
    %add3A_246 = arith.addi %mul3A_243, %add3A_245 : vector<16xi32>
    %gather3A_247 = tpu.vector_load_idx %arg9[%add3A_246] : memref<543xf32, #tpu.memory_space<vmem>>[vector<16xi32>], vector<16xf32>,
    %add3A_248 = arith.addf %add3A_237, %gather3A_247 : vector<16xf32>
    %add3A_249 = arith.constant 16 : i32
    %add3A_250 = vector.broadcast %add3A_249 : i32 to vector<16xi32>
    %add3A_251 = arith.addi %iota3A, %add3A_250 : vector<16xi32>
    %mul3A_252 = arith.constant 17 : i32
    %mul3A_253 = vector.broadcast %mul3A_252 : i32 to vector<16xi32>
    %mul3A_254 = arith.muli %add3A_251, %mul3A_253 : vector<16xi32>
    %add3A_255 = arith.constant 4 : i32
    %add3A_256 = vector.broadcast %add3A_255 : i32 to vector<16xi32>
    %add3A_257 = arith.addi %mul3A_254, %add3A_256 : vector<16xi32>
    %gather3A_258 = tpu.vector_load_idx %arg9[%add3A_257] : memref<543xf32, #tpu.memory_space<vmem>>[vector<16xi32>], vector<16xf32>,
    %add3A_259 = arith.addf %add3A_248, %gather3A_258 : vector<16xf32>
    %add3A_260 = arith.constant 16 : i32
    %add3A_261 = vector.broadcast %add3A_260 : i32 to vector<16xi32>
    %add3A_262 = arith.addi %iota3A, %add3A_261 : vector<16xi32>
    %mul3A_263 = arith.constant 17 : i32
    %mul3A_264 = vector.broadcast %mul3A_263 : i32 to vector<16xi32>
    %mul3A_265 = arith.muli %add3A_262, %mul3A_264 : vector<16xi32>
    %add3A_266 = arith.constant 5 : i32
    %add3A_267 = vector.broadcast %add3A_266 : i32 to vector<16xi32>
    %add3A_268 = arith.addi %mul3A_265, %add3A_267 : vector<16xi32>
    %gather3A_269 = tpu.vector_load_idx %arg9[%add3A_268] : memref<543xf32, #tpu.memory_space<vmem>>[vector<16xi32>], vector<16xf32>,
    %add3A_270 = arith.addf %add3A_259, %gather3A_269 : vector<16xf32>
    %add3A_271 = arith.constant 16 : i32
    %add3A_272 = vector.broadcast %add3A_271 : i32 to vector<16xi32>
    %add3A_273 = arith.addi %iota3A, %add3A_272 : vector<16xi32>
    %mul3A_274 = arith.constant 17 : i32
    %mul3A_275 = vector.broadcast %mul3A_274 : i32 to vector<16xi32>
    %mul3A_276 = arith.muli %add3A_273, %mul3A_275 : vector<16xi32>
    %add3A_277 = arith.constant 6 : i32
    %add3A_278 = vector.broadcast %add3A_277 : i32 to vector<16xi32>
    %add3A_279 = arith.addi %mul3A_276, %add3A_278 : vector<16xi32>
    %gather3A_280 = tpu.vector_load_idx %arg9[%add3A_279] : memref<543xf32, #tpu.memory_space<vmem>>[vector<16xi32>], vector<16xf32>,
    %add3A_281 = arith.addf %add3A_270, %gather3A_280 : vector<16xf32>
    %add3A_282 = arith.constant 16 : i32
    %add3A_283 = vector.broadcast %add3A_282 : i32 to vector<16xi32>
    %add3A_284 = arith.addi %iota3A, %add3A_283 : vector<16xi32>
    %mul3A_285 = arith.constant 17 : i32
    %mul3A_286 = vector.broadcast %mul3A_285 : i32 to vector<16xi32>
    %mul3A_287 = arith.muli %add3A_284, %mul3A_286 : vector<16xi32>
    %add3A_288 = arith.constant 7 : i32
    %add3A_289 = vector.broadcast %add3A_288 : i32 to vector<16xi32>
    %add3A_290 = arith.addi %mul3A_287, %add3A_289 : vector<16xi32>
    %gather3A_291 = tpu.vector_load_idx %arg9[%add3A_290] : memref<543xf32, #tpu.memory_space<vmem>>[vector<16xi32>], vector<16xf32>,
    %add3A_292 = arith.addf %add3A_281, %gather3A_291 : vector<16xf32>
    %add3A_293 = arith.constant 16 : i32
    %add3A_294 = vector.broadcast %add3A_293 : i32 to vector<16xi32>
    %add3A_295 = arith.addi %iota3A, %add3A_294 : vector<16xi32>
    %mul3A_296 = arith.constant 17 : i32
    %mul3A_297 = vector.broadcast %mul3A_296 : i32 to vector<16xi32>
    %mul3A_298 = arith.muli %add3A_295, %mul3A_297 : vector<16xi32>
    %add3A_299 = arith.constant 8 : i32
    %add3A_300 = vector.broadcast %add3A_299 : i32 to vector<16xi32>
    %add3A_301 = arith.addi %mul3A_298, %add3A_300 : vector<16xi32>
    %gather3A_302 = tpu.vector_load_idx %arg9[%add3A_301] : memref<543xf32, #tpu.memory_space<vmem>>[vector<16xi32>], vector<16xf32>,
    %add3A_303 = arith.addf %add3A_292, %gather3A_302 : vector<16xf32>
    %add3A_304 = arith.constant 16 : i32
    %add3A_305 = vector.broadcast %add3A_304 : i32 to vector<16xi32>
    %add3A_306 = arith.addi %iota3A, %add3A_305 : vector<16xi32>
    %mul3A_307 = arith.constant 17 : i32
    %mul3A_308 = vector.broadcast %mul3A_307 : i32 to vector<16xi32>
    %mul3A_309 = arith.muli %add3A_306, %mul3A_308 : vector<16xi32>
    %add3A_310 = arith.constant 9 : i32
    %add3A_311 = vector.broadcast %add3A_310 : i32 to vector<16xi32>
    %add3A_312 = arith.addi %mul3A_309, %add3A_311 : vector<16xi32>
    %gather3A_313 = tpu.vector_load_idx %arg9[%add3A_312] : memref<543xf32, #tpu.memory_space<vmem>>[vector<16xi32>], vector<16xf32>,
    %add3A_314 = arith.addf %add3A_303, %gather3A_313 : vector<16xf32>
    %add3A_315 = arith.constant 16 : i32
    %add3A_316 = vector.broadcast %add3A_315 : i32 to vector<16xi32>
    %add3A_317 = arith.addi %iota3A, %add3A_316 : vector<16xi32>
    %mul3A_318 = arith.constant 17 : i32
    %mul3A_319 = vector.broadcast %mul3A_318 : i32 to vector<16xi32>
    %mul3A_320 = arith.muli %add3A_317, %mul3A_319 : vector<16xi32>
    %add3A_321 = arith.constant 10 : i32
    %add3A_322 = vector.broadcast %add3A_321 : i32 to vector<16xi32>
    %add3A_323 = arith.addi %mul3A_320, %add3A_322 : vector<16xi32>
    %gather3A_324 = tpu.vector_load_idx %arg9[%add3A_323] : memref<543xf32, #tpu.memory_space<vmem>>[vector<16xi32>], vector<16xf32>,
    %add3A_325 = arith.addf %add3A_314, %gather3A_324 : vector<16xf32>
    %add3A_326 = arith.constant 16 : i32
    %add3A_327 = vector.broadcast %add3A_326 : i32 to vector<16xi32>
    %add3A_328 = arith.addi %iota3A, %add3A_327 : vector<16xi32>
    %mul3A_329 = arith.constant 17 : i32
    %mul3A_330 = vector.broadcast %mul3A_329 : i32 to vector<16xi32>
    %mul3A_331 = arith.muli %add3A_328, %mul3A_330 : vector<16xi32>
    %add3A_332 = arith.constant 11 : i32
    %add3A_333 = vector.broadcast %add3A_332 : i32 to vector<16xi32>
    %add3A_334 = arith.addi %mul3A_331, %add3A_333 : vector<16xi32>
    %gather3A_335 = tpu.vector_load_idx %arg9[%add3A_334] : memref<543xf32, #tpu.memory_space<vmem>>[vector<16xi32>], vector<16xf32>,
    %add3A_336 = arith.addf %add3A_325, %gather3A_335 : vector<16xf32>
    %add3A_337 = arith.constant 16 : i32
    %add3A_338 = vector.broadcast %add3A_337 : i32 to vector<16xi32>
    %add3A_339 = arith.addi %iota3A, %add3A_338 : vector<16xi32>
    %mul3A_340 = arith.constant 17 : i32
    %mul3A_341 = vector.broadcast %mul3A_340 : i32 to vector<16xi32>
    %mul3A_342 = arith.muli %add3A_339, %mul3A_341 : vector<16xi32>
    %add3A_343 = arith.constant 12 : i32
    %add3A_344 = vector.broadcast %add3A_343 : i32 to vector<16xi32>
    %add3A_345 = arith.addi %mul3A_342, %add3A_344 : vector<16xi32>
    %gather3A_346 = tpu.vector_load_idx %arg9[%add3A_345] : memref<543xf32, #tpu.memory_space<vmem>>[vector<16xi32>], vector<16xf32>,
    %add3A_347 = arith.addf %add3A_336, %gather3A_346 : vector<16xf32>
    %add3A_348 = arith.constant 16 : i32
    %add3A_349 = vector.broadcast %add3A_348 : i32 to vector<16xi32>
    %add3A_350 = arith.addi %iota3A, %add3A_349 : vector<16xi32>
    %mul3A_351 = arith.constant 17 : i32
    %mul3A_352 = vector.broadcast %mul3A_351 : i32 to vector<16xi32>
    %mul3A_353 = arith.muli %add3A_350, %mul3A_352 : vector<16xi32>
    %add3A_354 = arith.constant 13 : i32
    %add3A_355 = vector.broadcast %add3A_354 : i32 to vector<16xi32>
    %add3A_356 = arith.addi %mul3A_353, %add3A_355 : vector<16xi32>
    %gather3A_357 = tpu.vector_load_idx %arg9[%add3A_356] : memref<543xf32, #tpu.memory_space<vmem>>[vector<16xi32>], vector<16xf32>,
    %add3A_358 = arith.addf %add3A_347, %gather3A_357 : vector<16xf32>
    %add3A_359 = arith.constant 16 : i32
    %add3A_360 = vector.broadcast %add3A_359 : i32 to vector<16xi32>
    %add3A_361 = arith.addi %iota3A, %add3A_360 : vector<16xi32>
    %mul3A_362 = arith.constant 17 : i32
    %mul3A_363 = vector.broadcast %mul3A_362 : i32 to vector<16xi32>
    %mul3A_364 = arith.muli %add3A_361, %mul3A_363 : vector<16xi32>
    %add3A_365 = arith.constant 14 : i32
    %add3A_366 = vector.broadcast %add3A_365 : i32 to vector<16xi32>
    %add3A_367 = arith.addi %mul3A_364, %add3A_366 : vector<16xi32>
    %gather3A_368 = tpu.vector_load_idx %arg9[%add3A_367] : memref<543xf32, #tpu.memory_space<vmem>>[vector<16xi32>], vector<16xf32>,
    %add3A_369 = arith.addf %add3A_358, %gather3A_368 : vector<16xf32>
    %add3A_370 = arith.constant 16 : i32
    %add3A_371 = vector.broadcast %add3A_370 : i32 to vector<16xi32>
    %add3A_372 = arith.addi %iota3A, %add3A_371 : vector<16xi32>
    %mul3A_373 = arith.constant 17 : i32
    %mul3A_374 = vector.broadcast %mul3A_373 : i32 to vector<16xi32>
    %mul3A_375 = arith.muli %add3A_372, %mul3A_374 : vector<16xi32>
    %add3A_376 = arith.constant 15 : i32
    %add3A_377 = vector.broadcast %add3A_376 : i32 to vector<16xi32>
    %add3A_378 = arith.addi %mul3A_375, %add3A_377 : vector<16xi32>
    %gather3A_379 = tpu.vector_load_idx %arg9[%add3A_378] : memref<543xf32, #tpu.memory_space<vmem>>[vector<16xi32>], vector<16xf32>,
    %add3A_380 = arith.addf %add3A_369, %gather3A_379 : vector<16xf32>
    %swap3A_381 = arith.constant 16 : index
    %swap3A_382 = tpu.vector_load %arg10[%swap3A_381] {strides = array<i32>} : memref<128xf32, #tpu.memory_space<vmem>>, vector<16xf32>,
    tpu.vector_store %arg10[%swap3A_381], %add3A_380 {strides = array<i32>} : memref<128xf32, #tpu.memory_space<vmem>>, vector<16xf32>,
    %add3A_383 = arith.constant 64 : i32
    %add3A_384 = arith.addi %multiple_of3A, %add3A_383 : i32
    %dma_start3A_385 = arith.constant 0 : i32
    %dma_start3A_386 = tpu.memref_slice %arg2[%add3A_384, %dma_start3A_385] : memref<4096x200xi32, #tpu.memory_space<hbm>> -> memref<32x200xi32, #tpu.memory_space<hbm>>
    %dma_start3A_387 = arith.constant 0 : i32
    %dma_start3A_388 = tpu.memref_slice %arg2[%add3A_384, %dma_start3A_387] : memref<4096x200xi32, #tpu.memory_space<hbm>> -> memref<32x200xi32, #tpu.memory_space<hbm>>
    tpu.enqueue_dma source(%dma_start3A_388 : memref<32x200xi32, #tpu.memory_space<hbm>>) target(%arg7 : memref<32x200xi32, #tpu.memory_space<vmem>>) target_semaphore(%arg12 : memref<!tpu.dma_semaphore, #tpu.memory_space<semaphore_mem>>)
    %add3A_389 = arith.constant 32 : i32
    %add3A_390 = arith.addi %multiple_of3A, %add3A_389 : i32
    %dma_wait3A_391 = arith.constant 0 : i32
    %dma_wait3A_392 = tpu.memref_slice %arg2[%add3A_390, %dma_wait3A_391] : memref<4096x200xi32, #tpu.memory_space<hbm>> -> memref<32x200xi32, #tpu.memory_space<hbm>>
    %dma_wait3A_393 = arith.constant 0 : i32
    %dma_wait3A_394 = tpu.memref_slice %arg2[%add3A_390, %dma_wait3A_393] : memref<4096x200xi32, #tpu.memory_space<hbm>> -> memref<32x200xi32, #tpu.memory_space<hbm>>
    tpu.wait_dma2 semaphore(%arg13 : memref<!tpu.dma_semaphore, #tpu.memory_space<semaphore_mem>>) src(%dma_wait3A_394 : memref<32x200xi32, #tpu.memory_space<hbm>>) dst(%arg8 : memref<32x200xi32, #tpu.memory_space<vmem>>)
    %scan3A_395 = arith.constant 0 : i32
    %scan3A_396 = arith.constant 0 : i32
    %scan3A_397 = arith.constant 16 : i32
    %scan3A_398 = arith.addi %scan3A_396, %scan3A_397 : i32
    %scan3A_399 = arith.constant 2 : i32
    scf.for %scan3A_1502 = %scan3A_396 to %scan3A_398 step %scan3A_399  : i32 {
      %add3A_1503 = arith.constant 0 : i32
      %add3A_1504 = arith.addi %add3A_1503, %scan3A_1502 : i32
      %get3A = arith.index_cast %add3A_1504 : i32 to index
      %get3A_1505 = arith.constant 0 : index
      %get3A_1506 = tpu.vector_load %arg8[%get3A, %get3A_1505] {strides = array<i32>} : memref<32x200xi32, #tpu.memory_space<vmem>>, vector<16xi32>,
      %gather3A_1507 = tpu.vector_load_idx %arg6[%get3A_1506] : memref<100000xf32, #tpu.memory_space<vmem>>[vector<16xi32>], vector<16xf32>,
      %add3A_1508 = arith.addf %broadcast_in_dim3A_18, %gather3A_1507 : vector<16xf32>
      %get3A_1509 = arith.index_cast %add3A_1504 : i32 to index
      %get3A_1510 = arith.constant 16 : index
      %get3A_1511 = tpu.vector_load %arg8[%get3A_1509, %get3A_1510] {strides = array<i32>} : memref<32x200xi32, #tpu.memory_space<vmem>>, vector<16xi32>,
      %gather3A_1512 = tpu.vector_load_idx %arg6[%get3A_1511] : memref<100000xf32, #tpu.memory_space<vmem>>[vector<16xi32>], vector<16xf32>,
      %add3A_1513 = arith.addf %add3A_1508, %gather3A_1512 : vector<16xf32>
      %get3A_1514 = arith.index_cast %add3A_1504 : i32 to index
      %get3A_1515 = arith.constant 32 : index
      %get3A_1516 = tpu.vector_load %arg8[%get3A_1514, %get3A_1515] {strides = array<i32>} : memref<32x200xi32, #tpu.memory_space<vmem>>, vector<16xi32>,
      %gather3A_1517 = tpu.vector_load_idx %arg6[%get3A_1516] : memref<100000xf32, #tpu.memory_space<vmem>>[vector<16xi32>], vector<16xf32>,
      %add3A_1518 = arith.addf %add3A_1513, %gather3A_1517 : vector<16xf32>
      %get3A_1519 = arith.index_cast %add3A_1504 : i32 to index
      %get3A_1520 = arith.constant 48 : index
      %get3A_1521 = tpu.vector_load %arg8[%get3A_1519, %get3A_1520] {strides = array<i32>} : memref<32x200xi32, #tpu.memory_space<vmem>>, vector<16xi32>,
      %gather3A_1522 = tpu.vector_load_idx %arg6[%get3A_1521] : memref<100000xf32, #tpu.memory_space<vmem>>[vector<16xi32>], vector<16xf32>,
      %add3A_1523 = arith.addf %add3A_1518, %gather3A_1522 : vector<16xf32>
      %get3A_1524 = arith.index_cast %add3A_1504 : i32 to index
      %get3A_1525 = arith.constant 64 : index
      %get3A_1526 = tpu.vector_load %arg8[%get3A_1524, %get3A_1525] {strides = array<i32>} : memref<32x200xi32, #tpu.memory_space<vmem>>, vector<16xi32>,
      %gather3A_1527 = tpu.vector_load_idx %arg6[%get3A_1526] : memref<100000xf32, #tpu.memory_space<vmem>>[vector<16xi32>], vector<16xf32>,
      %add3A_1528 = arith.addf %add3A_1523, %gather3A_1527 : vector<16xf32>
      %get3A_1529 = arith.index_cast %add3A_1504 : i32 to index
      %get3A_1530 = arith.constant 80 : index
      %get3A_1531 = tpu.vector_load %arg8[%get3A_1529, %get3A_1530] {strides = array<i32>} : memref<32x200xi32, #tpu.memory_space<vmem>>, vector<16xi32>,
      %gather3A_1532 = tpu.vector_load_idx %arg6[%get3A_1531] : memref<100000xf32, #tpu.memory_space<vmem>>[vector<16xi32>], vector<16xf32>,
      %add3A_1533 = arith.addf %add3A_1528, %gather3A_1532 : vector<16xf32>
      %get3A_1534 = arith.index_cast %add3A_1504 : i32 to index
      %get3A_1535 = arith.constant 96 : index
      %get3A_1536 = tpu.vector_load %arg8[%get3A_1534, %get3A_1535] {strides = array<i32>} : memref<32x200xi32, #tpu.memory_space<vmem>>, vector<16xi32>,
      %gather3A_1537 = tpu.vector_load_idx %arg6[%get3A_1536] : memref<100000xf32, #tpu.memory_space<vmem>>[vector<16xi32>], vector<16xf32>,
      %add3A_1538 = arith.addf %add3A_1533, %gather3A_1537 : vector<16xf32>
      %get3A_1539 = arith.index_cast %add3A_1504 : i32 to index
      %get3A_1540 = arith.constant 112 : index
      %get3A_1541 = tpu.vector_load %arg8[%get3A_1539, %get3A_1540] {strides = array<i32>} : memref<32x200xi32, #tpu.memory_space<vmem>>, vector<16xi32>,
      %gather3A_1542 = tpu.vector_load_idx %arg6[%get3A_1541] : memref<100000xf32, #tpu.memory_space<vmem>>[vector<16xi32>], vector<16xf32>,
      %add3A_1543 = arith.addf %add3A_1538, %gather3A_1542 : vector<16xf32>
      %get3A_1544 = arith.index_cast %add3A_1504 : i32 to index
      %get3A_1545 = arith.constant 128 : index
      %get3A_1546 = tpu.vector_load %arg8[%get3A_1544, %get3A_1545] {strides = array<i32>} : memref<32x200xi32, #tpu.memory_space<vmem>>, vector<16xi32>,
      %gather3A_1547 = tpu.vector_load_idx %arg6[%get3A_1546] : memref<100000xf32, #tpu.memory_space<vmem>>[vector<16xi32>], vector<16xf32>,
      %add3A_1548 = arith.addf %add3A_1543, %gather3A_1547 : vector<16xf32>
      %get3A_1549 = arith.index_cast %add3A_1504 : i32 to index
      %get3A_1550 = arith.constant 144 : index
      %get3A_1551 = tpu.vector_load %arg8[%get3A_1549, %get3A_1550] {strides = array<i32>} : memref<32x200xi32, #tpu.memory_space<vmem>>, vector<16xi32>,
      %gather3A_1552 = tpu.vector_load_idx %arg6[%get3A_1551] : memref<100000xf32, #tpu.memory_space<vmem>>[vector<16xi32>], vector<16xf32>,
      %add3A_1553 = arith.addf %add3A_1548, %gather3A_1552 : vector<16xf32>
      %get3A_1554 = arith.index_cast %add3A_1504 : i32 to index
      %get3A_1555 = arith.constant 160 : index
      %get3A_1556 = tpu.vector_load %arg8[%get3A_1554, %get3A_1555] {strides = array<i32>} : memref<32x200xi32, #tpu.memory_space<vmem>>, vector<16xi32>,
      %gather3A_1557 = tpu.vector_load_idx %arg6[%get3A_1556] : memref<100000xf32, #tpu.memory_space<vmem>>[vector<16xi32>], vector<16xf32>,
      %add3A_1558 = arith.addf %add3A_1553, %gather3A_1557 : vector<16xf32>
      %get3A_1559 = arith.index_cast %add3A_1504 : i32 to index
      %get3A_1560 = arith.constant 176 : index
      %get3A_1561 = tpu.vector_load %arg8[%get3A_1559, %get3A_1560] {strides = array<i32>} : memref<32x200xi32, #tpu.memory_space<vmem>>, vector<16xi32>,
      %gather3A_1562 = tpu.vector_load_idx %arg6[%get3A_1561] : memref<100000xf32, #tpu.memory_space<vmem>>[vector<16xi32>], vector<16xf32>,
      %add3A_1563 = arith.addf %add3A_1558, %gather3A_1562 : vector<16xf32>
      %get3A_1564 = arith.index_cast %add3A_1504 : i32 to index
      %get3A_1565 = arith.constant 184 : index
      %get3A_1566 = tpu.vector_load %arg8[%get3A_1564, %get3A_1565] {strides = array<i32>} : memref<32x200xi32, #tpu.memory_space<vmem>>, vector<16xi32>,
      %gather3A_1567 = tpu.vector_load_idx %arg6[%get3A_1566] : memref<100000xf32, #tpu.memory_space<vmem>>[vector<16xi32>], vector<16xf32>,
      %select_n3A = arith.select %ge3A_17, %gather3A_1567, %broadcast_in_dim3A_18 : vector<16xi1>, vector<16xf32>
      %add3A_1568 = arith.addf %add3A_1563, %select_n3A : vector<16xf32>
      %add3A_1569 = arith.constant 0 : i32
      %add3A_1570 = arith.addi %add3A_1569, %scan3A_1502 : i32
      %mul3A_1571 = arith.constant 17 : i32
      %mul3A_1572 = arith.muli %add3A_1570, %mul3A_1571 : i32
      %swap3A_1573 = arith.index_cast %mul3A_1572 : i32 to index
      %swap3A_1574 = tpu.vector_load %arg9[%swap3A_1573] {strides = array<i32>} : memref<543xf32, #tpu.memory_space<vmem>>, vector<16xf32>,
      tpu.vector_store %arg9[%swap3A_1573], %add3A_1568 {strides = array<i32>} : memref<543xf32, #tpu.memory_space<vmem>>, vector<16xf32>,
      %add3A_1575 = arith.constant 16 : i32
      %add3A_1576 = arith.addi %add3A_1575, %scan3A_1502 : i32
      %get3A_1577 = arith.index_cast %add3A_1576 : i32 to index
      %get3A_1578 = arith.constant 0 : index
      %get3A_1579 = tpu.vector_load %arg8[%get3A_1577, %get3A_1578] {strides = array<i32>} : memref<32x200xi32, #tpu.memory_space<vmem>>, vector<16xi32>,
      %gather3A_1580 = tpu.vector_load_idx %arg6[%get3A_1579] : memref<100000xf32, #tpu.memory_space<vmem>>[vector<16xi32>], vector<16xf32>,
      %add3A_1581 = arith.addf %broadcast_in_dim3A_18, %gather3A_1580 : vector<16xf32>
      %get3A_1582 = arith.index_cast %add3A_1576 : i32 to index
      %get3A_1583 = arith.constant 16 : index
      %get3A_1584 = tpu.vector_load %arg8[%get3A_1582, %get3A_1583] {strides = array<i32>} : memref<32x200xi32, #tpu.memory_space<vmem>>, vector<16xi32>,
      %gather3A_1585 = tpu.vector_load_idx %arg6[%get3A_1584] : memref<100000xf32, #tpu.memory_space<vmem>>[vector<16xi32>], vector<16xf32>,
      %add3A_1586 = arith.addf %add3A_1581, %gather3A_1585 : vector<16xf32>
      %get3A_1587 = arith.index_cast %add3A_1576 : i32 to index
      %get3A_1588 = arith.constant 32 : index
      %get3A_1589 = tpu.vector_load %arg8[%get3A_1587, %get3A_1588] {strides = array<i32>} : memref<32x200xi32, #tpu.memory_space<vmem>>, vector<16xi32>,
      %gather3A_1590 = tpu.vector_load_idx %arg6[%get3A_1589] : memref<100000xf32, #tpu.memory_space<vmem>>[vector<16xi32>], vector<16xf32>,
      %add3A_1591 = arith.addf %add3A_1586, %gather3A_1590 : vector<16xf32>
      %get3A_1592 = arith.index_cast %add3A_1576 : i32 to index
      %get3A_1593 = arith.constant 48 : index
      %get3A_1594 = tpu.vector_load %arg8[%get3A_1592, %get3A_1593] {strides = array<i32>} : memref<32x200xi32, #tpu.memory_space<vmem>>, vector<16xi32>,
      %gather3A_1595 = tpu.vector_load_idx %arg6[%get3A_1594] : memref<100000xf32, #tpu.memory_space<vmem>>[vector<16xi32>], vector<16xf32>,
      %add3A_1596 = arith.addf %add3A_1591, %gather3A_1595 : vector<16xf32>
      %get3A_1597 = arith.index_cast %add3A_1576 : i32 to index
      %get3A_1598 = arith.constant 64 : index
      %get3A_1599 = tpu.vector_load %arg8[%get3A_1597, %get3A_1598] {strides = array<i32>} : memref<32x200xi32, #tpu.memory_space<vmem>>, vector<16xi32>,
      %gather3A_1600 = tpu.vector_load_idx %arg6[%get3A_1599] : memref<100000xf32, #tpu.memory_space<vmem>>[vector<16xi32>], vector<16xf32>,
      %add3A_1601 = arith.addf %add3A_1596, %gather3A_1600 : vector<16xf32>
      %get3A_1602 = arith.index_cast %add3A_1576 : i32 to index
      %get3A_1603 = arith.constant 80 : index
      %get3A_1604 = tpu.vector_load %arg8[%get3A_1602, %get3A_1603] {strides = array<i32>} : memref<32x200xi32, #tpu.memory_space<vmem>>, vector<16xi32>,
      %gather3A_1605 = tpu.vector_load_idx %arg6[%get3A_1604] : memref<100000xf32, #tpu.memory_space<vmem>>[vector<16xi32>], vector<16xf32>,
      %add3A_1606 = arith.addf %add3A_1601, %gather3A_1605 : vector<16xf32>
      %get3A_1607 = arith.index_cast %add3A_1576 : i32 to index
      %get3A_1608 = arith.constant 96 : index
      %get3A_1609 = tpu.vector_load %arg8[%get3A_1607, %get3A_1608] {strides = array<i32>} : memref<32x200xi32, #tpu.memory_space<vmem>>, vector<16xi32>,
      %gather3A_1610 = tpu.vector_load_idx %arg6[%get3A_1609] : memref<100000xf32, #tpu.memory_space<vmem>>[vector<16xi32>], vector<16xf32>,
      %add3A_1611 = arith.addf %add3A_1606, %gather3A_1610 : vector<16xf32>
      %get3A_1612 = arith.index_cast %add3A_1576 : i32 to index
      %get3A_1613 = arith.constant 112 : index
      %get3A_1614 = tpu.vector_load %arg8[%get3A_1612, %get3A_1613] {strides = array<i32>} : memref<32x200xi32, #tpu.memory_space<vmem>>, vector<16xi32>,
      %gather3A_1615 = tpu.vector_load_idx %arg6[%get3A_1614] : memref<100000xf32, #tpu.memory_space<vmem>>[vector<16xi32>], vector<16xf32>,
      %add3A_1616 = arith.addf %add3A_1611, %gather3A_1615 : vector<16xf32>
      %get3A_1617 = arith.index_cast %add3A_1576 : i32 to index
      %get3A_1618 = arith.constant 128 : index
      %get3A_1619 = tpu.vector_load %arg8[%get3A_1617, %get3A_1618] {strides = array<i32>} : memref<32x200xi32, #tpu.memory_space<vmem>>, vector<16xi32>,
      %gather3A_1620 = tpu.vector_load_idx %arg6[%get3A_1619] : memref<100000xf32, #tpu.memory_space<vmem>>[vector<16xi32>], vector<16xf32>,
      %add3A_1621 = arith.addf %add3A_1616, %gather3A_1620 : vector<16xf32>
      %get3A_1622 = arith.index_cast %add3A_1576 : i32 to index
      %get3A_1623 = arith.constant 144 : index
      %get3A_1624 = tpu.vector_load %arg8[%get3A_1622, %get3A_1623] {strides = array<i32>} : memref<32x200xi32, #tpu.memory_space<vmem>>, vector<16xi32>,
      %gather3A_1625 = tpu.vector_load_idx %arg6[%get3A_1624] : memref<100000xf32, #tpu.memory_space<vmem>>[vector<16xi32>], vector<16xf32>,
      %add3A_1626 = arith.addf %add3A_1621, %gather3A_1625 : vector<16xf32>
      %get3A_1627 = arith.index_cast %add3A_1576 : i32 to index
      %get3A_1628 = arith.constant 160 : index
      %get3A_1629 = tpu.vector_load %arg8[%get3A_1627, %get3A_1628] {strides = array<i32>} : memref<32x200xi32, #tpu.memory_space<vmem>>, vector<16xi32>,
      %gather3A_1630 = tpu.vector_load_idx %arg6[%get3A_1629] : memref<100000xf32, #tpu.memory_space<vmem>>[vector<16xi32>], vector<16xf32>,
      %add3A_1631 = arith.addf %add3A_1626, %gather3A_1630 : vector<16xf32>
      %get3A_1632 = arith.index_cast %add3A_1576 : i32 to index
      %get3A_1633 = arith.constant 176 : index
      %get3A_1634 = tpu.vector_load %arg8[%get3A_1632, %get3A_1633] {strides = array<i32>} : memref<32x200xi32, #tpu.memory_space<vmem>>, vector<16xi32>,
      %gather3A_1635 = tpu.vector_load_idx %arg6[%get3A_1634] : memref<100000xf32, #tpu.memory_space<vmem>>[vector<16xi32>], vector<16xf32>,
      %add3A_1636 = arith.addf %add3A_1631, %gather3A_1635 : vector<16xf32>
      %get3A_1637 = arith.index_cast %add3A_1576 : i32 to index
      %get3A_1638 = arith.constant 184 : index
      %get3A_1639 = tpu.vector_load %arg8[%get3A_1637, %get3A_1638] {strides = array<i32>} : memref<32x200xi32, #tpu.memory_space<vmem>>, vector<16xi32>,
      %gather3A_1640 = tpu.vector_load_idx %arg6[%get3A_1639] : memref<100000xf32, #tpu.memory_space<vmem>>[vector<16xi32>], vector<16xf32>,
      %select_n3A_1641 = arith.select %ge3A_17, %gather3A_1640, %broadcast_in_dim3A_18 : vector<16xi1>, vector<16xf32>
      %add3A_1642 = arith.addf %add3A_1636, %select_n3A_1641 : vector<16xf32>
      %add3A_1643 = arith.constant 16 : i32
      %add3A_1644 = arith.addi %add3A_1643, %scan3A_1502 : i32
      %mul3A_1645 = arith.constant 17 : i32
      %mul3A_1646 = arith.muli %add3A_1644, %mul3A_1645 : i32
      %swap3A_1647 = arith.index_cast %mul3A_1646 : i32 to index
      %swap3A_1648 = tpu.vector_load %arg9[%swap3A_1647] {strides = array<i32>} : memref<543xf32, #tpu.memory_space<vmem>>, vector<16xf32>,
      tpu.vector_store %arg9[%swap3A_1647], %add3A_1642 {strides = array<i32>} : memref<543xf32, #tpu.memory_space<vmem>>, vector<16xf32>,
      %scan3A_1649 = arith.constant 1 : i32
      %scan3A_1650 = arith.addi %scan3A_1502, %scan3A_1649 : i32
      %add3A_1651 = arith.constant 0 : i32
      %add3A_1652 = arith.addi %add3A_1651, %scan3A_1650 : i32
      %get3A_1653 = arith.index_cast %add3A_1652 : i32 to index
      %get3A_1654 = arith.constant 0 : index
      %get3A_1655 = tpu.vector_load %arg8[%get3A_1653, %get3A_1654] {strides = array<i32>} : memref<32x200xi32, #tpu.memory_space<vmem>>, vector<16xi32>,
      %gather3A_1656 = tpu.vector_load_idx %arg6[%get3A_1655] : memref<100000xf32, #tpu.memory_space<vmem>>[vector<16xi32>], vector<16xf32>,
      %add3A_1657 = arith.addf %broadcast_in_dim3A_18, %gather3A_1656 : vector<16xf32>
      %get3A_1658 = arith.index_cast %add3A_1652 : i32 to index
      %get3A_1659 = arith.constant 16 : index
      %get3A_1660 = tpu.vector_load %arg8[%get3A_1658, %get3A_1659] {strides = array<i32>} : memref<32x200xi32, #tpu.memory_space<vmem>>, vector<16xi32>,
      %gather3A_1661 = tpu.vector_load_idx %arg6[%get3A_1660] : memref<100000xf32, #tpu.memory_space<vmem>>[vector<16xi32>], vector<16xf32>,
      %add3A_1662 = arith.addf %add3A_1657, %gather3A_1661 : vector<16xf32>
      %get3A_1663 = arith.index_cast %add3A_1652 : i32 to index
      %get3A_1664 = arith.constant 32 : index
      %get3A_1665 = tpu.vector_load %arg8[%get3A_1663, %get3A_1664] {strides = array<i32>} : memref<32x200xi32, #tpu.memory_space<vmem>>, vector<16xi32>,
      %gather3A_1666 = tpu.vector_load_idx %arg6[%get3A_1665] : memref<100000xf32, #tpu.memory_space<vmem>>[vector<16xi32>], vector<16xf32>,
      %add3A_1667 = arith.addf %add3A_1662, %gather3A_1666 : vector<16xf32>
      %get3A_1668 = arith.index_cast %add3A_1652 : i32 to index
      %get3A_1669 = arith.constant 48 : index
      %get3A_1670 = tpu.vector_load %arg8[%get3A_1668, %get3A_1669] {strides = array<i32>} : memref<32x200xi32, #tpu.memory_space<vmem>>, vector<16xi32>,
      %gather3A_1671 = tpu.vector_load_idx %arg6[%get3A_1670] : memref<100000xf32, #tpu.memory_space<vmem>>[vector<16xi32>], vector<16xf32>,
      %add3A_1672 = arith.addf %add3A_1667, %gather3A_1671 : vector<16xf32>
      %get3A_1673 = arith.index_cast %add3A_1652 : i32 to index
      %get3A_1674 = arith.constant 64 : index
      %get3A_1675 = tpu.vector_load %arg8[%get3A_1673, %get3A_1674] {strides = array<i32>} : memref<32x200xi32, #tpu.memory_space<vmem>>, vector<16xi32>,
      %gather3A_1676 = tpu.vector_load_idx %arg6[%get3A_1675] : memref<100000xf32, #tpu.memory_space<vmem>>[vector<16xi32>], vector<16xf32>,
      %add3A_1677 = arith.addf %add3A_1672, %gather3A_1676 : vector<16xf32>
      %get3A_1678 = arith.index_cast %add3A_1652 : i32 to index
      %get3A_1679 = arith.constant 80 : index
      %get3A_1680 = tpu.vector_load %arg8[%get3A_1678, %get3A_1679] {strides = array<i32>} : memref<32x200xi32, #tpu.memory_space<vmem>>, vector<16xi32>,
      %gather3A_1681 = tpu.vector_load_idx %arg6[%get3A_1680] : memref<100000xf32, #tpu.memory_space<vmem>>[vector<16xi32>], vector<16xf32>,
      %add3A_1682 = arith.addf %add3A_1677, %gather3A_1681 : vector<16xf32>
      %get3A_1683 = arith.index_cast %add3A_1652 : i32 to index
      %get3A_1684 = arith.constant 96 : index
      %get3A_1685 = tpu.vector_load %arg8[%get3A_1683, %get3A_1684] {strides = array<i32>} : memref<32x200xi32, #tpu.memory_space<vmem>>, vector<16xi32>,
      %gather3A_1686 = tpu.vector_load_idx %arg6[%get3A_1685] : memref<100000xf32, #tpu.memory_space<vmem>>[vector<16xi32>], vector<16xf32>,
      %add3A_1687 = arith.addf %add3A_1682, %gather3A_1686 : vector<16xf32>
      %get3A_1688 = arith.index_cast %add3A_1652 : i32 to index
      %get3A_1689 = arith.constant 112 : index
      %get3A_1690 = tpu.vector_load %arg8[%get3A_1688, %get3A_1689] {strides = array<i32>} : memref<32x200xi32, #tpu.memory_space<vmem>>, vector<16xi32>,
      %gather3A_1691 = tpu.vector_load_idx %arg6[%get3A_1690] : memref<100000xf32, #tpu.memory_space<vmem>>[vector<16xi32>], vector<16xf32>,
      %add3A_1692 = arith.addf %add3A_1687, %gather3A_1691 : vector<16xf32>
      %get3A_1693 = arith.index_cast %add3A_1652 : i32 to index
      %get3A_1694 = arith.constant 128 : index
      %get3A_1695 = tpu.vector_load %arg8[%get3A_1693, %get3A_1694] {strides = array<i32>} : memref<32x200xi32, #tpu.memory_space<vmem>>, vector<16xi32>,
      %gather3A_1696 = tpu.vector_load_idx %arg6[%get3A_1695] : memref<100000xf32, #tpu.memory_space<vmem>>[vector<16xi32>], vector<16xf32>,
      %add3A_1697 = arith.addf %add3A_1692, %gather3A_1696 : vector<16xf32>
      %get3A_1698 = arith.index_cast %add3A_1652 : i32 to index
      %get3A_1699 = arith.constant 144 : index
      %get3A_1700 = tpu.vector_load %arg8[%get3A_1698, %get3A_1699] {strides = array<i32>} : memref<32x200xi32, #tpu.memory_space<vmem>>, vector<16xi32>,
      %gather3A_1701 = tpu.vector_load_idx %arg6[%get3A_1700] : memref<100000xf32, #tpu.memory_space<vmem>>[vector<16xi32>], vector<16xf32>,
      %add3A_1702 = arith.addf %add3A_1697, %gather3A_1701 : vector<16xf32>
      %get3A_1703 = arith.index_cast %add3A_1652 : i32 to index
      %get3A_1704 = arith.constant 160 : index
      %get3A_1705 = tpu.vector_load %arg8[%get3A_1703, %get3A_1704] {strides = array<i32>} : memref<32x200xi32, #tpu.memory_space<vmem>>, vector<16xi32>,
      %gather3A_1706 = tpu.vector_load_idx %arg6[%get3A_1705] : memref<100000xf32, #tpu.memory_space<vmem>>[vector<16xi32>], vector<16xf32>,
      %add3A_1707 = arith.addf %add3A_1702, %gather3A_1706 : vector<16xf32>
      %get3A_1708 = arith.index_cast %add3A_1652 : i32 to index
      %get3A_1709 = arith.constant 176 : index
      %get3A_1710 = tpu.vector_load %arg8[%get3A_1708, %get3A_1709] {strides = array<i32>} : memref<32x200xi32, #tpu.memory_space<vmem>>, vector<16xi32>,
      %gather3A_1711 = tpu.vector_load_idx %arg6[%get3A_1710] : memref<100000xf32, #tpu.memory_space<vmem>>[vector<16xi32>], vector<16xf32>,
      %add3A_1712 = arith.addf %add3A_1707, %gather3A_1711 : vector<16xf32>
      %get3A_1713 = arith.index_cast %add3A_1652 : i32 to index
      %get3A_1714 = arith.constant 184 : index
      %get3A_1715 = tpu.vector_load %arg8[%get3A_1713, %get3A_1714] {strides = array<i32>} : memref<32x200xi32, #tpu.memory_space<vmem>>, vector<16xi32>,
      %gather3A_1716 = tpu.vector_load_idx %arg6[%get3A_1715] : memref<100000xf32, #tpu.memory_space<vmem>>[vector<16xi32>], vector<16xf32>,
      %select_n3A_1717 = arith.select %ge3A_17, %gather3A_1716, %broadcast_in_dim3A_18 : vector<16xi1>, vector<16xf32>
      %add3A_1718 = arith.addf %add3A_1712, %select_n3A_1717 : vector<16xf32>
      %add3A_1719 = arith.constant 0 : i32
      %add3A_1720 = arith.addi %add3A_1719, %scan3A_1650 : i32
      %mul3A_1721 = arith.constant 17 : i32
      %mul3A_1722 = arith.muli %add3A_1720, %mul3A_1721 : i32
      %swap3A_1723 = arith.index_cast %mul3A_1722 : i32 to index
      %swap3A_1724 = tpu.vector_load %arg9[%swap3A_1723] {strides = array<i32>} : memref<543xf32, #tpu.memory_space<vmem>>, vector<16xf32>,
      tpu.vector_store %arg9[%swap3A_1723], %add3A_1718 {strides = array<i32>} : memref<543xf32, #tpu.memory_space<vmem>>, vector<16xf32>,
      %add3A_1725 = arith.constant 16 : i32
      %add3A_1726 = arith.addi %add3A_1725, %scan3A_1650 : i32
      %get3A_1727 = arith.index_cast %add3A_1726 : i32 to index
      %get3A_1728 = arith.constant 0 : index
      %get3A_1729 = tpu.vector_load %arg8[%get3A_1727, %get3A_1728] {strides = array<i32>} : memref<32x200xi32, #tpu.memory_space<vmem>>, vector<16xi32>,
      %gather3A_1730 = tpu.vector_load_idx %arg6[%get3A_1729] : memref<100000xf32, #tpu.memory_space<vmem>>[vector<16xi32>], vector<16xf32>,
      %add3A_1731 = arith.addf %broadcast_in_dim3A_18, %gather3A_1730 : vector<16xf32>
      %get3A_1732 = arith.index_cast %add3A_1726 : i32 to index
      %get3A_1733 = arith.constant 16 : index
      %get3A_1734 = tpu.vector_load %arg8[%get3A_1732, %get3A_1733] {strides = array<i32>} : memref<32x200xi32, #tpu.memory_space<vmem>>, vector<16xi32>,
      %gather3A_1735 = tpu.vector_load_idx %arg6[%get3A_1734] : memref<100000xf32, #tpu.memory_space<vmem>>[vector<16xi32>], vector<16xf32>,
      %add3A_1736 = arith.addf %add3A_1731, %gather3A_1735 : vector<16xf32>
      %get3A_1737 = arith.index_cast %add3A_1726 : i32 to index
      %get3A_1738 = arith.constant 32 : index
      %get3A_1739 = tpu.vector_load %arg8[%get3A_1737, %get3A_1738] {strides = array<i32>} : memref<32x200xi32, #tpu.memory_space<vmem>>, vector<16xi32>,
      %gather3A_1740 = tpu.vector_load_idx %arg6[%get3A_1739] : memref<100000xf32, #tpu.memory_space<vmem>>[vector<16xi32>], vector<16xf32>,
      %add3A_1741 = arith.addf %add3A_1736, %gather3A_1740 : vector<16xf32>
      %get3A_1742 = arith.index_cast %add3A_1726 : i32 to index
      %get3A_1743 = arith.constant 48 : index
      %get3A_1744 = tpu.vector_load %arg8[%get3A_1742, %get3A_1743] {strides = array<i32>} : memref<32x200xi32, #tpu.memory_space<vmem>>, vector<16xi32>,
      %gather3A_1745 = tpu.vector_load_idx %arg6[%get3A_1744] : memref<100000xf32, #tpu.memory_space<vmem>>[vector<16xi32>], vector<16xf32>,
      %add3A_1746 = arith.addf %add3A_1741, %gather3A_1745 : vector<16xf32>
      %get3A_1747 = arith.index_cast %add3A_1726 : i32 to index
      %get3A_1748 = arith.constant 64 : index
      %get3A_1749 = tpu.vector_load %arg8[%get3A_1747, %get3A_1748] {strides = array<i32>} : memref<32x200xi32, #tpu.memory_space<vmem>>, vector<16xi32>,
      %gather3A_1750 = tpu.vector_load_idx %arg6[%get3A_1749] : memref<100000xf32, #tpu.memory_space<vmem>>[vector<16xi32>], vector<16xf32>,
      %add3A_1751 = arith.addf %add3A_1746, %gather3A_1750 : vector<16xf32>
      %get3A_1752 = arith.index_cast %add3A_1726 : i32 to index
      %get3A_1753 = arith.constant 80 : index
      %get3A_1754 = tpu.vector_load %arg8[%get3A_1752, %get3A_1753] {strides = array<i32>} : memref<32x200xi32, #tpu.memory_space<vmem>>, vector<16xi32>,
      %gather3A_1755 = tpu.vector_load_idx %arg6[%get3A_1754] : memref<100000xf32, #tpu.memory_space<vmem>>[vector<16xi32>], vector<16xf32>,
      %add3A_1756 = arith.addf %add3A_1751, %gather3A_1755 : vector<16xf32>
      %get3A_1757 = arith.index_cast %add3A_1726 : i32 to index
      %get3A_1758 = arith.constant 96 : index
      %get3A_1759 = tpu.vector_load %arg8[%get3A_1757, %get3A_1758] {strides = array<i32>} : memref<32x200xi32, #tpu.memory_space<vmem>>, vector<16xi32>,
      %gather3A_1760 = tpu.vector_load_idx %arg6[%get3A_1759] : memref<100000xf32, #tpu.memory_space<vmem>>[vector<16xi32>], vector<16xf32>,
      %add3A_1761 = arith.addf %add3A_1756, %gather3A_1760 : vector<16xf32>
      %get3A_1762 = arith.index_cast %add3A_1726 : i32 to index
      %get3A_1763 = arith.constant 112 : index
      %get3A_1764 = tpu.vector_load %arg8[%get3A_1762, %get3A_1763] {strides = array<i32>} : memref<32x200xi32, #tpu.memory_space<vmem>>, vector<16xi32>,
      %gather3A_1765 = tpu.vector_load_idx %arg6[%get3A_1764] : memref<100000xf32, #tpu.memory_space<vmem>>[vector<16xi32>], vector<16xf32>,
      %add3A_1766 = arith.addf %add3A_1761, %gather3A_1765 : vector<16xf32>
      %get3A_1767 = arith.index_cast %add3A_1726 : i32 to index
      %get3A_1768 = arith.constant 128 : index
      %get3A_1769 = tpu.vector_load %arg8[%get3A_1767, %get3A_1768] {strides = array<i32>} : memref<32x200xi32, #tpu.memory_space<vmem>>, vector<16xi32>,
      %gather3A_1770 = tpu.vector_load_idx %arg6[%get3A_1769] : memref<100000xf32, #tpu.memory_space<vmem>>[vector<16xi32>], vector<16xf32>,
      %add3A_1771 = arith.addf %add3A_1766, %gather3A_1770 : vector<16xf32>
      %get3A_1772 = arith.index_cast %add3A_1726 : i32 to index
      %get3A_1773 = arith.constant 144 : index
      %get3A_1774 = tpu.vector_load %arg8[%get3A_1772, %get3A_1773] {strides = array<i32>} : memref<32x200xi32, #tpu.memory_space<vmem>>, vector<16xi32>,
      %gather3A_1775 = tpu.vector_load_idx %arg6[%get3A_1774] : memref<100000xf32, #tpu.memory_space<vmem>>[vector<16xi32>], vector<16xf32>,
      %add3A_1776 = arith.addf %add3A_1771, %gather3A_1775 : vector<16xf32>
      %get3A_1777 = arith.index_cast %add3A_1726 : i32 to index
      %get3A_1778 = arith.constant 160 : index
      %get3A_1779 = tpu.vector_load %arg8[%get3A_1777, %get3A_1778] {strides = array<i32>} : memref<32x200xi32, #tpu.memory_space<vmem>>, vector<16xi32>,
      %gather3A_1780 = tpu.vector_load_idx %arg6[%get3A_1779] : memref<100000xf32, #tpu.memory_space<vmem>>[vector<16xi32>], vector<16xf32>,
      %add3A_1781 = arith.addf %add3A_1776, %gather3A_1780 : vector<16xf32>
      %get3A_1782 = arith.index_cast %add3A_1726 : i32 to index
      %get3A_1783 = arith.constant 176 : index
      %get3A_1784 = tpu.vector_load %arg8[%get3A_1782, %get3A_1783] {strides = array<i32>} : memref<32x200xi32, #tpu.memory_space<vmem>>, vector<16xi32>,
      %gather3A_1785 = tpu.vector_load_idx %arg6[%get3A_1784] : memref<100000xf32, #tpu.memory_space<vmem>>[vector<16xi32>], vector<16xf32>,
      %add3A_1786 = arith.addf %add3A_1781, %gather3A_1785 : vector<16xf32>
      %get3A_1787 = arith.index_cast %add3A_1726 : i32 to index
      %get3A_1788 = arith.constant 184 : index
      %get3A_1789 = tpu.vector_load %arg8[%get3A_1787, %get3A_1788] {strides = array<i32>} : memref<32x200xi32, #tpu.memory_space<vmem>>, vector<16xi32>,
      %gather3A_1790 = tpu.vector_load_idx %arg6[%get3A_1789] : memref<100000xf32, #tpu.memory_space<vmem>>[vector<16xi32>], vector<16xf32>,
      %select_n3A_1791 = arith.select %ge3A_17, %gather3A_1790, %broadcast_in_dim3A_18 : vector<16xi1>, vector<16xf32>
      %add3A_1792 = arith.addf %add3A_1786, %select_n3A_1791 : vector<16xf32>
      %add3A_1793 = arith.constant 16 : i32
      %add3A_1794 = arith.addi %add3A_1793, %scan3A_1650 : i32
      %mul3A_1795 = arith.constant 17 : i32
      %mul3A_1796 = arith.muli %add3A_1794, %mul3A_1795 : i32
      %swap3A_1797 = arith.index_cast %mul3A_1796 : i32 to index
      %swap3A_1798 = tpu.vector_load %arg9[%swap3A_1797] {strides = array<i32>} : memref<543xf32, #tpu.memory_space<vmem>>, vector<16xf32>,
      tpu.vector_store %arg9[%swap3A_1797], %add3A_1792 {strides = array<i32>} : memref<543xf32, #tpu.memory_space<vmem>>, vector<16xf32>,
    }
    %scan3A_400 = arith.constant 16 : i32
    %add3A_401 = arith.constant 0 : i32
    %add3A_402 = vector.broadcast %add3A_401 : i32 to vector<16xi32>
    %add3A_403 = arith.addi %iota3A, %add3A_402 : vector<16xi32>
    %mul3A_404 = arith.constant 17 : i32
    %mul3A_405 = vector.broadcast %mul3A_404 : i32 to vector<16xi32>
    %mul3A_406 = arith.muli %add3A_403, %mul3A_405 : vector<16xi32>
    %add3A_407 = arith.constant 0 : i32
    %add3A_408 = vector.broadcast %add3A_407 : i32 to vector<16xi32>
    %add3A_409 = arith.addi %mul3A_406, %add3A_408 : vector<16xi32>
    %gather3A_410 = tpu.vector_load_idx %arg9[%add3A_409] : memref<543xf32, #tpu.memory_space<vmem>>[vector<16xi32>], vector<16xf32>,
    %add3A_411 = arith.addf %broadcast_in_dim3A_18, %gather3A_410 : vector<16xf32>
    %add3A_412 = arith.constant 0 : i32
    %add3A_413 = vector.broadcast %add3A_412 : i32 to vector<16xi32>
    %add3A_414 = arith.addi %iota3A, %add3A_413 : vector<16xi32>
    %mul3A_415 = arith.constant 17 : i32
    %mul3A_416 = vector.broadcast %mul3A_415 : i32 to vector<16xi32>
    %mul3A_417 = arith.muli %add3A_414, %mul3A_416 : vector<16xi32>
    %add3A_418 = arith.constant 1 : i32
    %add3A_419 = vector.broadcast %add3A_418 : i32 to vector<16xi32>
    %add3A_420 = arith.addi %mul3A_417, %add3A_419 : vector<16xi32>
    %gather3A_421 = tpu.vector_load_idx %arg9[%add3A_420] : memref<543xf32, #tpu.memory_space<vmem>>[vector<16xi32>], vector<16xf32>,
    %add3A_422 = arith.addf %add3A_411, %gather3A_421 : vector<16xf32>
    %add3A_423 = arith.constant 0 : i32
    %add3A_424 = vector.broadcast %add3A_423 : i32 to vector<16xi32>
    %add3A_425 = arith.addi %iota3A, %add3A_424 : vector<16xi32>
    %mul3A_426 = arith.constant 17 : i32
    %mul3A_427 = vector.broadcast %mul3A_426 : i32 to vector<16xi32>
    %mul3A_428 = arith.muli %add3A_425, %mul3A_427 : vector<16xi32>
    %add3A_429 = arith.constant 2 : i32
    %add3A_430 = vector.broadcast %add3A_429 : i32 to vector<16xi32>
    %add3A_431 = arith.addi %mul3A_428, %add3A_430 : vector<16xi32>
    %gather3A_432 = tpu.vector_load_idx %arg9[%add3A_431] : memref<543xf32, #tpu.memory_space<vmem>>[vector<16xi32>], vector<16xf32>,
    %add3A_433 = arith.addf %add3A_422, %gather3A_432 : vector<16xf32>
    %add3A_434 = arith.constant 0 : i32
    %add3A_435 = vector.broadcast %add3A_434 : i32 to vector<16xi32>
    %add3A_436 = arith.addi %iota3A, %add3A_435 : vector<16xi32>
    %mul3A_437 = arith.constant 17 : i32
    %mul3A_438 = vector.broadcast %mul3A_437 : i32 to vector<16xi32>
    %mul3A_439 = arith.muli %add3A_436, %mul3A_438 : vector<16xi32>
    %add3A_440 = arith.constant 3 : i32
    %add3A_441 = vector.broadcast %add3A_440 : i32 to vector<16xi32>
    %add3A_442 = arith.addi %mul3A_439, %add3A_441 : vector<16xi32>
    %gather3A_443 = tpu.vector_load_idx %arg9[%add3A_442] : memref<543xf32, #tpu.memory_space<vmem>>[vector<16xi32>], vector<16xf32>,
    %add3A_444 = arith.addf %add3A_433, %gather3A_443 : vector<16xf32>
    %add3A_445 = arith.constant 0 : i32
    %add3A_446 = vector.broadcast %add3A_445 : i32 to vector<16xi32>
    %add3A_447 = arith.addi %iota3A, %add3A_446 : vector<16xi32>
    %mul3A_448 = arith.constant 17 : i32
    %mul3A_449 = vector.broadcast %mul3A_448 : i32 to vector<16xi32>
    %mul3A_450 = arith.muli %add3A_447, %mul3A_449 : vector<16xi32>
    %add3A_451 = arith.constant 4 : i32
    %add3A_452 = vector.broadcast %add3A_451 : i32 to vector<16xi32>
    %add3A_453 = arith.addi %mul3A_450, %add3A_452 : vector<16xi32>
    %gather3A_454 = tpu.vector_load_idx %arg9[%add3A_453] : memref<543xf32, #tpu.memory_space<vmem>>[vector<16xi32>], vector<16xf32>,
    %add3A_455 = arith.addf %add3A_444, %gather3A_454 : vector<16xf32>
    %add3A_456 = arith.constant 0 : i32
    %add3A_457 = vector.broadcast %add3A_456 : i32 to vector<16xi32>
    %add3A_458 = arith.addi %iota3A, %add3A_457 : vector<16xi32>
    %mul3A_459 = arith.constant 17 : i32
    %mul3A_460 = vector.broadcast %mul3A_459 : i32 to vector<16xi32>
    %mul3A_461 = arith.muli %add3A_458, %mul3A_460 : vector<16xi32>
    %add3A_462 = arith.constant 5 : i32
    %add3A_463 = vector.broadcast %add3A_462 : i32 to vector<16xi32>
    %add3A_464 = arith.addi %mul3A_461, %add3A_463 : vector<16xi32>
    %gather3A_465 = tpu.vector_load_idx %arg9[%add3A_464] : memref<543xf32, #tpu.memory_space<vmem>>[vector<16xi32>], vector<16xf32>,
    %add3A_466 = arith.addf %add3A_455, %gather3A_465 : vector<16xf32>
    %add3A_467 = arith.constant 0 : i32
    %add3A_468 = vector.broadcast %add3A_467 : i32 to vector<16xi32>
    %add3A_469 = arith.addi %iota3A, %add3A_468 : vector<16xi32>
    %mul3A_470 = arith.constant 17 : i32
    %mul3A_471 = vector.broadcast %mul3A_470 : i32 to vector<16xi32>
    %mul3A_472 = arith.muli %add3A_469, %mul3A_471 : vector<16xi32>
    %add3A_473 = arith.constant 6 : i32
    %add3A_474 = vector.broadcast %add3A_473 : i32 to vector<16xi32>
    %add3A_475 = arith.addi %mul3A_472, %add3A_474 : vector<16xi32>
    %gather3A_476 = tpu.vector_load_idx %arg9[%add3A_475] : memref<543xf32, #tpu.memory_space<vmem>>[vector<16xi32>], vector<16xf32>,
    %add3A_477 = arith.addf %add3A_466, %gather3A_476 : vector<16xf32>
    %add3A_478 = arith.constant 0 : i32
    %add3A_479 = vector.broadcast %add3A_478 : i32 to vector<16xi32>
    %add3A_480 = arith.addi %iota3A, %add3A_479 : vector<16xi32>
    %mul3A_481 = arith.constant 17 : i32
    %mul3A_482 = vector.broadcast %mul3A_481 : i32 to vector<16xi32>
    %mul3A_483 = arith.muli %add3A_480, %mul3A_482 : vector<16xi32>
    %add3A_484 = arith.constant 7 : i32
    %add3A_485 = vector.broadcast %add3A_484 : i32 to vector<16xi32>
    %add3A_486 = arith.addi %mul3A_483, %add3A_485 : vector<16xi32>
    %gather3A_487 = tpu.vector_load_idx %arg9[%add3A_486] : memref<543xf32, #tpu.memory_space<vmem>>[vector<16xi32>], vector<16xf32>,
    %add3A_488 = arith.addf %add3A_477, %gather3A_487 : vector<16xf32>
    %add3A_489 = arith.constant 0 : i32
    %add3A_490 = vector.broadcast %add3A_489 : i32 to vector<16xi32>
    %add3A_491 = arith.addi %iota3A, %add3A_490 : vector<16xi32>
    %mul3A_492 = arith.constant 17 : i32
    %mul3A_493 = vector.broadcast %mul3A_492 : i32 to vector<16xi32>
    %mul3A_494 = arith.muli %add3A_491, %mul3A_493 : vector<16xi32>
    %add3A_495 = arith.constant 8 : i32
    %add3A_496 = vector.broadcast %add3A_495 : i32 to vector<16xi32>
    %add3A_497 = arith.addi %mul3A_494, %add3A_496 : vector<16xi32>
    %gather3A_498 = tpu.vector_load_idx %arg9[%add3A_497] : memref<543xf32, #tpu.memory_space<vmem>>[vector<16xi32>], vector<16xf32>,
    %add3A_499 = arith.addf %add3A_488, %gather3A_498 : vector<16xf32>
    %add3A_500 = arith.constant 0 : i32
    %add3A_501 = vector.broadcast %add3A_500 : i32 to vector<16xi32>
    %add3A_502 = arith.addi %iota3A, %add3A_501 : vector<16xi32>
    %mul3A_503 = arith.constant 17 : i32
    %mul3A_504 = vector.broadcast %mul3A_503 : i32 to vector<16xi32>
    %mul3A_505 = arith.muli %add3A_502, %mul3A_504 : vector<16xi32>
    %add3A_506 = arith.constant 9 : i32
    %add3A_507 = vector.broadcast %add3A_506 : i32 to vector<16xi32>
    %add3A_508 = arith.addi %mul3A_505, %add3A_507 : vector<16xi32>
    %gather3A_509 = tpu.vector_load_idx %arg9[%add3A_508] : memref<543xf32, #tpu.memory_space<vmem>>[vector<16xi32>], vector<16xf32>,
    %add3A_510 = arith.addf %add3A_499, %gather3A_509 : vector<16xf32>
    %add3A_511 = arith.constant 0 : i32
    %add3A_512 = vector.broadcast %add3A_511 : i32 to vector<16xi32>
    %add3A_513 = arith.addi %iota3A, %add3A_512 : vector<16xi32>
    %mul3A_514 = arith.constant 17 : i32
    %mul3A_515 = vector.broadcast %mul3A_514 : i32 to vector<16xi32>
    %mul3A_516 = arith.muli %add3A_513, %mul3A_515 : vector<16xi32>
    %add3A_517 = arith.constant 10 : i32
    %add3A_518 = vector.broadcast %add3A_517 : i32 to vector<16xi32>
    %add3A_519 = arith.addi %mul3A_516, %add3A_518 : vector<16xi32>
    %gather3A_520 = tpu.vector_load_idx %arg9[%add3A_519] : memref<543xf32, #tpu.memory_space<vmem>>[vector<16xi32>], vector<16xf32>,
    %add3A_521 = arith.addf %add3A_510, %gather3A_520 : vector<16xf32>
    %add3A_522 = arith.constant 0 : i32
    %add3A_523 = vector.broadcast %add3A_522 : i32 to vector<16xi32>
    %add3A_524 = arith.addi %iota3A, %add3A_523 : vector<16xi32>
    %mul3A_525 = arith.constant 17 : i32
    %mul3A_526 = vector.broadcast %mul3A_525 : i32 to vector<16xi32>
    %mul3A_527 = arith.muli %add3A_524, %mul3A_526 : vector<16xi32>
    %add3A_528 = arith.constant 11 : i32
    %add3A_529 = vector.broadcast %add3A_528 : i32 to vector<16xi32>
    %add3A_530 = arith.addi %mul3A_527, %add3A_529 : vector<16xi32>
    %gather3A_531 = tpu.vector_load_idx %arg9[%add3A_530] : memref<543xf32, #tpu.memory_space<vmem>>[vector<16xi32>], vector<16xf32>,
    %add3A_532 = arith.addf %add3A_521, %gather3A_531 : vector<16xf32>
    %add3A_533 = arith.constant 0 : i32
    %add3A_534 = vector.broadcast %add3A_533 : i32 to vector<16xi32>
    %add3A_535 = arith.addi %iota3A, %add3A_534 : vector<16xi32>
    %mul3A_536 = arith.constant 17 : i32
    %mul3A_537 = vector.broadcast %mul3A_536 : i32 to vector<16xi32>
    %mul3A_538 = arith.muli %add3A_535, %mul3A_537 : vector<16xi32>
    %add3A_539 = arith.constant 12 : i32
    %add3A_540 = vector.broadcast %add3A_539 : i32 to vector<16xi32>
    %add3A_541 = arith.addi %mul3A_538, %add3A_540 : vector<16xi32>
    %gather3A_542 = tpu.vector_load_idx %arg9[%add3A_541] : memref<543xf32, #tpu.memory_space<vmem>>[vector<16xi32>], vector<16xf32>,
    %add3A_543 = arith.addf %add3A_532, %gather3A_542 : vector<16xf32>
    %add3A_544 = arith.constant 0 : i32
    %add3A_545 = vector.broadcast %add3A_544 : i32 to vector<16xi32>
    %add3A_546 = arith.addi %iota3A, %add3A_545 : vector<16xi32>
    %mul3A_547 = arith.constant 17 : i32
    %mul3A_548 = vector.broadcast %mul3A_547 : i32 to vector<16xi32>
    %mul3A_549 = arith.muli %add3A_546, %mul3A_548 : vector<16xi32>
    %add3A_550 = arith.constant 13 : i32
    %add3A_551 = vector.broadcast %add3A_550 : i32 to vector<16xi32>
    %add3A_552 = arith.addi %mul3A_549, %add3A_551 : vector<16xi32>
    %gather3A_553 = tpu.vector_load_idx %arg9[%add3A_552] : memref<543xf32, #tpu.memory_space<vmem>>[vector<16xi32>], vector<16xf32>,
    %add3A_554 = arith.addf %add3A_543, %gather3A_553 : vector<16xf32>
    %add3A_555 = arith.constant 0 : i32
    %add3A_556 = vector.broadcast %add3A_555 : i32 to vector<16xi32>
    %add3A_557 = arith.addi %iota3A, %add3A_556 : vector<16xi32>
    %mul3A_558 = arith.constant 17 : i32
    %mul3A_559 = vector.broadcast %mul3A_558 : i32 to vector<16xi32>
    %mul3A_560 = arith.muli %add3A_557, %mul3A_559 : vector<16xi32>
    %add3A_561 = arith.constant 14 : i32
    %add3A_562 = vector.broadcast %add3A_561 : i32 to vector<16xi32>
    %add3A_563 = arith.addi %mul3A_560, %add3A_562 : vector<16xi32>
    %gather3A_564 = tpu.vector_load_idx %arg9[%add3A_563] : memref<543xf32, #tpu.memory_space<vmem>>[vector<16xi32>], vector<16xf32>,
    %add3A_565 = arith.addf %add3A_554, %gather3A_564 : vector<16xf32>
    %add3A_566 = arith.constant 0 : i32
    %add3A_567 = vector.broadcast %add3A_566 : i32 to vector<16xi32>
    %add3A_568 = arith.addi %iota3A, %add3A_567 : vector<16xi32>
    %mul3A_569 = arith.constant 17 : i32
    %mul3A_570 = vector.broadcast %mul3A_569 : i32 to vector<16xi32>
    %mul3A_571 = arith.muli %add3A_568, %mul3A_570 : vector<16xi32>
    %add3A_572 = arith.constant 15 : i32
    %add3A_573 = vector.broadcast %add3A_572 : i32 to vector<16xi32>
    %add3A_574 = arith.addi %mul3A_571, %add3A_573 : vector<16xi32>
    %gather3A_575 = tpu.vector_load_idx %arg9[%add3A_574] : memref<543xf32, #tpu.memory_space<vmem>>[vector<16xi32>], vector<16xf32>,
    %add3A_576 = arith.addf %add3A_565, %gather3A_575 : vector<16xf32>
    %swap3A_577 = arith.constant 32 : index
    %swap3A_578 = tpu.vector_load %arg10[%swap3A_577] {strides = array<i32>} : memref<128xf32, #tpu.memory_space<vmem>>, vector<16xf32>,
    tpu.vector_store %arg10[%swap3A_577], %add3A_576 {strides = array<i32>} : memref<128xf32, #tpu.memory_space<vmem>>, vector<16xf32>,
    %add3A_579 = arith.constant 16 : i32
    %add3A_580 = vector.broadcast %add3A_579 : i32 to vector<16xi32>
    %add3A_581 = arith.addi %iota3A, %add3A_580 : vector<16xi32>
    %mul3A_582 = arith.constant 17 : i32
    %mul3A_583 = vector.broadcast %mul3A_582 : i32 to vector<16xi32>
    %mul3A_584 = arith.muli %add3A_581, %mul3A_583 : vector<16xi32>
    %add3A_585 = arith.constant 0 : i32
    %add3A_586 = vector.broadcast %add3A_585 : i32 to vector<16xi32>
    %add3A_587 = arith.addi %mul3A_584, %add3A_586 : vector<16xi32>
    %gather3A_588 = tpu.vector_load_idx %arg9[%add3A_587] : memref<543xf32, #tpu.memory_space<vmem>>[vector<16xi32>], vector<16xf32>,
    %add3A_589 = arith.addf %broadcast_in_dim3A_18, %gather3A_588 : vector<16xf32>
    %add3A_590 = arith.constant 16 : i32
    %add3A_591 = vector.broadcast %add3A_590 : i32 to vector<16xi32>
    %add3A_592 = arith.addi %iota3A, %add3A_591 : vector<16xi32>
    %mul3A_593 = arith.constant 17 : i32
    %mul3A_594 = vector.broadcast %mul3A_593 : i32 to vector<16xi32>
    %mul3A_595 = arith.muli %add3A_592, %mul3A_594 : vector<16xi32>
    %add3A_596 = arith.constant 1 : i32
    %add3A_597 = vector.broadcast %add3A_596 : i32 to vector<16xi32>
    %add3A_598 = arith.addi %mul3A_595, %add3A_597 : vector<16xi32>
    %gather3A_599 = tpu.vector_load_idx %arg9[%add3A_598] : memref<543xf32, #tpu.memory_space<vmem>>[vector<16xi32>], vector<16xf32>,
    %add3A_600 = arith.addf %add3A_589, %gather3A_599 : vector<16xf32>
    %add3A_601 = arith.constant 16 : i32
    %add3A_602 = vector.broadcast %add3A_601 : i32 to vector<16xi32>
    %add3A_603 = arith.addi %iota3A, %add3A_602 : vector<16xi32>
    %mul3A_604 = arith.constant 17 : i32
    %mul3A_605 = vector.broadcast %mul3A_604 : i32 to vector<16xi32>
    %mul3A_606 = arith.muli %add3A_603, %mul3A_605 : vector<16xi32>
    %add3A_607 = arith.constant 2 : i32
    %add3A_608 = vector.broadcast %add3A_607 : i32 to vector<16xi32>
    %add3A_609 = arith.addi %mul3A_606, %add3A_608 : vector<16xi32>
    %gather3A_610 = tpu.vector_load_idx %arg9[%add3A_609] : memref<543xf32, #tpu.memory_space<vmem>>[vector<16xi32>], vector<16xf32>,
    %add3A_611 = arith.addf %add3A_600, %gather3A_610 : vector<16xf32>
    %add3A_612 = arith.constant 16 : i32
    %add3A_613 = vector.broadcast %add3A_612 : i32 to vector<16xi32>
    %add3A_614 = arith.addi %iota3A, %add3A_613 : vector<16xi32>
    %mul3A_615 = arith.constant 17 : i32
    %mul3A_616 = vector.broadcast %mul3A_615 : i32 to vector<16xi32>
    %mul3A_617 = arith.muli %add3A_614, %mul3A_616 : vector<16xi32>
    %add3A_618 = arith.constant 3 : i32
    %add3A_619 = vector.broadcast %add3A_618 : i32 to vector<16xi32>
    %add3A_620 = arith.addi %mul3A_617, %add3A_619 : vector<16xi32>
    %gather3A_621 = tpu.vector_load_idx %arg9[%add3A_620] : memref<543xf32, #tpu.memory_space<vmem>>[vector<16xi32>], vector<16xf32>,
    %add3A_622 = arith.addf %add3A_611, %gather3A_621 : vector<16xf32>
    %add3A_623 = arith.constant 16 : i32
    %add3A_624 = vector.broadcast %add3A_623 : i32 to vector<16xi32>
    %add3A_625 = arith.addi %iota3A, %add3A_624 : vector<16xi32>
    %mul3A_626 = arith.constant 17 : i32
    %mul3A_627 = vector.broadcast %mul3A_626 : i32 to vector<16xi32>
    %mul3A_628 = arith.muli %add3A_625, %mul3A_627 : vector<16xi32>
    %add3A_629 = arith.constant 4 : i32
    %add3A_630 = vector.broadcast %add3A_629 : i32 to vector<16xi32>
    %add3A_631 = arith.addi %mul3A_628, %add3A_630 : vector<16xi32>
    %gather3A_632 = tpu.vector_load_idx %arg9[%add3A_631] : memref<543xf32, #tpu.memory_space<vmem>>[vector<16xi32>], vector<16xf32>,
    %add3A_633 = arith.addf %add3A_622, %gather3A_632 : vector<16xf32>
    %add3A_634 = arith.constant 16 : i32
    %add3A_635 = vector.broadcast %add3A_634 : i32 to vector<16xi32>
    %add3A_636 = arith.addi %iota3A, %add3A_635 : vector<16xi32>
    %mul3A_637 = arith.constant 17 : i32
    %mul3A_638 = vector.broadcast %mul3A_637 : i32 to vector<16xi32>
    %mul3A_639 = arith.muli %add3A_636, %mul3A_638 : vector<16xi32>
    %add3A_640 = arith.constant 5 : i32
    %add3A_641 = vector.broadcast %add3A_640 : i32 to vector<16xi32>
    %add3A_642 = arith.addi %mul3A_639, %add3A_641 : vector<16xi32>
    %gather3A_643 = tpu.vector_load_idx %arg9[%add3A_642] : memref<543xf32, #tpu.memory_space<vmem>>[vector<16xi32>], vector<16xf32>,
    %add3A_644 = arith.addf %add3A_633, %gather3A_643 : vector<16xf32>
    %add3A_645 = arith.constant 16 : i32
    %add3A_646 = vector.broadcast %add3A_645 : i32 to vector<16xi32>
    %add3A_647 = arith.addi %iota3A, %add3A_646 : vector<16xi32>
    %mul3A_648 = arith.constant 17 : i32
    %mul3A_649 = vector.broadcast %mul3A_648 : i32 to vector<16xi32>
    %mul3A_650 = arith.muli %add3A_647, %mul3A_649 : vector<16xi32>
    %add3A_651 = arith.constant 6 : i32
    %add3A_652 = vector.broadcast %add3A_651 : i32 to vector<16xi32>
    %add3A_653 = arith.addi %mul3A_650, %add3A_652 : vector<16xi32>
    %gather3A_654 = tpu.vector_load_idx %arg9[%add3A_653] : memref<543xf32, #tpu.memory_space<vmem>>[vector<16xi32>], vector<16xf32>,
    %add3A_655 = arith.addf %add3A_644, %gather3A_654 : vector<16xf32>
    %add3A_656 = arith.constant 16 : i32
    %add3A_657 = vector.broadcast %add3A_656 : i32 to vector<16xi32>
    %add3A_658 = arith.addi %iota3A, %add3A_657 : vector<16xi32>
    %mul3A_659 = arith.constant 17 : i32
    %mul3A_660 = vector.broadcast %mul3A_659 : i32 to vector<16xi32>
    %mul3A_661 = arith.muli %add3A_658, %mul3A_660 : vector<16xi32>
    %add3A_662 = arith.constant 7 : i32
    %add3A_663 = vector.broadcast %add3A_662 : i32 to vector<16xi32>
    %add3A_664 = arith.addi %mul3A_661, %add3A_663 : vector<16xi32>
    %gather3A_665 = tpu.vector_load_idx %arg9[%add3A_664] : memref<543xf32, #tpu.memory_space<vmem>>[vector<16xi32>], vector<16xf32>,
    %add3A_666 = arith.addf %add3A_655, %gather3A_665 : vector<16xf32>
    %add3A_667 = arith.constant 16 : i32
    %add3A_668 = vector.broadcast %add3A_667 : i32 to vector<16xi32>
    %add3A_669 = arith.addi %iota3A, %add3A_668 : vector<16xi32>
    %mul3A_670 = arith.constant 17 : i32
    %mul3A_671 = vector.broadcast %mul3A_670 : i32 to vector<16xi32>
    %mul3A_672 = arith.muli %add3A_669, %mul3A_671 : vector<16xi32>
    %add3A_673 = arith.constant 8 : i32
    %add3A_674 = vector.broadcast %add3A_673 : i32 to vector<16xi32>
    %add3A_675 = arith.addi %mul3A_672, %add3A_674 : vector<16xi32>
    %gather3A_676 = tpu.vector_load_idx %arg9[%add3A_675] : memref<543xf32, #tpu.memory_space<vmem>>[vector<16xi32>], vector<16xf32>,
    %add3A_677 = arith.addf %add3A_666, %gather3A_676 : vector<16xf32>
    %add3A_678 = arith.constant 16 : i32
    %add3A_679 = vector.broadcast %add3A_678 : i32 to vector<16xi32>
    %add3A_680 = arith.addi %iota3A, %add3A_679 : vector<16xi32>
    %mul3A_681 = arith.constant 17 : i32
    %mul3A_682 = vector.broadcast %mul3A_681 : i32 to vector<16xi32>
    %mul3A_683 = arith.muli %add3A_680, %mul3A_682 : vector<16xi32>
    %add3A_684 = arith.constant 9 : i32
    %add3A_685 = vector.broadcast %add3A_684 : i32 to vector<16xi32>
    %add3A_686 = arith.addi %mul3A_683, %add3A_685 : vector<16xi32>
    %gather3A_687 = tpu.vector_load_idx %arg9[%add3A_686] : memref<543xf32, #tpu.memory_space<vmem>>[vector<16xi32>], vector<16xf32>,
    %add3A_688 = arith.addf %add3A_677, %gather3A_687 : vector<16xf32>
    %add3A_689 = arith.constant 16 : i32
    %add3A_690 = vector.broadcast %add3A_689 : i32 to vector<16xi32>
    %add3A_691 = arith.addi %iota3A, %add3A_690 : vector<16xi32>
    %mul3A_692 = arith.constant 17 : i32
    %mul3A_693 = vector.broadcast %mul3A_692 : i32 to vector<16xi32>
    %mul3A_694 = arith.muli %add3A_691, %mul3A_693 : vector<16xi32>
    %add3A_695 = arith.constant 10 : i32
    %add3A_696 = vector.broadcast %add3A_695 : i32 to vector<16xi32>
    %add3A_697 = arith.addi %mul3A_694, %add3A_696 : vector<16xi32>
    %gather3A_698 = tpu.vector_load_idx %arg9[%add3A_697] : memref<543xf32, #tpu.memory_space<vmem>>[vector<16xi32>], vector<16xf32>,
    %add3A_699 = arith.addf %add3A_688, %gather3A_698 : vector<16xf32>
    %add3A_700 = arith.constant 16 : i32
    %add3A_701 = vector.broadcast %add3A_700 : i32 to vector<16xi32>
    %add3A_702 = arith.addi %iota3A, %add3A_701 : vector<16xi32>
    %mul3A_703 = arith.constant 17 : i32
    %mul3A_704 = vector.broadcast %mul3A_703 : i32 to vector<16xi32>
    %mul3A_705 = arith.muli %add3A_702, %mul3A_704 : vector<16xi32>
    %add3A_706 = arith.constant 11 : i32
    %add3A_707 = vector.broadcast %add3A_706 : i32 to vector<16xi32>
    %add3A_708 = arith.addi %mul3A_705, %add3A_707 : vector<16xi32>
    %gather3A_709 = tpu.vector_load_idx %arg9[%add3A_708] : memref<543xf32, #tpu.memory_space<vmem>>[vector<16xi32>], vector<16xf32>,
    %add3A_710 = arith.addf %add3A_699, %gather3A_709 : vector<16xf32>
    %add3A_711 = arith.constant 16 : i32
    %add3A_712 = vector.broadcast %add3A_711 : i32 to vector<16xi32>
    %add3A_713 = arith.addi %iota3A, %add3A_712 : vector<16xi32>
    %mul3A_714 = arith.constant 17 : i32
    %mul3A_715 = vector.broadcast %mul3A_714 : i32 to vector<16xi32>
    %mul3A_716 = arith.muli %add3A_713, %mul3A_715 : vector<16xi32>
    %add3A_717 = arith.constant 12 : i32
    %add3A_718 = vector.broadcast %add3A_717 : i32 to vector<16xi32>
    %add3A_719 = arith.addi %mul3A_716, %add3A_718 : vector<16xi32>
    %gather3A_720 = tpu.vector_load_idx %arg9[%add3A_719] : memref<543xf32, #tpu.memory_space<vmem>>[vector<16xi32>], vector<16xf32>,
    %add3A_721 = arith.addf %add3A_710, %gather3A_720 : vector<16xf32>
    %add3A_722 = arith.constant 16 : i32
    %add3A_723 = vector.broadcast %add3A_722 : i32 to vector<16xi32>
    %add3A_724 = arith.addi %iota3A, %add3A_723 : vector<16xi32>
    %mul3A_725 = arith.constant 17 : i32
    %mul3A_726 = vector.broadcast %mul3A_725 : i32 to vector<16xi32>
    %mul3A_727 = arith.muli %add3A_724, %mul3A_726 : vector<16xi32>
    %add3A_728 = arith.constant 13 : i32
    %add3A_729 = vector.broadcast %add3A_728 : i32 to vector<16xi32>
    %add3A_730 = arith.addi %mul3A_727, %add3A_729 : vector<16xi32>
    %gather3A_731 = tpu.vector_load_idx %arg9[%add3A_730] : memref<543xf32, #tpu.memory_space<vmem>>[vector<16xi32>], vector<16xf32>,
    %add3A_732 = arith.addf %add3A_721, %gather3A_731 : vector<16xf32>
    %add3A_733 = arith.constant 16 : i32
    %add3A_734 = vector.broadcast %add3A_733 : i32 to vector<16xi32>
    %add3A_735 = arith.addi %iota3A, %add3A_734 : vector<16xi32>
    %mul3A_736 = arith.constant 17 : i32
    %mul3A_737 = vector.broadcast %mul3A_736 : i32 to vector<16xi32>
    %mul3A_738 = arith.muli %add3A_735, %mul3A_737 : vector<16xi32>
    %add3A_739 = arith.constant 14 : i32
    %add3A_740 = vector.broadcast %add3A_739 : i32 to vector<16xi32>
    %add3A_741 = arith.addi %mul3A_738, %add3A_740 : vector<16xi32>
    %gather3A_742 = tpu.vector_load_idx %arg9[%add3A_741] : memref<543xf32, #tpu.memory_space<vmem>>[vector<16xi32>], vector<16xf32>,
    %add3A_743 = arith.addf %add3A_732, %gather3A_742 : vector<16xf32>
    %add3A_744 = arith.constant 16 : i32
    %add3A_745 = vector.broadcast %add3A_744 : i32 to vector<16xi32>
    %add3A_746 = arith.addi %iota3A, %add3A_745 : vector<16xi32>
    %mul3A_747 = arith.constant 17 : i32
    %mul3A_748 = vector.broadcast %mul3A_747 : i32 to vector<16xi32>
    %mul3A_749 = arith.muli %add3A_746, %mul3A_748 : vector<16xi32>
    %add3A_750 = arith.constant 15 : i32
    %add3A_751 = vector.broadcast %add3A_750 : i32 to vector<16xi32>
    %add3A_752 = arith.addi %mul3A_749, %add3A_751 : vector<16xi32>
    %gather3A_753 = tpu.vector_load_idx %arg9[%add3A_752] : memref<543xf32, #tpu.memory_space<vmem>>[vector<16xi32>], vector<16xf32>,
    %add3A_754 = arith.addf %add3A_743, %gather3A_753 : vector<16xf32>
    %swap3A_755 = arith.constant 48 : index
    %swap3A_756 = tpu.vector_load %arg10[%swap3A_755] {strides = array<i32>} : memref<128xf32, #tpu.memory_space<vmem>>, vector<16xf32>,
    tpu.vector_store %arg10[%swap3A_755], %add3A_754 {strides = array<i32>} : memref<128xf32, #tpu.memory_space<vmem>>, vector<16xf32>,
    %add3A_757 = arith.constant 96 : i32
    %add3A_758 = arith.addi %multiple_of3A, %add3A_757 : i32
    %dma_start3A_759 = arith.constant 0 : i32
    %dma_start3A_760 = tpu.memref_slice %arg2[%add3A_758, %dma_start3A_759] : memref<4096x200xi32, #tpu.memory_space<hbm>> -> memref<32x200xi32, #tpu.memory_space<hbm>>
    %dma_start3A_761 = arith.constant 0 : i32
    %dma_start3A_762 = tpu.memref_slice %arg2[%add3A_758, %dma_start3A_761] : memref<4096x200xi32, #tpu.memory_space<hbm>> -> memref<32x200xi32, #tpu.memory_space<hbm>>
    tpu.enqueue_dma source(%dma_start3A_762 : memref<32x200xi32, #tpu.memory_space<hbm>>) target(%arg8 : memref<32x200xi32, #tpu.memory_space<vmem>>) target_semaphore(%arg13 : memref<!tpu.dma_semaphore, #tpu.memory_space<semaphore_mem>>)
    %add3A_763 = arith.constant 64 : i32
    %add3A_764 = arith.addi %multiple_of3A, %add3A_763 : i32
    %dma_wait3A_765 = arith.constant 0 : i32
    %dma_wait3A_766 = tpu.memref_slice %arg2[%add3A_764, %dma_wait3A_765] : memref<4096x200xi32, #tpu.memory_space<hbm>> -> memref<32x200xi32, #tpu.memory_space<hbm>>
    %dma_wait3A_767 = arith.constant 0 : i32
    %dma_wait3A_768 = tpu.memref_slice %arg2[%add3A_764, %dma_wait3A_767] : memref<4096x200xi32, #tpu.memory_space<hbm>> -> memref<32x200xi32, #tpu.memory_space<hbm>>
    tpu.wait_dma2 semaphore(%arg12 : memref<!tpu.dma_semaphore, #tpu.memory_space<semaphore_mem>>) src(%dma_wait3A_768 : memref<32x200xi32, #tpu.memory_space<hbm>>) dst(%arg7 : memref<32x200xi32, #tpu.memory_space<vmem>>)
    %scan3A_769 = arith.constant 0 : i32
    %scan3A_770 = arith.constant 0 : i32
    %scan3A_771 = arith.constant 16 : i32
    %scan3A_772 = arith.addi %scan3A_770, %scan3A_771 : i32
    %scan3A_773 = arith.constant 2 : i32
    scf.for %scan3A_1502 = %scan3A_770 to %scan3A_772 step %scan3A_773  : i32 {
      %add3A_1503 = arith.constant 0 : i32
      %add3A_1504 = arith.addi %add3A_1503, %scan3A_1502 : i32
      %get3A = arith.index_cast %add3A_1504 : i32 to index
      %get3A_1505 = arith.constant 0 : index
      %get3A_1506 = tpu.vector_load %arg7[%get3A, %get3A_1505] {strides = array<i32>} : memref<32x200xi32, #tpu.memory_space<vmem>>, vector<16xi32>,
      %gather3A_1507 = tpu.vector_load_idx %arg6[%get3A_1506] : memref<100000xf32, #tpu.memory_space<vmem>>[vector<16xi32>], vector<16xf32>,
      %add3A_1508 = arith.addf %broadcast_in_dim3A_18, %gather3A_1507 : vector<16xf32>
      %get3A_1509 = arith.index_cast %add3A_1504 : i32 to index
      %get3A_1510 = arith.constant 16 : index
      %get3A_1511 = tpu.vector_load %arg7[%get3A_1509, %get3A_1510] {strides = array<i32>} : memref<32x200xi32, #tpu.memory_space<vmem>>, vector<16xi32>,
      %gather3A_1512 = tpu.vector_load_idx %arg6[%get3A_1511] : memref<100000xf32, #tpu.memory_space<vmem>>[vector<16xi32>], vector<16xf32>,
      %add3A_1513 = arith.addf %add3A_1508, %gather3A_1512 : vector<16xf32>
      %get3A_1514 = arith.index_cast %add3A_1504 : i32 to index
      %get3A_1515 = arith.constant 32 : index
      %get3A_1516 = tpu.vector_load %arg7[%get3A_1514, %get3A_1515] {strides = array<i32>} : memref<32x200xi32, #tpu.memory_space<vmem>>, vector<16xi32>,
      %gather3A_1517 = tpu.vector_load_idx %arg6[%get3A_1516] : memref<100000xf32, #tpu.memory_space<vmem>>[vector<16xi32>], vector<16xf32>,
      %add3A_1518 = arith.addf %add3A_1513, %gather3A_1517 : vector<16xf32>
      %get3A_1519 = arith.index_cast %add3A_1504 : i32 to index
      %get3A_1520 = arith.constant 48 : index
      %get3A_1521 = tpu.vector_load %arg7[%get3A_1519, %get3A_1520] {strides = array<i32>} : memref<32x200xi32, #tpu.memory_space<vmem>>, vector<16xi32>,
      %gather3A_1522 = tpu.vector_load_idx %arg6[%get3A_1521] : memref<100000xf32, #tpu.memory_space<vmem>>[vector<16xi32>], vector<16xf32>,
      %add3A_1523 = arith.addf %add3A_1518, %gather3A_1522 : vector<16xf32>
      %get3A_1524 = arith.index_cast %add3A_1504 : i32 to index
      %get3A_1525 = arith.constant 64 : index
      %get3A_1526 = tpu.vector_load %arg7[%get3A_1524, %get3A_1525] {strides = array<i32>} : memref<32x200xi32, #tpu.memory_space<vmem>>, vector<16xi32>,
      %gather3A_1527 = tpu.vector_load_idx %arg6[%get3A_1526] : memref<100000xf32, #tpu.memory_space<vmem>>[vector<16xi32>], vector<16xf32>,
      %add3A_1528 = arith.addf %add3A_1523, %gather3A_1527 : vector<16xf32>
      %get3A_1529 = arith.index_cast %add3A_1504 : i32 to index
      %get3A_1530 = arith.constant 80 : index
      %get3A_1531 = tpu.vector_load %arg7[%get3A_1529, %get3A_1530] {strides = array<i32>} : memref<32x200xi32, #tpu.memory_space<vmem>>, vector<16xi32>,
      %gather3A_1532 = tpu.vector_load_idx %arg6[%get3A_1531] : memref<100000xf32, #tpu.memory_space<vmem>>[vector<16xi32>], vector<16xf32>,
      %add3A_1533 = arith.addf %add3A_1528, %gather3A_1532 : vector<16xf32>
      %get3A_1534 = arith.index_cast %add3A_1504 : i32 to index
      %get3A_1535 = arith.constant 96 : index
      %get3A_1536 = tpu.vector_load %arg7[%get3A_1534, %get3A_1535] {strides = array<i32>} : memref<32x200xi32, #tpu.memory_space<vmem>>, vector<16xi32>,
      %gather3A_1537 = tpu.vector_load_idx %arg6[%get3A_1536] : memref<100000xf32, #tpu.memory_space<vmem>>[vector<16xi32>], vector<16xf32>,
      %add3A_1538 = arith.addf %add3A_1533, %gather3A_1537 : vector<16xf32>
      %get3A_1539 = arith.index_cast %add3A_1504 : i32 to index
      %get3A_1540 = arith.constant 112 : index
      %get3A_1541 = tpu.vector_load %arg7[%get3A_1539, %get3A_1540] {strides = array<i32>} : memref<32x200xi32, #tpu.memory_space<vmem>>, vector<16xi32>,
      %gather3A_1542 = tpu.vector_load_idx %arg6[%get3A_1541] : memref<100000xf32, #tpu.memory_space<vmem>>[vector<16xi32>], vector<16xf32>,
      %add3A_1543 = arith.addf %add3A_1538, %gather3A_1542 : vector<16xf32>
      %get3A_1544 = arith.index_cast %add3A_1504 : i32 to index
      %get3A_1545 = arith.constant 128 : index
      %get3A_1546 = tpu.vector_load %arg7[%get3A_1544, %get3A_1545] {strides = array<i32>} : memref<32x200xi32, #tpu.memory_space<vmem>>, vector<16xi32>,
      %gather3A_1547 = tpu.vector_load_idx %arg6[%get3A_1546] : memref<100000xf32, #tpu.memory_space<vmem>>[vector<16xi32>], vector<16xf32>,
      %add3A_1548 = arith.addf %add3A_1543, %gather3A_1547 : vector<16xf32>
      %get3A_1549 = arith.index_cast %add3A_1504 : i32 to index
      %get3A_1550 = arith.constant 144 : index
      %get3A_1551 = tpu.vector_load %arg7[%get3A_1549, %get3A_1550] {strides = array<i32>} : memref<32x200xi32, #tpu.memory_space<vmem>>, vector<16xi32>,
      %gather3A_1552 = tpu.vector_load_idx %arg6[%get3A_1551] : memref<100000xf32, #tpu.memory_space<vmem>>[vector<16xi32>], vector<16xf32>,
      %add3A_1553 = arith.addf %add3A_1548, %gather3A_1552 : vector<16xf32>
      %get3A_1554 = arith.index_cast %add3A_1504 : i32 to index
      %get3A_1555 = arith.constant 160 : index
      %get3A_1556 = tpu.vector_load %arg7[%get3A_1554, %get3A_1555] {strides = array<i32>} : memref<32x200xi32, #tpu.memory_space<vmem>>, vector<16xi32>,
      %gather3A_1557 = tpu.vector_load_idx %arg6[%get3A_1556] : memref<100000xf32, #tpu.memory_space<vmem>>[vector<16xi32>], vector<16xf32>,
      %add3A_1558 = arith.addf %add3A_1553, %gather3A_1557 : vector<16xf32>
      %get3A_1559 = arith.index_cast %add3A_1504 : i32 to index
      %get3A_1560 = arith.constant 176 : index
      %get3A_1561 = tpu.vector_load %arg7[%get3A_1559, %get3A_1560] {strides = array<i32>} : memref<32x200xi32, #tpu.memory_space<vmem>>, vector<16xi32>,
      %gather3A_1562 = tpu.vector_load_idx %arg6[%get3A_1561] : memref<100000xf32, #tpu.memory_space<vmem>>[vector<16xi32>], vector<16xf32>,
      %add3A_1563 = arith.addf %add3A_1558, %gather3A_1562 : vector<16xf32>
      %get3A_1564 = arith.index_cast %add3A_1504 : i32 to index
      %get3A_1565 = arith.constant 184 : index
      %get3A_1566 = tpu.vector_load %arg7[%get3A_1564, %get3A_1565] {strides = array<i32>} : memref<32x200xi32, #tpu.memory_space<vmem>>, vector<16xi32>,
      %gather3A_1567 = tpu.vector_load_idx %arg6[%get3A_1566] : memref<100000xf32, #tpu.memory_space<vmem>>[vector<16xi32>], vector<16xf32>,
      %select_n3A = arith.select %ge3A_17, %gather3A_1567, %broadcast_in_dim3A_18 : vector<16xi1>, vector<16xf32>
      %add3A_1568 = arith.addf %add3A_1563, %select_n3A : vector<16xf32>
      %add3A_1569 = arith.constant 0 : i32
      %add3A_1570 = arith.addi %add3A_1569, %scan3A_1502 : i32
      %mul3A_1571 = arith.constant 17 : i32
      %mul3A_1572 = arith.muli %add3A_1570, %mul3A_1571 : i32
      %swap3A_1573 = arith.index_cast %mul3A_1572 : i32 to index
      %swap3A_1574 = tpu.vector_load %arg9[%swap3A_1573] {strides = array<i32>} : memref<543xf32, #tpu.memory_space<vmem>>, vector<16xf32>,
      tpu.vector_store %arg9[%swap3A_1573], %add3A_1568 {strides = array<i32>} : memref<543xf32, #tpu.memory_space<vmem>>, vector<16xf32>,
      %add3A_1575 = arith.constant 16 : i32
      %add3A_1576 = arith.addi %add3A_1575, %scan3A_1502 : i32
      %get3A_1577 = arith.index_cast %add3A_1576 : i32 to index
      %get3A_1578 = arith.constant 0 : index
      %get3A_1579 = tpu.vector_load %arg7[%get3A_1577, %get3A_1578] {strides = array<i32>} : memref<32x200xi32, #tpu.memory_space<vmem>>, vector<16xi32>,
      %gather3A_1580 = tpu.vector_load_idx %arg6[%get3A_1579] : memref<100000xf32, #tpu.memory_space<vmem>>[vector<16xi32>], vector<16xf32>,
      %add3A_1581 = arith.addf %broadcast_in_dim3A_18, %gather3A_1580 : vector<16xf32>
      %get3A_1582 = arith.index_cast %add3A_1576 : i32 to index
      %get3A_1583 = arith.constant 16 : index
      %get3A_1584 = tpu.vector_load %arg7[%get3A_1582, %get3A_1583] {strides = array<i32>} : memref<32x200xi32, #tpu.memory_space<vmem>>, vector<16xi32>,
      %gather3A_1585 = tpu.vector_load_idx %arg6[%get3A_1584] : memref<100000xf32, #tpu.memory_space<vmem>>[vector<16xi32>], vector<16xf32>,
      %add3A_1586 = arith.addf %add3A_1581, %gather3A_1585 : vector<16xf32>
      %get3A_1587 = arith.index_cast %add3A_1576 : i32 to index
      %get3A_1588 = arith.constant 32 : index
      %get3A_1589 = tpu.vector_load %arg7[%get3A_1587, %get3A_1588] {strides = array<i32>} : memref<32x200xi32, #tpu.memory_space<vmem>>, vector<16xi32>,
      %gather3A_1590 = tpu.vector_load_idx %arg6[%get3A_1589] : memref<100000xf32, #tpu.memory_space<vmem>>[vector<16xi32>], vector<16xf32>,
      %add3A_1591 = arith.addf %add3A_1586, %gather3A_1590 : vector<16xf32>
      %get3A_1592 = arith.index_cast %add3A_1576 : i32 to index
      %get3A_1593 = arith.constant 48 : index
      %get3A_1594 = tpu.vector_load %arg7[%get3A_1592, %get3A_1593] {strides = array<i32>} : memref<32x200xi32, #tpu.memory_space<vmem>>, vector<16xi32>,
      %gather3A_1595 = tpu.vector_load_idx %arg6[%get3A_1594] : memref<100000xf32, #tpu.memory_space<vmem>>[vector<16xi32>], vector<16xf32>,
      %add3A_1596 = arith.addf %add3A_1591, %gather3A_1595 : vector<16xf32>
      %get3A_1597 = arith.index_cast %add3A_1576 : i32 to index
      %get3A_1598 = arith.constant 64 : index
      %get3A_1599 = tpu.vector_load %arg7[%get3A_1597, %get3A_1598] {strides = array<i32>} : memref<32x200xi32, #tpu.memory_space<vmem>>, vector<16xi32>,
      %gather3A_1600 = tpu.vector_load_idx %arg6[%get3A_1599] : memref<100000xf32, #tpu.memory_space<vmem>>[vector<16xi32>], vector<16xf32>,
      %add3A_1601 = arith.addf %add3A_1596, %gather3A_1600 : vector<16xf32>
      %get3A_1602 = arith.index_cast %add3A_1576 : i32 to index
      %get3A_1603 = arith.constant 80 : index
      %get3A_1604 = tpu.vector_load %arg7[%get3A_1602, %get3A_1603] {strides = array<i32>} : memref<32x200xi32, #tpu.memory_space<vmem>>, vector<16xi32>,
      %gather3A_1605 = tpu.vector_load_idx %arg6[%get3A_1604] : memref<100000xf32, #tpu.memory_space<vmem>>[vector<16xi32>], vector<16xf32>,
      %add3A_1606 = arith.addf %add3A_1601, %gather3A_1605 : vector<16xf32>
      %get3A_1607 = arith.index_cast %add3A_1576 : i32 to index
      %get3A_1608 = arith.constant 96 : index
      %get3A_1609 = tpu.vector_load %arg7[%get3A_1607, %get3A_1608] {strides = array<i32>} : memref<32x200xi32, #tpu.memory_space<vmem>>, vector<16xi32>,
      %gather3A_1610 = tpu.vector_load_idx %arg6[%get3A_1609] : memref<100000xf32, #tpu.memory_space<vmem>>[vector<16xi32>], vector<16xf32>,
      %add3A_1611 = arith.addf %add3A_1606, %gather3A_1610 : vector<16xf32>
      %get3A_1612 = arith.index_cast %add3A_1576 : i32 to index
      %get3A_1613 = arith.constant 112 : index
      %get3A_1614 = tpu.vector_load %arg7[%get3A_1612, %get3A_1613] {strides = array<i32>} : memref<32x200xi32, #tpu.memory_space<vmem>>, vector<16xi32>,
      %gather3A_1615 = tpu.vector_load_idx %arg6[%get3A_1614] : memref<100000xf32, #tpu.memory_space<vmem>>[vector<16xi32>], vector<16xf32>,
      %add3A_1616 = arith.addf %add3A_1611, %gather3A_1615 : vector<16xf32>
      %get3A_1617 = arith.index_cast %add3A_1576 : i32 to index
      %get3A_1618 = arith.constant 128 : index
      %get3A_1619 = tpu.vector_load %arg7[%get3A_1617, %get3A_1618] {strides = array<i32>} : memref<32x200xi32, #tpu.memory_space<vmem>>, vector<16xi32>,
      %gather3A_1620 = tpu.vector_load_idx %arg6[%get3A_1619] : memref<100000xf32, #tpu.memory_space<vmem>>[vector<16xi32>], vector<16xf32>,
      %add3A_1621 = arith.addf %add3A_1616, %gather3A_1620 : vector<16xf32>
      %get3A_1622 = arith.index_cast %add3A_1576 : i32 to index
      %get3A_1623 = arith.constant 144 : index
      %get3A_1624 = tpu.vector_load %arg7[%get3A_1622, %get3A_1623] {strides = array<i32>} : memref<32x200xi32, #tpu.memory_space<vmem>>, vector<16xi32>,
      %gather3A_1625 = tpu.vector_load_idx %arg6[%get3A_1624] : memref<100000xf32, #tpu.memory_space<vmem>>[vector<16xi32>], vector<16xf32>,
      %add3A_1626 = arith.addf %add3A_1621, %gather3A_1625 : vector<16xf32>
      %get3A_1627 = arith.index_cast %add3A_1576 : i32 to index
      %get3A_1628 = arith.constant 160 : index
      %get3A_1629 = tpu.vector_load %arg7[%get3A_1627, %get3A_1628] {strides = array<i32>} : memref<32x200xi32, #tpu.memory_space<vmem>>, vector<16xi32>,
      %gather3A_1630 = tpu.vector_load_idx %arg6[%get3A_1629] : memref<100000xf32, #tpu.memory_space<vmem>>[vector<16xi32>], vector<16xf32>,
      %add3A_1631 = arith.addf %add3A_1626, %gather3A_1630 : vector<16xf32>
      %get3A_1632 = arith.index_cast %add3A_1576 : i32 to index
      %get3A_1633 = arith.constant 176 : index
      %get3A_1634 = tpu.vector_load %arg7[%get3A_1632, %get3A_1633] {strides = array<i32>} : memref<32x200xi32, #tpu.memory_space<vmem>>, vector<16xi32>,
      %gather3A_1635 = tpu.vector_load_idx %arg6[%get3A_1634] : memref<100000xf32, #tpu.memory_space<vmem>>[vector<16xi32>], vector<16xf32>,
      %add3A_1636 = arith.addf %add3A_1631, %gather3A_1635 : vector<16xf32>
      %get3A_1637 = arith.index_cast %add3A_1576 : i32 to index
      %get3A_1638 = arith.constant 184 : index
      %get3A_1639 = tpu.vector_load %arg7[%get3A_1637, %get3A_1638] {strides = array<i32>} : memref<32x200xi32, #tpu.memory_space<vmem>>, vector<16xi32>,
      %gather3A_1640 = tpu.vector_load_idx %arg6[%get3A_1639] : memref<100000xf32, #tpu.memory_space<vmem>>[vector<16xi32>], vector<16xf32>,
      %select_n3A_1641 = arith.select %ge3A_17, %gather3A_1640, %broadcast_in_dim3A_18 : vector<16xi1>, vector<16xf32>
      %add3A_1642 = arith.addf %add3A_1636, %select_n3A_1641 : vector<16xf32>
      %add3A_1643 = arith.constant 16 : i32
      %add3A_1644 = arith.addi %add3A_1643, %scan3A_1502 : i32
      %mul3A_1645 = arith.constant 17 : i32
      %mul3A_1646 = arith.muli %add3A_1644, %mul3A_1645 : i32
      %swap3A_1647 = arith.index_cast %mul3A_1646 : i32 to index
      %swap3A_1648 = tpu.vector_load %arg9[%swap3A_1647] {strides = array<i32>} : memref<543xf32, #tpu.memory_space<vmem>>, vector<16xf32>,
      tpu.vector_store %arg9[%swap3A_1647], %add3A_1642 {strides = array<i32>} : memref<543xf32, #tpu.memory_space<vmem>>, vector<16xf32>,
      %scan3A_1649 = arith.constant 1 : i32
      %scan3A_1650 = arith.addi %scan3A_1502, %scan3A_1649 : i32
      %add3A_1651 = arith.constant 0 : i32
      %add3A_1652 = arith.addi %add3A_1651, %scan3A_1650 : i32
      %get3A_1653 = arith.index_cast %add3A_1652 : i32 to index
      %get3A_1654 = arith.constant 0 : index
      %get3A_1655 = tpu.vector_load %arg7[%get3A_1653, %get3A_1654] {strides = array<i32>} : memref<32x200xi32, #tpu.memory_space<vmem>>, vector<16xi32>,
      %gather3A_1656 = tpu.vector_load_idx %arg6[%get3A_1655] : memref<100000xf32, #tpu.memory_space<vmem>>[vector<16xi32>], vector<16xf32>,
      %add3A_1657 = arith.addf %broadcast_in_dim3A_18, %gather3A_1656 : vector<16xf32>
      %get3A_1658 = arith.index_cast %add3A_1652 : i32 to index
      %get3A_1659 = arith.constant 16 : index
      %get3A_1660 = tpu.vector_load %arg7[%get3A_1658, %get3A_1659] {strides = array<i32>} : memref<32x200xi32, #tpu.memory_space<vmem>>, vector<16xi32>,
      %gather3A_1661 = tpu.vector_load_idx %arg6[%get3A_1660] : memref<100000xf32, #tpu.memory_space<vmem>>[vector<16xi32>], vector<16xf32>,
      %add3A_1662 = arith.addf %add3A_1657, %gather3A_1661 : vector<16xf32>
      %get3A_1663 = arith.index_cast %add3A_1652 : i32 to index
      %get3A_1664 = arith.constant 32 : index
      %get3A_1665 = tpu.vector_load %arg7[%get3A_1663, %get3A_1664] {strides = array<i32>} : memref<32x200xi32, #tpu.memory_space<vmem>>, vector<16xi32>,
      %gather3A_1666 = tpu.vector_load_idx %arg6[%get3A_1665] : memref<100000xf32, #tpu.memory_space<vmem>>[vector<16xi32>], vector<16xf32>,
      %add3A_1667 = arith.addf %add3A_1662, %gather3A_1666 : vector<16xf32>
      %get3A_1668 = arith.index_cast %add3A_1652 : i32 to index
      %get3A_1669 = arith.constant 48 : index
      %get3A_1670 = tpu.vector_load %arg7[%get3A_1668, %get3A_1669] {strides = array<i32>} : memref<32x200xi32, #tpu.memory_space<vmem>>, vector<16xi32>,
      %gather3A_1671 = tpu.vector_load_idx %arg6[%get3A_1670] : memref<100000xf32, #tpu.memory_space<vmem>>[vector<16xi32>], vector<16xf32>,
      %add3A_1672 = arith.addf %add3A_1667, %gather3A_1671 : vector<16xf32>
      %get3A_1673 = arith.index_cast %add3A_1652 : i32 to index
      %get3A_1674 = arith.constant 64 : index
      %get3A_1675 = tpu.vector_load %arg7[%get3A_1673, %get3A_1674] {strides = array<i32>} : memref<32x200xi32, #tpu.memory_space<vmem>>, vector<16xi32>,
      %gather3A_1676 = tpu.vector_load_idx %arg6[%get3A_1675] : memref<100000xf32, #tpu.memory_space<vmem>>[vector<16xi32>], vector<16xf32>,
      %add3A_1677 = arith.addf %add3A_1672, %gather3A_1676 : vector<16xf32>
      %get3A_1678 = arith.index_cast %add3A_1652 : i32 to index
      %get3A_1679 = arith.constant 80 : index
      %get3A_1680 = tpu.vector_load %arg7[%get3A_1678, %get3A_1679] {strides = array<i32>} : memref<32x200xi32, #tpu.memory_space<vmem>>, vector<16xi32>,
      %gather3A_1681 = tpu.vector_load_idx %arg6[%get3A_1680] : memref<100000xf32, #tpu.memory_space<vmem>>[vector<16xi32>], vector<16xf32>,
      %add3A_1682 = arith.addf %add3A_1677, %gather3A_1681 : vector<16xf32>
      %get3A_1683 = arith.index_cast %add3A_1652 : i32 to index
      %get3A_1684 = arith.constant 96 : index
      %get3A_1685 = tpu.vector_load %arg7[%get3A_1683, %get3A_1684] {strides = array<i32>} : memref<32x200xi32, #tpu.memory_space<vmem>>, vector<16xi32>,
      %gather3A_1686 = tpu.vector_load_idx %arg6[%get3A_1685] : memref<100000xf32, #tpu.memory_space<vmem>>[vector<16xi32>], vector<16xf32>,
      %add3A_1687 = arith.addf %add3A_1682, %gather3A_1686 : vector<16xf32>
      %get3A_1688 = arith.index_cast %add3A_1652 : i32 to index
      %get3A_1689 = arith.constant 112 : index
      %get3A_1690 = tpu.vector_load %arg7[%get3A_1688, %get3A_1689] {strides = array<i32>} : memref<32x200xi32, #tpu.memory_space<vmem>>, vector<16xi32>,
      %gather3A_1691 = tpu.vector_load_idx %arg6[%get3A_1690] : memref<100000xf32, #tpu.memory_space<vmem>>[vector<16xi32>], vector<16xf32>,
      %add3A_1692 = arith.addf %add3A_1687, %gather3A_1691 : vector<16xf32>
      %get3A_1693 = arith.index_cast %add3A_1652 : i32 to index
      %get3A_1694 = arith.constant 128 : index
      %get3A_1695 = tpu.vector_load %arg7[%get3A_1693, %get3A_1694] {strides = array<i32>} : memref<32x200xi32, #tpu.memory_space<vmem>>, vector<16xi32>,
      %gather3A_1696 = tpu.vector_load_idx %arg6[%get3A_1695] : memref<100000xf32, #tpu.memory_space<vmem>>[vector<16xi32>], vector<16xf32>,
      %add3A_1697 = arith.addf %add3A_1692, %gather3A_1696 : vector<16xf32>
      %get3A_1698 = arith.index_cast %add3A_1652 : i32 to index
      %get3A_1699 = arith.constant 144 : index
      %get3A_1700 = tpu.vector_load %arg7[%get3A_1698, %get3A_1699] {strides = array<i32>} : memref<32x200xi32, #tpu.memory_space<vmem>>, vector<16xi32>,
      %gather3A_1701 = tpu.vector_load_idx %arg6[%get3A_1700] : memref<100000xf32, #tpu.memory_space<vmem>>[vector<16xi32>], vector<16xf32>,
      %add3A_1702 = arith.addf %add3A_1697, %gather3A_1701 : vector<16xf32>
      %get3A_1703 = arith.index_cast %add3A_1652 : i32 to index
      %get3A_1704 = arith.constant 160 : index
      %get3A_1705 = tpu.vector_load %arg7[%get3A_1703, %get3A_1704] {strides = array<i32>} : memref<32x200xi32, #tpu.memory_space<vmem>>, vector<16xi32>,
      %gather3A_1706 = tpu.vector_load_idx %arg6[%get3A_1705] : memref<100000xf32, #tpu.memory_space<vmem>>[vector<16xi32>], vector<16xf32>,
      %add3A_1707 = arith.addf %add3A_1702, %gather3A_1706 : vector<16xf32>
      %get3A_1708 = arith.index_cast %add3A_1652 : i32 to index
      %get3A_1709 = arith.constant 176 : index
      %get3A_1710 = tpu.vector_load %arg7[%get3A_1708, %get3A_1709] {strides = array<i32>} : memref<32x200xi32, #tpu.memory_space<vmem>>, vector<16xi32>,
      %gather3A_1711 = tpu.vector_load_idx %arg6[%get3A_1710] : memref<100000xf32, #tpu.memory_space<vmem>>[vector<16xi32>], vector<16xf32>,
      %add3A_1712 = arith.addf %add3A_1707, %gather3A_1711 : vector<16xf32>
      %get3A_1713 = arith.index_cast %add3A_1652 : i32 to index
      %get3A_1714 = arith.constant 184 : index
      %get3A_1715 = tpu.vector_load %arg7[%get3A_1713, %get3A_1714] {strides = array<i32>} : memref<32x200xi32, #tpu.memory_space<vmem>>, vector<16xi32>,
      %gather3A_1716 = tpu.vector_load_idx %arg6[%get3A_1715] : memref<100000xf32, #tpu.memory_space<vmem>>[vector<16xi32>], vector<16xf32>,
      %select_n3A_1717 = arith.select %ge3A_17, %gather3A_1716, %broadcast_in_dim3A_18 : vector<16xi1>, vector<16xf32>
      %add3A_1718 = arith.addf %add3A_1712, %select_n3A_1717 : vector<16xf32>
      %add3A_1719 = arith.constant 0 : i32
      %add3A_1720 = arith.addi %add3A_1719, %scan3A_1650 : i32
      %mul3A_1721 = arith.constant 17 : i32
      %mul3A_1722 = arith.muli %add3A_1720, %mul3A_1721 : i32
      %swap3A_1723 = arith.index_cast %mul3A_1722 : i32 to index
      %swap3A_1724 = tpu.vector_load %arg9[%swap3A_1723] {strides = array<i32>} : memref<543xf32, #tpu.memory_space<vmem>>, vector<16xf32>,
      tpu.vector_store %arg9[%swap3A_1723], %add3A_1718 {strides = array<i32>} : memref<543xf32, #tpu.memory_space<vmem>>, vector<16xf32>,
      %add3A_1725 = arith.constant 16 : i32
      %add3A_1726 = arith.addi %add3A_1725, %scan3A_1650 : i32
      %get3A_1727 = arith.index_cast %add3A_1726 : i32 to index
      %get3A_1728 = arith.constant 0 : index
      %get3A_1729 = tpu.vector_load %arg7[%get3A_1727, %get3A_1728] {strides = array<i32>} : memref<32x200xi32, #tpu.memory_space<vmem>>, vector<16xi32>,
      %gather3A_1730 = tpu.vector_load_idx %arg6[%get3A_1729] : memref<100000xf32, #tpu.memory_space<vmem>>[vector<16xi32>], vector<16xf32>,
      %add3A_1731 = arith.addf %broadcast_in_dim3A_18, %gather3A_1730 : vector<16xf32>
      %get3A_1732 = arith.index_cast %add3A_1726 : i32 to index
      %get3A_1733 = arith.constant 16 : index
      %get3A_1734 = tpu.vector_load %arg7[%get3A_1732, %get3A_1733] {strides = array<i32>} : memref<32x200xi32, #tpu.memory_space<vmem>>, vector<16xi32>,
      %gather3A_1735 = tpu.vector_load_idx %arg6[%get3A_1734] : memref<100000xf32, #tpu.memory_space<vmem>>[vector<16xi32>], vector<16xf32>,
      %add3A_1736 = arith.addf %add3A_1731, %gather3A_1735 : vector<16xf32>
      %get3A_1737 = arith.index_cast %add3A_1726 : i32 to index
      %get3A_1738 = arith.constant 32 : index
      %get3A_1739 = tpu.vector_load %arg7[%get3A_1737, %get3A_1738] {strides = array<i32>} : memref<32x200xi32, #tpu.memory_space<vmem>>, vector<16xi32>,
      %gather3A_1740 = tpu.vector_load_idx %arg6[%get3A_1739] : memref<100000xf32, #tpu.memory_space<vmem>>[vector<16xi32>], vector<16xf32>,
      %add3A_1741 = arith.addf %add3A_1736, %gather3A_1740 : vector<16xf32>
      %get3A_1742 = arith.index_cast %add3A_1726 : i32 to index
      %get3A_1743 = arith.constant 48 : index
      %get3A_1744 = tpu.vector_load %arg7[%get3A_1742, %get3A_1743] {strides = array<i32>} : memref<32x200xi32, #tpu.memory_space<vmem>>, vector<16xi32>,
      %gather3A_1745 = tpu.vector_load_idx %arg6[%get3A_1744] : memref<100000xf32, #tpu.memory_space<vmem>>[vector<16xi32>], vector<16xf32>,
      %add3A_1746 = arith.addf %add3A_1741, %gather3A_1745 : vector<16xf32>
      %get3A_1747 = arith.index_cast %add3A_1726 : i32 to index
      %get3A_1748 = arith.constant 64 : index
      %get3A_1749 = tpu.vector_load %arg7[%get3A_1747, %get3A_1748] {strides = array<i32>} : memref<32x200xi32, #tpu.memory_space<vmem>>, vector<16xi32>,
      %gather3A_1750 = tpu.vector_load_idx %arg6[%get3A_1749] : memref<100000xf32, #tpu.memory_space<vmem>>[vector<16xi32>], vector<16xf32>,
      %add3A_1751 = arith.addf %add3A_1746, %gather3A_1750 : vector<16xf32>
      %get3A_1752 = arith.index_cast %add3A_1726 : i32 to index
      %get3A_1753 = arith.constant 80 : index
      %get3A_1754 = tpu.vector_load %arg7[%get3A_1752, %get3A_1753] {strides = array<i32>} : memref<32x200xi32, #tpu.memory_space<vmem>>, vector<16xi32>,
      %gather3A_1755 = tpu.vector_load_idx %arg6[%get3A_1754] : memref<100000xf32, #tpu.memory_space<vmem>>[vector<16xi32>], vector<16xf32>,
      %add3A_1756 = arith.addf %add3A_1751, %gather3A_1755 : vector<16xf32>
      %get3A_1757 = arith.index_cast %add3A_1726 : i32 to index
      %get3A_1758 = arith.constant 96 : index
      %get3A_1759 = tpu.vector_load %arg7[%get3A_1757, %get3A_1758] {strides = array<i32>} : memref<32x200xi32, #tpu.memory_space<vmem>>, vector<16xi32>,
      %gather3A_1760 = tpu.vector_load_idx %arg6[%get3A_1759] : memref<100000xf32, #tpu.memory_space<vmem>>[vector<16xi32>], vector<16xf32>,
      %add3A_1761 = arith.addf %add3A_1756, %gather3A_1760 : vector<16xf32>
      %get3A_1762 = arith.index_cast %add3A_1726 : i32 to index
      %get3A_1763 = arith.constant 112 : index
      %get3A_1764 = tpu.vector_load %arg7[%get3A_1762, %get3A_1763] {strides = array<i32>} : memref<32x200xi32, #tpu.memory_space<vmem>>, vector<16xi32>,
      %gather3A_1765 = tpu.vector_load_idx %arg6[%get3A_1764] : memref<100000xf32, #tpu.memory_space<vmem>>[vector<16xi32>], vector<16xf32>,
      %add3A_1766 = arith.addf %add3A_1761, %gather3A_1765 : vector<16xf32>
      %get3A_1767 = arith.index_cast %add3A_1726 : i32 to index
      %get3A_1768 = arith.constant 128 : index
      %get3A_1769 = tpu.vector_load %arg7[%get3A_1767, %get3A_1768] {strides = array<i32>} : memref<32x200xi32, #tpu.memory_space<vmem>>, vector<16xi32>,
      %gather3A_1770 = tpu.vector_load_idx %arg6[%get3A_1769] : memref<100000xf32, #tpu.memory_space<vmem>>[vector<16xi32>], vector<16xf32>,
      %add3A_1771 = arith.addf %add3A_1766, %gather3A_1770 : vector<16xf32>
      %get3A_1772 = arith.index_cast %add3A_1726 : i32 to index
      %get3A_1773 = arith.constant 144 : index
      %get3A_1774 = tpu.vector_load %arg7[%get3A_1772, %get3A_1773] {strides = array<i32>} : memref<32x200xi32, #tpu.memory_space<vmem>>, vector<16xi32>,
      %gather3A_1775 = tpu.vector_load_idx %arg6[%get3A_1774] : memref<100000xf32, #tpu.memory_space<vmem>>[vector<16xi32>], vector<16xf32>,
      %add3A_1776 = arith.addf %add3A_1771, %gather3A_1775 : vector<16xf32>
      %get3A_1777 = arith.index_cast %add3A_1726 : i32 to index
      %get3A_1778 = arith.constant 160 : index
      %get3A_1779 = tpu.vector_load %arg7[%get3A_1777, %get3A_1778] {strides = array<i32>} : memref<32x200xi32, #tpu.memory_space<vmem>>, vector<16xi32>,
      %gather3A_1780 = tpu.vector_load_idx %arg6[%get3A_1779] : memref<100000xf32, #tpu.memory_space<vmem>>[vector<16xi32>], vector<16xf32>,
      %add3A_1781 = arith.addf %add3A_1776, %gather3A_1780 : vector<16xf32>
      %get3A_1782 = arith.index_cast %add3A_1726 : i32 to index
      %get3A_1783 = arith.constant 176 : index
      %get3A_1784 = tpu.vector_load %arg7[%get3A_1782, %get3A_1783] {strides = array<i32>} : memref<32x200xi32, #tpu.memory_space<vmem>>, vector<16xi32>,
      %gather3A_1785 = tpu.vector_load_idx %arg6[%get3A_1784] : memref<100000xf32, #tpu.memory_space<vmem>>[vector<16xi32>], vector<16xf32>,
      %add3A_1786 = arith.addf %add3A_1781, %gather3A_1785 : vector<16xf32>
      %get3A_1787 = arith.index_cast %add3A_1726 : i32 to index
      %get3A_1788 = arith.constant 184 : index
      %get3A_1789 = tpu.vector_load %arg7[%get3A_1787, %get3A_1788] {strides = array<i32>} : memref<32x200xi32, #tpu.memory_space<vmem>>, vector<16xi32>,
      %gather3A_1790 = tpu.vector_load_idx %arg6[%get3A_1789] : memref<100000xf32, #tpu.memory_space<vmem>>[vector<16xi32>], vector<16xf32>,
      %select_n3A_1791 = arith.select %ge3A_17, %gather3A_1790, %broadcast_in_dim3A_18 : vector<16xi1>, vector<16xf32>
      %add3A_1792 = arith.addf %add3A_1786, %select_n3A_1791 : vector<16xf32>
      %add3A_1793 = arith.constant 16 : i32
      %add3A_1794 = arith.addi %add3A_1793, %scan3A_1650 : i32
      %mul3A_1795 = arith.constant 17 : i32
      %mul3A_1796 = arith.muli %add3A_1794, %mul3A_1795 : i32
      %swap3A_1797 = arith.index_cast %mul3A_1796 : i32 to index
      %swap3A_1798 = tpu.vector_load %arg9[%swap3A_1797] {strides = array<i32>} : memref<543xf32, #tpu.memory_space<vmem>>, vector<16xf32>,
      tpu.vector_store %arg9[%swap3A_1797], %add3A_1792 {strides = array<i32>} : memref<543xf32, #tpu.memory_space<vmem>>, vector<16xf32>,
    }
    %scan3A_774 = arith.constant 16 : i32
    %add3A_775 = arith.constant 0 : i32
    %add3A_776 = vector.broadcast %add3A_775 : i32 to vector<16xi32>
    %add3A_777 = arith.addi %iota3A, %add3A_776 : vector<16xi32>
    %mul3A_778 = arith.constant 17 : i32
    %mul3A_779 = vector.broadcast %mul3A_778 : i32 to vector<16xi32>
    %mul3A_780 = arith.muli %add3A_777, %mul3A_779 : vector<16xi32>
    %add3A_781 = arith.constant 0 : i32
    %add3A_782 = vector.broadcast %add3A_781 : i32 to vector<16xi32>
    %add3A_783 = arith.addi %mul3A_780, %add3A_782 : vector<16xi32>
    %gather3A_784 = tpu.vector_load_idx %arg9[%add3A_783] : memref<543xf32, #tpu.memory_space<vmem>>[vector<16xi32>], vector<16xf32>,
    %add3A_785 = arith.addf %broadcast_in_dim3A_18, %gather3A_784 : vector<16xf32>
    %add3A_786 = arith.constant 0 : i32
    %add3A_787 = vector.broadcast %add3A_786 : i32 to vector<16xi32>
    %add3A_788 = arith.addi %iota3A, %add3A_787 : vector<16xi32>
    %mul3A_789 = arith.constant 17 : i32
    %mul3A_790 = vector.broadcast %mul3A_789 : i32 to vector<16xi32>
    %mul3A_791 = arith.muli %add3A_788, %mul3A_790 : vector<16xi32>
    %add3A_792 = arith.constant 1 : i32
    %add3A_793 = vector.broadcast %add3A_792 : i32 to vector<16xi32>
    %add3A_794 = arith.addi %mul3A_791, %add3A_793 : vector<16xi32>
    %gather3A_795 = tpu.vector_load_idx %arg9[%add3A_794] : memref<543xf32, #tpu.memory_space<vmem>>[vector<16xi32>], vector<16xf32>,
    %add3A_796 = arith.addf %add3A_785, %gather3A_795 : vector<16xf32>
    %add3A_797 = arith.constant 0 : i32
    %add3A_798 = vector.broadcast %add3A_797 : i32 to vector<16xi32>
    %add3A_799 = arith.addi %iota3A, %add3A_798 : vector<16xi32>
    %mul3A_800 = arith.constant 17 : i32
    %mul3A_801 = vector.broadcast %mul3A_800 : i32 to vector<16xi32>
    %mul3A_802 = arith.muli %add3A_799, %mul3A_801 : vector<16xi32>
    %add3A_803 = arith.constant 2 : i32
    %add3A_804 = vector.broadcast %add3A_803 : i32 to vector<16xi32>
    %add3A_805 = arith.addi %mul3A_802, %add3A_804 : vector<16xi32>
    %gather3A_806 = tpu.vector_load_idx %arg9[%add3A_805] : memref<543xf32, #tpu.memory_space<vmem>>[vector<16xi32>], vector<16xf32>,
    %add3A_807 = arith.addf %add3A_796, %gather3A_806 : vector<16xf32>
    %add3A_808 = arith.constant 0 : i32
    %add3A_809 = vector.broadcast %add3A_808 : i32 to vector<16xi32>
    %add3A_810 = arith.addi %iota3A, %add3A_809 : vector<16xi32>
    %mul3A_811 = arith.constant 17 : i32
    %mul3A_812 = vector.broadcast %mul3A_811 : i32 to vector<16xi32>
    %mul3A_813 = arith.muli %add3A_810, %mul3A_812 : vector<16xi32>
    %add3A_814 = arith.constant 3 : i32
    %add3A_815 = vector.broadcast %add3A_814 : i32 to vector<16xi32>
    %add3A_816 = arith.addi %mul3A_813, %add3A_815 : vector<16xi32>
    %gather3A_817 = tpu.vector_load_idx %arg9[%add3A_816] : memref<543xf32, #tpu.memory_space<vmem>>[vector<16xi32>], vector<16xf32>,
    %add3A_818 = arith.addf %add3A_807, %gather3A_817 : vector<16xf32>
    %add3A_819 = arith.constant 0 : i32
    %add3A_820 = vector.broadcast %add3A_819 : i32 to vector<16xi32>
    %add3A_821 = arith.addi %iota3A, %add3A_820 : vector<16xi32>
    %mul3A_822 = arith.constant 17 : i32
    %mul3A_823 = vector.broadcast %mul3A_822 : i32 to vector<16xi32>
    %mul3A_824 = arith.muli %add3A_821, %mul3A_823 : vector<16xi32>
    %add3A_825 = arith.constant 4 : i32
    %add3A_826 = vector.broadcast %add3A_825 : i32 to vector<16xi32>
    %add3A_827 = arith.addi %mul3A_824, %add3A_826 : vector<16xi32>
    %gather3A_828 = tpu.vector_load_idx %arg9[%add3A_827] : memref<543xf32, #tpu.memory_space<vmem>>[vector<16xi32>], vector<16xf32>,
    %add3A_829 = arith.addf %add3A_818, %gather3A_828 : vector<16xf32>
    %add3A_830 = arith.constant 0 : i32
    %add3A_831 = vector.broadcast %add3A_830 : i32 to vector<16xi32>
    %add3A_832 = arith.addi %iota3A, %add3A_831 : vector<16xi32>
    %mul3A_833 = arith.constant 17 : i32
    %mul3A_834 = vector.broadcast %mul3A_833 : i32 to vector<16xi32>
    %mul3A_835 = arith.muli %add3A_832, %mul3A_834 : vector<16xi32>
    %add3A_836 = arith.constant 5 : i32
    %add3A_837 = vector.broadcast %add3A_836 : i32 to vector<16xi32>
    %add3A_838 = arith.addi %mul3A_835, %add3A_837 : vector<16xi32>
    %gather3A_839 = tpu.vector_load_idx %arg9[%add3A_838] : memref<543xf32, #tpu.memory_space<vmem>>[vector<16xi32>], vector<16xf32>,
    %add3A_840 = arith.addf %add3A_829, %gather3A_839 : vector<16xf32>
    %add3A_841 = arith.constant 0 : i32
    %add3A_842 = vector.broadcast %add3A_841 : i32 to vector<16xi32>
    %add3A_843 = arith.addi %iota3A, %add3A_842 : vector<16xi32>
    %mul3A_844 = arith.constant 17 : i32
    %mul3A_845 = vector.broadcast %mul3A_844 : i32 to vector<16xi32>
    %mul3A_846 = arith.muli %add3A_843, %mul3A_845 : vector<16xi32>
    %add3A_847 = arith.constant 6 : i32
    %add3A_848 = vector.broadcast %add3A_847 : i32 to vector<16xi32>
    %add3A_849 = arith.addi %mul3A_846, %add3A_848 : vector<16xi32>
    %gather3A_850 = tpu.vector_load_idx %arg9[%add3A_849] : memref<543xf32, #tpu.memory_space<vmem>>[vector<16xi32>], vector<16xf32>,
    %add3A_851 = arith.addf %add3A_840, %gather3A_850 : vector<16xf32>
    %add3A_852 = arith.constant 0 : i32
    %add3A_853 = vector.broadcast %add3A_852 : i32 to vector<16xi32>
    %add3A_854 = arith.addi %iota3A, %add3A_853 : vector<16xi32>
    %mul3A_855 = arith.constant 17 : i32
    %mul3A_856 = vector.broadcast %mul3A_855 : i32 to vector<16xi32>
    %mul3A_857 = arith.muli %add3A_854, %mul3A_856 : vector<16xi32>
    %add3A_858 = arith.constant 7 : i32
    %add3A_859 = vector.broadcast %add3A_858 : i32 to vector<16xi32>
    %add3A_860 = arith.addi %mul3A_857, %add3A_859 : vector<16xi32>
    %gather3A_861 = tpu.vector_load_idx %arg9[%add3A_860] : memref<543xf32, #tpu.memory_space<vmem>>[vector<16xi32>], vector<16xf32>,
    %add3A_862 = arith.addf %add3A_851, %gather3A_861 : vector<16xf32>
    %add3A_863 = arith.constant 0 : i32
    %add3A_864 = vector.broadcast %add3A_863 : i32 to vector<16xi32>
    %add3A_865 = arith.addi %iota3A, %add3A_864 : vector<16xi32>
    %mul3A_866 = arith.constant 17 : i32
    %mul3A_867 = vector.broadcast %mul3A_866 : i32 to vector<16xi32>
    %mul3A_868 = arith.muli %add3A_865, %mul3A_867 : vector<16xi32>
    %add3A_869 = arith.constant 8 : i32
    %add3A_870 = vector.broadcast %add3A_869 : i32 to vector<16xi32>
    %add3A_871 = arith.addi %mul3A_868, %add3A_870 : vector<16xi32>
    %gather3A_872 = tpu.vector_load_idx %arg9[%add3A_871] : memref<543xf32, #tpu.memory_space<vmem>>[vector<16xi32>], vector<16xf32>,
    %add3A_873 = arith.addf %add3A_862, %gather3A_872 : vector<16xf32>
    %add3A_874 = arith.constant 0 : i32
    %add3A_875 = vector.broadcast %add3A_874 : i32 to vector<16xi32>
    %add3A_876 = arith.addi %iota3A, %add3A_875 : vector<16xi32>
    %mul3A_877 = arith.constant 17 : i32
    %mul3A_878 = vector.broadcast %mul3A_877 : i32 to vector<16xi32>
    %mul3A_879 = arith.muli %add3A_876, %mul3A_878 : vector<16xi32>
    %add3A_880 = arith.constant 9 : i32
    %add3A_881 = vector.broadcast %add3A_880 : i32 to vector<16xi32>
    %add3A_882 = arith.addi %mul3A_879, %add3A_881 : vector<16xi32>
    %gather3A_883 = tpu.vector_load_idx %arg9[%add3A_882] : memref<543xf32, #tpu.memory_space<vmem>>[vector<16xi32>], vector<16xf32>,
    %add3A_884 = arith.addf %add3A_873, %gather3A_883 : vector<16xf32>
    %add3A_885 = arith.constant 0 : i32
    %add3A_886 = vector.broadcast %add3A_885 : i32 to vector<16xi32>
    %add3A_887 = arith.addi %iota3A, %add3A_886 : vector<16xi32>
    %mul3A_888 = arith.constant 17 : i32
    %mul3A_889 = vector.broadcast %mul3A_888 : i32 to vector<16xi32>
    %mul3A_890 = arith.muli %add3A_887, %mul3A_889 : vector<16xi32>
    %add3A_891 = arith.constant 10 : i32
    %add3A_892 = vector.broadcast %add3A_891 : i32 to vector<16xi32>
    %add3A_893 = arith.addi %mul3A_890, %add3A_892 : vector<16xi32>
    %gather3A_894 = tpu.vector_load_idx %arg9[%add3A_893] : memref<543xf32, #tpu.memory_space<vmem>>[vector<16xi32>], vector<16xf32>,
    %add3A_895 = arith.addf %add3A_884, %gather3A_894 : vector<16xf32>
    %add3A_896 = arith.constant 0 : i32
    %add3A_897 = vector.broadcast %add3A_896 : i32 to vector<16xi32>
    %add3A_898 = arith.addi %iota3A, %add3A_897 : vector<16xi32>
    %mul3A_899 = arith.constant 17 : i32
    %mul3A_900 = vector.broadcast %mul3A_899 : i32 to vector<16xi32>
    %mul3A_901 = arith.muli %add3A_898, %mul3A_900 : vector<16xi32>
    %add3A_902 = arith.constant 11 : i32
    %add3A_903 = vector.broadcast %add3A_902 : i32 to vector<16xi32>
    %add3A_904 = arith.addi %mul3A_901, %add3A_903 : vector<16xi32>
    %gather3A_905 = tpu.vector_load_idx %arg9[%add3A_904] : memref<543xf32, #tpu.memory_space<vmem>>[vector<16xi32>], vector<16xf32>,
    %add3A_906 = arith.addf %add3A_895, %gather3A_905 : vector<16xf32>
    %add3A_907 = arith.constant 0 : i32
    %add3A_908 = vector.broadcast %add3A_907 : i32 to vector<16xi32>
    %add3A_909 = arith.addi %iota3A, %add3A_908 : vector<16xi32>
    %mul3A_910 = arith.constant 17 : i32
    %mul3A_911 = vector.broadcast %mul3A_910 : i32 to vector<16xi32>
    %mul3A_912 = arith.muli %add3A_909, %mul3A_911 : vector<16xi32>
    %add3A_913 = arith.constant 12 : i32
    %add3A_914 = vector.broadcast %add3A_913 : i32 to vector<16xi32>
    %add3A_915 = arith.addi %mul3A_912, %add3A_914 : vector<16xi32>
    %gather3A_916 = tpu.vector_load_idx %arg9[%add3A_915] : memref<543xf32, #tpu.memory_space<vmem>>[vector<16xi32>], vector<16xf32>,
    %add3A_917 = arith.addf %add3A_906, %gather3A_916 : vector<16xf32>
    %add3A_918 = arith.constant 0 : i32
    %add3A_919 = vector.broadcast %add3A_918 : i32 to vector<16xi32>
    %add3A_920 = arith.addi %iota3A, %add3A_919 : vector<16xi32>
    %mul3A_921 = arith.constant 17 : i32
    %mul3A_922 = vector.broadcast %mul3A_921 : i32 to vector<16xi32>
    %mul3A_923 = arith.muli %add3A_920, %mul3A_922 : vector<16xi32>
    %add3A_924 = arith.constant 13 : i32
    %add3A_925 = vector.broadcast %add3A_924 : i32 to vector<16xi32>
    %add3A_926 = arith.addi %mul3A_923, %add3A_925 : vector<16xi32>
    %gather3A_927 = tpu.vector_load_idx %arg9[%add3A_926] : memref<543xf32, #tpu.memory_space<vmem>>[vector<16xi32>], vector<16xf32>,
    %add3A_928 = arith.addf %add3A_917, %gather3A_927 : vector<16xf32>
    %add3A_929 = arith.constant 0 : i32
    %add3A_930 = vector.broadcast %add3A_929 : i32 to vector<16xi32>
    %add3A_931 = arith.addi %iota3A, %add3A_930 : vector<16xi32>
    %mul3A_932 = arith.constant 17 : i32
    %mul3A_933 = vector.broadcast %mul3A_932 : i32 to vector<16xi32>
    %mul3A_934 = arith.muli %add3A_931, %mul3A_933 : vector<16xi32>
    %add3A_935 = arith.constant 14 : i32
    %add3A_936 = vector.broadcast %add3A_935 : i32 to vector<16xi32>
    %add3A_937 = arith.addi %mul3A_934, %add3A_936 : vector<16xi32>
    %gather3A_938 = tpu.vector_load_idx %arg9[%add3A_937] : memref<543xf32, #tpu.memory_space<vmem>>[vector<16xi32>], vector<16xf32>,
    %add3A_939 = arith.addf %add3A_928, %gather3A_938 : vector<16xf32>
    %add3A_940 = arith.constant 0 : i32
    %add3A_941 = vector.broadcast %add3A_940 : i32 to vector<16xi32>
    %add3A_942 = arith.addi %iota3A, %add3A_941 : vector<16xi32>
    %mul3A_943 = arith.constant 17 : i32
    %mul3A_944 = vector.broadcast %mul3A_943 : i32 to vector<16xi32>
    %mul3A_945 = arith.muli %add3A_942, %mul3A_944 : vector<16xi32>
    %add3A_946 = arith.constant 15 : i32
    %add3A_947 = vector.broadcast %add3A_946 : i32 to vector<16xi32>
    %add3A_948 = arith.addi %mul3A_945, %add3A_947 : vector<16xi32>
    %gather3A_949 = tpu.vector_load_idx %arg9[%add3A_948] : memref<543xf32, #tpu.memory_space<vmem>>[vector<16xi32>], vector<16xf32>,
    %add3A_950 = arith.addf %add3A_939, %gather3A_949 : vector<16xf32>
    %swap3A_951 = arith.constant 64 : index
    %swap3A_952 = tpu.vector_load %arg10[%swap3A_951] {strides = array<i32>} : memref<128xf32, #tpu.memory_space<vmem>>, vector<16xf32>,
    tpu.vector_store %arg10[%swap3A_951], %add3A_950 {strides = array<i32>} : memref<128xf32, #tpu.memory_space<vmem>>, vector<16xf32>,
    %add3A_953 = arith.constant 16 : i32
    %add3A_954 = vector.broadcast %add3A_953 : i32 to vector<16xi32>
    %add3A_955 = arith.addi %iota3A, %add3A_954 : vector<16xi32>
    %mul3A_956 = arith.constant 17 : i32
    %mul3A_957 = vector.broadcast %mul3A_956 : i32 to vector<16xi32>
    %mul3A_958 = arith.muli %add3A_955, %mul3A_957 : vector<16xi32>
    %add3A_959 = arith.constant 0 : i32
    %add3A_960 = vector.broadcast %add3A_959 : i32 to vector<16xi32>
    %add3A_961 = arith.addi %mul3A_958, %add3A_960 : vector<16xi32>
    %gather3A_962 = tpu.vector_load_idx %arg9[%add3A_961] : memref<543xf32, #tpu.memory_space<vmem>>[vector<16xi32>], vector<16xf32>,
    %add3A_963 = arith.addf %broadcast_in_dim3A_18, %gather3A_962 : vector<16xf32>
    %add3A_964 = arith.constant 16 : i32
    %add3A_965 = vector.broadcast %add3A_964 : i32 to vector<16xi32>
    %add3A_966 = arith.addi %iota3A, %add3A_965 : vector<16xi32>
    %mul3A_967 = arith.constant 17 : i32
    %mul3A_968 = vector.broadcast %mul3A_967 : i32 to vector<16xi32>
    %mul3A_969 = arith.muli %add3A_966, %mul3A_968 : vector<16xi32>
    %add3A_970 = arith.constant 1 : i32
    %add3A_971 = vector.broadcast %add3A_970 : i32 to vector<16xi32>
    %add3A_972 = arith.addi %mul3A_969, %add3A_971 : vector<16xi32>
    %gather3A_973 = tpu.vector_load_idx %arg9[%add3A_972] : memref<543xf32, #tpu.memory_space<vmem>>[vector<16xi32>], vector<16xf32>,
    %add3A_974 = arith.addf %add3A_963, %gather3A_973 : vector<16xf32>
    %add3A_975 = arith.constant 16 : i32
    %add3A_976 = vector.broadcast %add3A_975 : i32 to vector<16xi32>
    %add3A_977 = arith.addi %iota3A, %add3A_976 : vector<16xi32>
    %mul3A_978 = arith.constant 17 : i32
    %mul3A_979 = vector.broadcast %mul3A_978 : i32 to vector<16xi32>
    %mul3A_980 = arith.muli %add3A_977, %mul3A_979 : vector<16xi32>
    %add3A_981 = arith.constant 2 : i32
    %add3A_982 = vector.broadcast %add3A_981 : i32 to vector<16xi32>
    %add3A_983 = arith.addi %mul3A_980, %add3A_982 : vector<16xi32>
    %gather3A_984 = tpu.vector_load_idx %arg9[%add3A_983] : memref<543xf32, #tpu.memory_space<vmem>>[vector<16xi32>], vector<16xf32>,
    %add3A_985 = arith.addf %add3A_974, %gather3A_984 : vector<16xf32>
    %add3A_986 = arith.constant 16 : i32
    %add3A_987 = vector.broadcast %add3A_986 : i32 to vector<16xi32>
    %add3A_988 = arith.addi %iota3A, %add3A_987 : vector<16xi32>
    %mul3A_989 = arith.constant 17 : i32
    %mul3A_990 = vector.broadcast %mul3A_989 : i32 to vector<16xi32>
    %mul3A_991 = arith.muli %add3A_988, %mul3A_990 : vector<16xi32>
    %add3A_992 = arith.constant 3 : i32
    %add3A_993 = vector.broadcast %add3A_992 : i32 to vector<16xi32>
    %add3A_994 = arith.addi %mul3A_991, %add3A_993 : vector<16xi32>
    %gather3A_995 = tpu.vector_load_idx %arg9[%add3A_994] : memref<543xf32, #tpu.memory_space<vmem>>[vector<16xi32>], vector<16xf32>,
    %add3A_996 = arith.addf %add3A_985, %gather3A_995 : vector<16xf32>
    %add3A_997 = arith.constant 16 : i32
    %add3A_998 = vector.broadcast %add3A_997 : i32 to vector<16xi32>
    %add3A_999 = arith.addi %iota3A, %add3A_998 : vector<16xi32>
    %mul3A_1000 = arith.constant 17 : i32
    %mul3A_1001 = vector.broadcast %mul3A_1000 : i32 to vector<16xi32>
    %mul3A_1002 = arith.muli %add3A_999, %mul3A_1001 : vector<16xi32>
    %add3A_1003 = arith.constant 4 : i32
    %add3A_1004 = vector.broadcast %add3A_1003 : i32 to vector<16xi32>
    %add3A_1005 = arith.addi %mul3A_1002, %add3A_1004 : vector<16xi32>
    %gather3A_1006 = tpu.vector_load_idx %arg9[%add3A_1005] : memref<543xf32, #tpu.memory_space<vmem>>[vector<16xi32>], vector<16xf32>,
    %add3A_1007 = arith.addf %add3A_996, %gather3A_1006 : vector<16xf32>
    %add3A_1008 = arith.constant 16 : i32
    %add3A_1009 = vector.broadcast %add3A_1008 : i32 to vector<16xi32>
    %add3A_1010 = arith.addi %iota3A, %add3A_1009 : vector<16xi32>
    %mul3A_1011 = arith.constant 17 : i32
    %mul3A_1012 = vector.broadcast %mul3A_1011 : i32 to vector<16xi32>
    %mul3A_1013 = arith.muli %add3A_1010, %mul3A_1012 : vector<16xi32>
    %add3A_1014 = arith.constant 5 : i32
    %add3A_1015 = vector.broadcast %add3A_1014 : i32 to vector<16xi32>
    %add3A_1016 = arith.addi %mul3A_1013, %add3A_1015 : vector<16xi32>
    %gather3A_1017 = tpu.vector_load_idx %arg9[%add3A_1016] : memref<543xf32, #tpu.memory_space<vmem>>[vector<16xi32>], vector<16xf32>,
    %add3A_1018 = arith.addf %add3A_1007, %gather3A_1017 : vector<16xf32>
    %add3A_1019 = arith.constant 16 : i32
    %add3A_1020 = vector.broadcast %add3A_1019 : i32 to vector<16xi32>
    %add3A_1021 = arith.addi %iota3A, %add3A_1020 : vector<16xi32>
    %mul3A_1022 = arith.constant 17 : i32
    %mul3A_1023 = vector.broadcast %mul3A_1022 : i32 to vector<16xi32>
    %mul3A_1024 = arith.muli %add3A_1021, %mul3A_1023 : vector<16xi32>
    %add3A_1025 = arith.constant 6 : i32
    %add3A_1026 = vector.broadcast %add3A_1025 : i32 to vector<16xi32>
    %add3A_1027 = arith.addi %mul3A_1024, %add3A_1026 : vector<16xi32>
    %gather3A_1028 = tpu.vector_load_idx %arg9[%add3A_1027] : memref<543xf32, #tpu.memory_space<vmem>>[vector<16xi32>], vector<16xf32>,
    %add3A_1029 = arith.addf %add3A_1018, %gather3A_1028 : vector<16xf32>
    %add3A_1030 = arith.constant 16 : i32
    %add3A_1031 = vector.broadcast %add3A_1030 : i32 to vector<16xi32>
    %add3A_1032 = arith.addi %iota3A, %add3A_1031 : vector<16xi32>
    %mul3A_1033 = arith.constant 17 : i32
    %mul3A_1034 = vector.broadcast %mul3A_1033 : i32 to vector<16xi32>
    %mul3A_1035 = arith.muli %add3A_1032, %mul3A_1034 : vector<16xi32>
    %add3A_1036 = arith.constant 7 : i32
    %add3A_1037 = vector.broadcast %add3A_1036 : i32 to vector<16xi32>
    %add3A_1038 = arith.addi %mul3A_1035, %add3A_1037 : vector<16xi32>
    %gather3A_1039 = tpu.vector_load_idx %arg9[%add3A_1038] : memref<543xf32, #tpu.memory_space<vmem>>[vector<16xi32>], vector<16xf32>,
    %add3A_1040 = arith.addf %add3A_1029, %gather3A_1039 : vector<16xf32>
    %add3A_1041 = arith.constant 16 : i32
    %add3A_1042 = vector.broadcast %add3A_1041 : i32 to vector<16xi32>
    %add3A_1043 = arith.addi %iota3A, %add3A_1042 : vector<16xi32>
    %mul3A_1044 = arith.constant 17 : i32
    %mul3A_1045 = vector.broadcast %mul3A_1044 : i32 to vector<16xi32>
    %mul3A_1046 = arith.muli %add3A_1043, %mul3A_1045 : vector<16xi32>
    %add3A_1047 = arith.constant 8 : i32
    %add3A_1048 = vector.broadcast %add3A_1047 : i32 to vector<16xi32>
    %add3A_1049 = arith.addi %mul3A_1046, %add3A_1048 : vector<16xi32>
    %gather3A_1050 = tpu.vector_load_idx %arg9[%add3A_1049] : memref<543xf32, #tpu.memory_space<vmem>>[vector<16xi32>], vector<16xf32>,
    %add3A_1051 = arith.addf %add3A_1040, %gather3A_1050 : vector<16xf32>
    %add3A_1052 = arith.constant 16 : i32
    %add3A_1053 = vector.broadcast %add3A_1052 : i32 to vector<16xi32>
    %add3A_1054 = arith.addi %iota3A, %add3A_1053 : vector<16xi32>
    %mul3A_1055 = arith.constant 17 : i32
    %mul3A_1056 = vector.broadcast %mul3A_1055 : i32 to vector<16xi32>
    %mul3A_1057 = arith.muli %add3A_1054, %mul3A_1056 : vector<16xi32>
    %add3A_1058 = arith.constant 9 : i32
    %add3A_1059 = vector.broadcast %add3A_1058 : i32 to vector<16xi32>
    %add3A_1060 = arith.addi %mul3A_1057, %add3A_1059 : vector<16xi32>
    %gather3A_1061 = tpu.vector_load_idx %arg9[%add3A_1060] : memref<543xf32, #tpu.memory_space<vmem>>[vector<16xi32>], vector<16xf32>,
    %add3A_1062 = arith.addf %add3A_1051, %gather3A_1061 : vector<16xf32>
    %add3A_1063 = arith.constant 16 : i32
    %add3A_1064 = vector.broadcast %add3A_1063 : i32 to vector<16xi32>
    %add3A_1065 = arith.addi %iota3A, %add3A_1064 : vector<16xi32>
    %mul3A_1066 = arith.constant 17 : i32
    %mul3A_1067 = vector.broadcast %mul3A_1066 : i32 to vector<16xi32>
    %mul3A_1068 = arith.muli %add3A_1065, %mul3A_1067 : vector<16xi32>
    %add3A_1069 = arith.constant 10 : i32
    %add3A_1070 = vector.broadcast %add3A_1069 : i32 to vector<16xi32>
    %add3A_1071 = arith.addi %mul3A_1068, %add3A_1070 : vector<16xi32>
    %gather3A_1072 = tpu.vector_load_idx %arg9[%add3A_1071] : memref<543xf32, #tpu.memory_space<vmem>>[vector<16xi32>], vector<16xf32>,
    %add3A_1073 = arith.addf %add3A_1062, %gather3A_1072 : vector<16xf32>
    %add3A_1074 = arith.constant 16 : i32
    %add3A_1075 = vector.broadcast %add3A_1074 : i32 to vector<16xi32>
    %add3A_1076 = arith.addi %iota3A, %add3A_1075 : vector<16xi32>
    %mul3A_1077 = arith.constant 17 : i32
    %mul3A_1078 = vector.broadcast %mul3A_1077 : i32 to vector<16xi32>
    %mul3A_1079 = arith.muli %add3A_1076, %mul3A_1078 : vector<16xi32>
    %add3A_1080 = arith.constant 11 : i32
    %add3A_1081 = vector.broadcast %add3A_1080 : i32 to vector<16xi32>
    %add3A_1082 = arith.addi %mul3A_1079, %add3A_1081 : vector<16xi32>
    %gather3A_1083 = tpu.vector_load_idx %arg9[%add3A_1082] : memref<543xf32, #tpu.memory_space<vmem>>[vector<16xi32>], vector<16xf32>,
    %add3A_1084 = arith.addf %add3A_1073, %gather3A_1083 : vector<16xf32>
    %add3A_1085 = arith.constant 16 : i32
    %add3A_1086 = vector.broadcast %add3A_1085 : i32 to vector<16xi32>
    %add3A_1087 = arith.addi %iota3A, %add3A_1086 : vector<16xi32>
    %mul3A_1088 = arith.constant 17 : i32
    %mul3A_1089 = vector.broadcast %mul3A_1088 : i32 to vector<16xi32>
    %mul3A_1090 = arith.muli %add3A_1087, %mul3A_1089 : vector<16xi32>
    %add3A_1091 = arith.constant 12 : i32
    %add3A_1092 = vector.broadcast %add3A_1091 : i32 to vector<16xi32>
    %add3A_1093 = arith.addi %mul3A_1090, %add3A_1092 : vector<16xi32>
    %gather3A_1094 = tpu.vector_load_idx %arg9[%add3A_1093] : memref<543xf32, #tpu.memory_space<vmem>>[vector<16xi32>], vector<16xf32>,
    %add3A_1095 = arith.addf %add3A_1084, %gather3A_1094 : vector<16xf32>
    %add3A_1096 = arith.constant 16 : i32
    %add3A_1097 = vector.broadcast %add3A_1096 : i32 to vector<16xi32>
    %add3A_1098 = arith.addi %iota3A, %add3A_1097 : vector<16xi32>
    %mul3A_1099 = arith.constant 17 : i32
    %mul3A_1100 = vector.broadcast %mul3A_1099 : i32 to vector<16xi32>
    %mul3A_1101 = arith.muli %add3A_1098, %mul3A_1100 : vector<16xi32>
    %add3A_1102 = arith.constant 13 : i32
    %add3A_1103 = vector.broadcast %add3A_1102 : i32 to vector<16xi32>
    %add3A_1104 = arith.addi %mul3A_1101, %add3A_1103 : vector<16xi32>
    %gather3A_1105 = tpu.vector_load_idx %arg9[%add3A_1104] : memref<543xf32, #tpu.memory_space<vmem>>[vector<16xi32>], vector<16xf32>,
    %add3A_1106 = arith.addf %add3A_1095, %gather3A_1105 : vector<16xf32>
    %add3A_1107 = arith.constant 16 : i32
    %add3A_1108 = vector.broadcast %add3A_1107 : i32 to vector<16xi32>
    %add3A_1109 = arith.addi %iota3A, %add3A_1108 : vector<16xi32>
    %mul3A_1110 = arith.constant 17 : i32
    %mul3A_1111 = vector.broadcast %mul3A_1110 : i32 to vector<16xi32>
    %mul3A_1112 = arith.muli %add3A_1109, %mul3A_1111 : vector<16xi32>
    %add3A_1113 = arith.constant 14 : i32
    %add3A_1114 = vector.broadcast %add3A_1113 : i32 to vector<16xi32>
    %add3A_1115 = arith.addi %mul3A_1112, %add3A_1114 : vector<16xi32>
    %gather3A_1116 = tpu.vector_load_idx %arg9[%add3A_1115] : memref<543xf32, #tpu.memory_space<vmem>>[vector<16xi32>], vector<16xf32>,
    %add3A_1117 = arith.addf %add3A_1106, %gather3A_1116 : vector<16xf32>
    %add3A_1118 = arith.constant 16 : i32
    %add3A_1119 = vector.broadcast %add3A_1118 : i32 to vector<16xi32>
    %add3A_1120 = arith.addi %iota3A, %add3A_1119 : vector<16xi32>
    %mul3A_1121 = arith.constant 17 : i32
    %mul3A_1122 = vector.broadcast %mul3A_1121 : i32 to vector<16xi32>
    %mul3A_1123 = arith.muli %add3A_1120, %mul3A_1122 : vector<16xi32>
    %add3A_1124 = arith.constant 15 : i32
    %add3A_1125 = vector.broadcast %add3A_1124 : i32 to vector<16xi32>
    %add3A_1126 = arith.addi %mul3A_1123, %add3A_1125 : vector<16xi32>
    %gather3A_1127 = tpu.vector_load_idx %arg9[%add3A_1126] : memref<543xf32, #tpu.memory_space<vmem>>[vector<16xi32>], vector<16xf32>,
    %add3A_1128 = arith.addf %add3A_1117, %gather3A_1127 : vector<16xf32>
    %swap3A_1129 = arith.constant 80 : index
    %swap3A_1130 = tpu.vector_load %arg10[%swap3A_1129] {strides = array<i32>} : memref<128xf32, #tpu.memory_space<vmem>>, vector<16xf32>,
    tpu.vector_store %arg10[%swap3A_1129], %add3A_1128 {strides = array<i32>} : memref<128xf32, #tpu.memory_space<vmem>>, vector<16xf32>,
    %add3A_1131 = arith.constant 96 : i32
    %add3A_1132 = arith.addi %multiple_of3A, %add3A_1131 : i32
    %dma_wait3A_1133 = arith.constant 0 : i32
    %dma_wait3A_1134 = tpu.memref_slice %arg2[%add3A_1132, %dma_wait3A_1133] : memref<4096x200xi32, #tpu.memory_space<hbm>> -> memref<32x200xi32, #tpu.memory_space<hbm>>
    %dma_wait3A_1135 = arith.constant 0 : i32
    %dma_wait3A_1136 = tpu.memref_slice %arg2[%add3A_1132, %dma_wait3A_1135] : memref<4096x200xi32, #tpu.memory_space<hbm>> -> memref<32x200xi32, #tpu.memory_space<hbm>>
    tpu.wait_dma2 semaphore(%arg13 : memref<!tpu.dma_semaphore, #tpu.memory_space<semaphore_mem>>) src(%dma_wait3A_1136 : memref<32x200xi32, #tpu.memory_space<hbm>>) dst(%arg8 : memref<32x200xi32, #tpu.memory_space<vmem>>)
    %scan3A_1137 = arith.constant 0 : i32
    %scan3A_1138 = arith.constant 0 : i32
    %scan3A_1139 = arith.constant 16 : i32
    %scan3A_1140 = arith.addi %scan3A_1138, %scan3A_1139 : i32
    %scan3A_1141 = arith.constant 2 : i32
    scf.for %scan3A_1502 = %scan3A_1138 to %scan3A_1140 step %scan3A_1141  : i32 {
      %add3A_1503 = arith.constant 0 : i32
      %add3A_1504 = arith.addi %add3A_1503, %scan3A_1502 : i32
      %get3A = arith.index_cast %add3A_1504 : i32 to index
      %get3A_1505 = arith.constant 0 : index
      %get3A_1506 = tpu.vector_load %arg8[%get3A, %get3A_1505] {strides = array<i32>} : memref<32x200xi32, #tpu.memory_space<vmem>>, vector<16xi32>,
      %gather3A_1507 = tpu.vector_load_idx %arg6[%get3A_1506] : memref<100000xf32, #tpu.memory_space<vmem>>[vector<16xi32>], vector<16xf32>,
      %add3A_1508 = arith.addf %broadcast_in_dim3A_18, %gather3A_1507 : vector<16xf32>
      %get3A_1509 = arith.index_cast %add3A_1504 : i32 to index
      %get3A_1510 = arith.constant 16 : index
      %get3A_1511 = tpu.vector_load %arg8[%get3A_1509, %get3A_1510] {strides = array<i32>} : memref<32x200xi32, #tpu.memory_space<vmem>>, vector<16xi32>,
      %gather3A_1512 = tpu.vector_load_idx %arg6[%get3A_1511] : memref<100000xf32, #tpu.memory_space<vmem>>[vector<16xi32>], vector<16xf32>,
      %add3A_1513 = arith.addf %add3A_1508, %gather3A_1512 : vector<16xf32>
      %get3A_1514 = arith.index_cast %add3A_1504 : i32 to index
      %get3A_1515 = arith.constant 32 : index
      %get3A_1516 = tpu.vector_load %arg8[%get3A_1514, %get3A_1515] {strides = array<i32>} : memref<32x200xi32, #tpu.memory_space<vmem>>, vector<16xi32>,
      %gather3A_1517 = tpu.vector_load_idx %arg6[%get3A_1516] : memref<100000xf32, #tpu.memory_space<vmem>>[vector<16xi32>], vector<16xf32>,
      %add3A_1518 = arith.addf %add3A_1513, %gather3A_1517 : vector<16xf32>
      %get3A_1519 = arith.index_cast %add3A_1504 : i32 to index
      %get3A_1520 = arith.constant 48 : index
      %get3A_1521 = tpu.vector_load %arg8[%get3A_1519, %get3A_1520] {strides = array<i32>} : memref<32x200xi32, #tpu.memory_space<vmem>>, vector<16xi32>,
      %gather3A_1522 = tpu.vector_load_idx %arg6[%get3A_1521] : memref<100000xf32, #tpu.memory_space<vmem>>[vector<16xi32>], vector<16xf32>,
      %add3A_1523 = arith.addf %add3A_1518, %gather3A_1522 : vector<16xf32>
      %get3A_1524 = arith.index_cast %add3A_1504 : i32 to index
      %get3A_1525 = arith.constant 64 : index
      %get3A_1526 = tpu.vector_load %arg8[%get3A_1524, %get3A_1525] {strides = array<i32>} : memref<32x200xi32, #tpu.memory_space<vmem>>, vector<16xi32>,
      %gather3A_1527 = tpu.vector_load_idx %arg6[%get3A_1526] : memref<100000xf32, #tpu.memory_space<vmem>>[vector<16xi32>], vector<16xf32>,
      %add3A_1528 = arith.addf %add3A_1523, %gather3A_1527 : vector<16xf32>
      %get3A_1529 = arith.index_cast %add3A_1504 : i32 to index
      %get3A_1530 = arith.constant 80 : index
      %get3A_1531 = tpu.vector_load %arg8[%get3A_1529, %get3A_1530] {strides = array<i32>} : memref<32x200xi32, #tpu.memory_space<vmem>>, vector<16xi32>,
      %gather3A_1532 = tpu.vector_load_idx %arg6[%get3A_1531] : memref<100000xf32, #tpu.memory_space<vmem>>[vector<16xi32>], vector<16xf32>,
      %add3A_1533 = arith.addf %add3A_1528, %gather3A_1532 : vector<16xf32>
      %get3A_1534 = arith.index_cast %add3A_1504 : i32 to index
      %get3A_1535 = arith.constant 96 : index
      %get3A_1536 = tpu.vector_load %arg8[%get3A_1534, %get3A_1535] {strides = array<i32>} : memref<32x200xi32, #tpu.memory_space<vmem>>, vector<16xi32>,
      %gather3A_1537 = tpu.vector_load_idx %arg6[%get3A_1536] : memref<100000xf32, #tpu.memory_space<vmem>>[vector<16xi32>], vector<16xf32>,
      %add3A_1538 = arith.addf %add3A_1533, %gather3A_1537 : vector<16xf32>
      %get3A_1539 = arith.index_cast %add3A_1504 : i32 to index
      %get3A_1540 = arith.constant 112 : index
      %get3A_1541 = tpu.vector_load %arg8[%get3A_1539, %get3A_1540] {strides = array<i32>} : memref<32x200xi32, #tpu.memory_space<vmem>>, vector<16xi32>,
      %gather3A_1542 = tpu.vector_load_idx %arg6[%get3A_1541] : memref<100000xf32, #tpu.memory_space<vmem>>[vector<16xi32>], vector<16xf32>,
      %add3A_1543 = arith.addf %add3A_1538, %gather3A_1542 : vector<16xf32>
      %get3A_1544 = arith.index_cast %add3A_1504 : i32 to index
      %get3A_1545 = arith.constant 128 : index
      %get3A_1546 = tpu.vector_load %arg8[%get3A_1544, %get3A_1545] {strides = array<i32>} : memref<32x200xi32, #tpu.memory_space<vmem>>, vector<16xi32>,
      %gather3A_1547 = tpu.vector_load_idx %arg6[%get3A_1546] : memref<100000xf32, #tpu.memory_space<vmem>>[vector<16xi32>], vector<16xf32>,
      %add3A_1548 = arith.addf %add3A_1543, %gather3A_1547 : vector<16xf32>
      %get3A_1549 = arith.index_cast %add3A_1504 : i32 to index
      %get3A_1550 = arith.constant 144 : index
      %get3A_1551 = tpu.vector_load %arg8[%get3A_1549, %get3A_1550] {strides = array<i32>} : memref<32x200xi32, #tpu.memory_space<vmem>>, vector<16xi32>,
      %gather3A_1552 = tpu.vector_load_idx %arg6[%get3A_1551] : memref<100000xf32, #tpu.memory_space<vmem>>[vector<16xi32>], vector<16xf32>,
      %add3A_1553 = arith.addf %add3A_1548, %gather3A_1552 : vector<16xf32>
      %get3A_1554 = arith.index_cast %add3A_1504 : i32 to index
      %get3A_1555 = arith.constant 160 : index
      %get3A_1556 = tpu.vector_load %arg8[%get3A_1554, %get3A_1555] {strides = array<i32>} : memref<32x200xi32, #tpu.memory_space<vmem>>, vector<16xi32>,
      %gather3A_1557 = tpu.vector_load_idx %arg6[%get3A_1556] : memref<100000xf32, #tpu.memory_space<vmem>>[vector<16xi32>], vector<16xf32>,
      %add3A_1558 = arith.addf %add3A_1553, %gather3A_1557 : vector<16xf32>
      %get3A_1559 = arith.index_cast %add3A_1504 : i32 to index
      %get3A_1560 = arith.constant 176 : index
      %get3A_1561 = tpu.vector_load %arg8[%get3A_1559, %get3A_1560] {strides = array<i32>} : memref<32x200xi32, #tpu.memory_space<vmem>>, vector<16xi32>,
      %gather3A_1562 = tpu.vector_load_idx %arg6[%get3A_1561] : memref<100000xf32, #tpu.memory_space<vmem>>[vector<16xi32>], vector<16xf32>,
      %add3A_1563 = arith.addf %add3A_1558, %gather3A_1562 : vector<16xf32>
      %get3A_1564 = arith.index_cast %add3A_1504 : i32 to index
      %get3A_1565 = arith.constant 184 : index
      %get3A_1566 = tpu.vector_load %arg8[%get3A_1564, %get3A_1565] {strides = array<i32>} : memref<32x200xi32, #tpu.memory_space<vmem>>, vector<16xi32>,
      %gather3A_1567 = tpu.vector_load_idx %arg6[%get3A_1566] : memref<100000xf32, #tpu.memory_space<vmem>>[vector<16xi32>], vector<16xf32>,
      %select_n3A = arith.select %ge3A_17, %gather3A_1567, %broadcast_in_dim3A_18 : vector<16xi1>, vector<16xf32>
      %add3A_1568 = arith.addf %add3A_1563, %select_n3A : vector<16xf32>
      %add3A_1569 = arith.constant 0 : i32
      %add3A_1570 = arith.addi %add3A_1569, %scan3A_1502 : i32
      %mul3A_1571 = arith.constant 17 : i32
      %mul3A_1572 = arith.muli %add3A_1570, %mul3A_1571 : i32
      %swap3A_1573 = arith.index_cast %mul3A_1572 : i32 to index
      %swap3A_1574 = tpu.vector_load %arg9[%swap3A_1573] {strides = array<i32>} : memref<543xf32, #tpu.memory_space<vmem>>, vector<16xf32>,
      tpu.vector_store %arg9[%swap3A_1573], %add3A_1568 {strides = array<i32>} : memref<543xf32, #tpu.memory_space<vmem>>, vector<16xf32>,
      %add3A_1575 = arith.constant 16 : i32
      %add3A_1576 = arith.addi %add3A_1575, %scan3A_1502 : i32
      %get3A_1577 = arith.index_cast %add3A_1576 : i32 to index
      %get3A_1578 = arith.constant 0 : index
      %get3A_1579 = tpu.vector_load %arg8[%get3A_1577, %get3A_1578] {strides = array<i32>} : memref<32x200xi32, #tpu.memory_space<vmem>>, vector<16xi32>,
      %gather3A_1580 = tpu.vector_load_idx %arg6[%get3A_1579] : memref<100000xf32, #tpu.memory_space<vmem>>[vector<16xi32>], vector<16xf32>,
      %add3A_1581 = arith.addf %broadcast_in_dim3A_18, %gather3A_1580 : vector<16xf32>
      %get3A_1582 = arith.index_cast %add3A_1576 : i32 to index
      %get3A_1583 = arith.constant 16 : index
      %get3A_1584 = tpu.vector_load %arg8[%get3A_1582, %get3A_1583] {strides = array<i32>} : memref<32x200xi32, #tpu.memory_space<vmem>>, vector<16xi32>,
      %gather3A_1585 = tpu.vector_load_idx %arg6[%get3A_1584] : memref<100000xf32, #tpu.memory_space<vmem>>[vector<16xi32>], vector<16xf32>,
      %add3A_1586 = arith.addf %add3A_1581, %gather3A_1585 : vector<16xf32>
      %get3A_1587 = arith.index_cast %add3A_1576 : i32 to index
      %get3A_1588 = arith.constant 32 : index
      %get3A_1589 = tpu.vector_load %arg8[%get3A_1587, %get3A_1588] {strides = array<i32>} : memref<32x200xi32, #tpu.memory_space<vmem>>, vector<16xi32>,
      %gather3A_1590 = tpu.vector_load_idx %arg6[%get3A_1589] : memref<100000xf32, #tpu.memory_space<vmem>>[vector<16xi32>], vector<16xf32>,
      %add3A_1591 = arith.addf %add3A_1586, %gather3A_1590 : vector<16xf32>
      %get3A_1592 = arith.index_cast %add3A_1576 : i32 to index
      %get3A_1593 = arith.constant 48 : index
      %get3A_1594 = tpu.vector_load %arg8[%get3A_1592, %get3A_1593] {strides = array<i32>} : memref<32x200xi32, #tpu.memory_space<vmem>>, vector<16xi32>,
      %gather3A_1595 = tpu.vector_load_idx %arg6[%get3A_1594] : memref<100000xf32, #tpu.memory_space<vmem>>[vector<16xi32>], vector<16xf32>,
      %add3A_1596 = arith.addf %add3A_1591, %gather3A_1595 : vector<16xf32>
      %get3A_1597 = arith.index_cast %add3A_1576 : i32 to index
      %get3A_1598 = arith.constant 64 : index
      %get3A_1599 = tpu.vector_load %arg8[%get3A_1597, %get3A_1598] {strides = array<i32>} : memref<32x200xi32, #tpu.memory_space<vmem>>, vector<16xi32>,
      %gather3A_1600 = tpu.vector_load_idx %arg6[%get3A_1599] : memref<100000xf32, #tpu.memory_space<vmem>>[vector<16xi32>], vector<16xf32>,
      %add3A_1601 = arith.addf %add3A_1596, %gather3A_1600 : vector<16xf32>
      %get3A_1602 = arith.index_cast %add3A_1576 : i32 to index
      %get3A_1603 = arith.constant 80 : index
      %get3A_1604 = tpu.vector_load %arg8[%get3A_1602, %get3A_1603] {strides = array<i32>} : memref<32x200xi32, #tpu.memory_space<vmem>>, vector<16xi32>,
      %gather3A_1605 = tpu.vector_load_idx %arg6[%get3A_1604] : memref<100000xf32, #tpu.memory_space<vmem>>[vector<16xi32>], vector<16xf32>,
      %add3A_1606 = arith.addf %add3A_1601, %gather3A_1605 : vector<16xf32>
      %get3A_1607 = arith.index_cast %add3A_1576 : i32 to index
      %get3A_1608 = arith.constant 96 : index
      %get3A_1609 = tpu.vector_load %arg8[%get3A_1607, %get3A_1608] {strides = array<i32>} : memref<32x200xi32, #tpu.memory_space<vmem>>, vector<16xi32>,
      %gather3A_1610 = tpu.vector_load_idx %arg6[%get3A_1609] : memref<100000xf32, #tpu.memory_space<vmem>>[vector<16xi32>], vector<16xf32>,
      %add3A_1611 = arith.addf %add3A_1606, %gather3A_1610 : vector<16xf32>
      %get3A_1612 = arith.index_cast %add3A_1576 : i32 to index
      %get3A_1613 = arith.constant 112 : index
      %get3A_1614 = tpu.vector_load %arg8[%get3A_1612, %get3A_1613] {strides = array<i32>} : memref<32x200xi32, #tpu.memory_space<vmem>>, vector<16xi32>,
      %gather3A_1615 = tpu.vector_load_idx %arg6[%get3A_1614] : memref<100000xf32, #tpu.memory_space<vmem>>[vector<16xi32>], vector<16xf32>,
      %add3A_1616 = arith.addf %add3A_1611, %gather3A_1615 : vector<16xf32>
      %get3A_1617 = arith.index_cast %add3A_1576 : i32 to index
      %get3A_1618 = arith.constant 128 : index
      %get3A_1619 = tpu.vector_load %arg8[%get3A_1617, %get3A_1618] {strides = array<i32>} : memref<32x200xi32, #tpu.memory_space<vmem>>, vector<16xi32>,
      %gather3A_1620 = tpu.vector_load_idx %arg6[%get3A_1619] : memref<100000xf32, #tpu.memory_space<vmem>>[vector<16xi32>], vector<16xf32>,
      %add3A_1621 = arith.addf %add3A_1616, %gather3A_1620 : vector<16xf32>
      %get3A_1622 = arith.index_cast %add3A_1576 : i32 to index
      %get3A_1623 = arith.constant 144 : index
      %get3A_1624 = tpu.vector_load %arg8[%get3A_1622, %get3A_1623] {strides = array<i32>} : memref<32x200xi32, #tpu.memory_space<vmem>>, vector<16xi32>,
      %gather3A_1625 = tpu.vector_load_idx %arg6[%get3A_1624] : memref<100000xf32, #tpu.memory_space<vmem>>[vector<16xi32>], vector<16xf32>,
      %add3A_1626 = arith.addf %add3A_1621, %gather3A_1625 : vector<16xf32>
      %get3A_1627 = arith.index_cast %add3A_1576 : i32 to index
      %get3A_1628 = arith.constant 160 : index
      %get3A_1629 = tpu.vector_load %arg8[%get3A_1627, %get3A_1628] {strides = array<i32>} : memref<32x200xi32, #tpu.memory_space<vmem>>, vector<16xi32>,
      %gather3A_1630 = tpu.vector_load_idx %arg6[%get3A_1629] : memref<100000xf32, #tpu.memory_space<vmem>>[vector<16xi32>], vector<16xf32>,
      %add3A_1631 = arith.addf %add3A_1626, %gather3A_1630 : vector<16xf32>
      %get3A_1632 = arith.index_cast %add3A_1576 : i32 to index
      %get3A_1633 = arith.constant 176 : index
      %get3A_1634 = tpu.vector_load %arg8[%get3A_1632, %get3A_1633] {strides = array<i32>} : memref<32x200xi32, #tpu.memory_space<vmem>>, vector<16xi32>,
      %gather3A_1635 = tpu.vector_load_idx %arg6[%get3A_1634] : memref<100000xf32, #tpu.memory_space<vmem>>[vector<16xi32>], vector<16xf32>,
      %add3A_1636 = arith.addf %add3A_1631, %gather3A_1635 : vector<16xf32>
      %get3A_1637 = arith.index_cast %add3A_1576 : i32 to index
      %get3A_1638 = arith.constant 184 : index
      %get3A_1639 = tpu.vector_load %arg8[%get3A_1637, %get3A_1638] {strides = array<i32>} : memref<32x200xi32, #tpu.memory_space<vmem>>, vector<16xi32>,
      %gather3A_1640 = tpu.vector_load_idx %arg6[%get3A_1639] : memref<100000xf32, #tpu.memory_space<vmem>>[vector<16xi32>], vector<16xf32>,
      %select_n3A_1641 = arith.select %ge3A_17, %gather3A_1640, %broadcast_in_dim3A_18 : vector<16xi1>, vector<16xf32>
      %add3A_1642 = arith.addf %add3A_1636, %select_n3A_1641 : vector<16xf32>
      %add3A_1643 = arith.constant 16 : i32
      %add3A_1644 = arith.addi %add3A_1643, %scan3A_1502 : i32
      %mul3A_1645 = arith.constant 17 : i32
      %mul3A_1646 = arith.muli %add3A_1644, %mul3A_1645 : i32
      %swap3A_1647 = arith.index_cast %mul3A_1646 : i32 to index
      %swap3A_1648 = tpu.vector_load %arg9[%swap3A_1647] {strides = array<i32>} : memref<543xf32, #tpu.memory_space<vmem>>, vector<16xf32>,
      tpu.vector_store %arg9[%swap3A_1647], %add3A_1642 {strides = array<i32>} : memref<543xf32, #tpu.memory_space<vmem>>, vector<16xf32>,
      %scan3A_1649 = arith.constant 1 : i32
      %scan3A_1650 = arith.addi %scan3A_1502, %scan3A_1649 : i32
      %add3A_1651 = arith.constant 0 : i32
      %add3A_1652 = arith.addi %add3A_1651, %scan3A_1650 : i32
      %get3A_1653 = arith.index_cast %add3A_1652 : i32 to index
      %get3A_1654 = arith.constant 0 : index
      %get3A_1655 = tpu.vector_load %arg8[%get3A_1653, %get3A_1654] {strides = array<i32>} : memref<32x200xi32, #tpu.memory_space<vmem>>, vector<16xi32>,
      %gather3A_1656 = tpu.vector_load_idx %arg6[%get3A_1655] : memref<100000xf32, #tpu.memory_space<vmem>>[vector<16xi32>], vector<16xf32>,
      %add3A_1657 = arith.addf %broadcast_in_dim3A_18, %gather3A_1656 : vector<16xf32>
      %get3A_1658 = arith.index_cast %add3A_1652 : i32 to index
      %get3A_1659 = arith.constant 16 : index
      %get3A_1660 = tpu.vector_load %arg8[%get3A_1658, %get3A_1659] {strides = array<i32>} : memref<32x200xi32, #tpu.memory_space<vmem>>, vector<16xi32>,
      %gather3A_1661 = tpu.vector_load_idx %arg6[%get3A_1660] : memref<100000xf32, #tpu.memory_space<vmem>>[vector<16xi32>], vector<16xf32>,
      %add3A_1662 = arith.addf %add3A_1657, %gather3A_1661 : vector<16xf32>
      %get3A_1663 = arith.index_cast %add3A_1652 : i32 to index
      %get3A_1664 = arith.constant 32 : index
      %get3A_1665 = tpu.vector_load %arg8[%get3A_1663, %get3A_1664] {strides = array<i32>} : memref<32x200xi32, #tpu.memory_space<vmem>>, vector<16xi32>,
      %gather3A_1666 = tpu.vector_load_idx %arg6[%get3A_1665] : memref<100000xf32, #tpu.memory_space<vmem>>[vector<16xi32>], vector<16xf32>,
      %add3A_1667 = arith.addf %add3A_1662, %gather3A_1666 : vector<16xf32>
      %get3A_1668 = arith.index_cast %add3A_1652 : i32 to index
      %get3A_1669 = arith.constant 48 : index
      %get3A_1670 = tpu.vector_load %arg8[%get3A_1668, %get3A_1669] {strides = array<i32>} : memref<32x200xi32, #tpu.memory_space<vmem>>, vector<16xi32>,
      %gather3A_1671 = tpu.vector_load_idx %arg6[%get3A_1670] : memref<100000xf32, #tpu.memory_space<vmem>>[vector<16xi32>], vector<16xf32>,
      %add3A_1672 = arith.addf %add3A_1667, %gather3A_1671 : vector<16xf32>
      %get3A_1673 = arith.index_cast %add3A_1652 : i32 to index
      %get3A_1674 = arith.constant 64 : index
      %get3A_1675 = tpu.vector_load %arg8[%get3A_1673, %get3A_1674] {strides = array<i32>} : memref<32x200xi32, #tpu.memory_space<vmem>>, vector<16xi32>,
      %gather3A_1676 = tpu.vector_load_idx %arg6[%get3A_1675] : memref<100000xf32, #tpu.memory_space<vmem>>[vector<16xi32>], vector<16xf32>,
      %add3A_1677 = arith.addf %add3A_1672, %gather3A_1676 : vector<16xf32>
      %get3A_1678 = arith.index_cast %add3A_1652 : i32 to index
      %get3A_1679 = arith.constant 80 : index
      %get3A_1680 = tpu.vector_load %arg8[%get3A_1678, %get3A_1679] {strides = array<i32>} : memref<32x200xi32, #tpu.memory_space<vmem>>, vector<16xi32>,
      %gather3A_1681 = tpu.vector_load_idx %arg6[%get3A_1680] : memref<100000xf32, #tpu.memory_space<vmem>>[vector<16xi32>], vector<16xf32>,
      %add3A_1682 = arith.addf %add3A_1677, %gather3A_1681 : vector<16xf32>
      %get3A_1683 = arith.index_cast %add3A_1652 : i32 to index
      %get3A_1684 = arith.constant 96 : index
      %get3A_1685 = tpu.vector_load %arg8[%get3A_1683, %get3A_1684] {strides = array<i32>} : memref<32x200xi32, #tpu.memory_space<vmem>>, vector<16xi32>,
      %gather3A_1686 = tpu.vector_load_idx %arg6[%get3A_1685] : memref<100000xf32, #tpu.memory_space<vmem>>[vector<16xi32>], vector<16xf32>,
      %add3A_1687 = arith.addf %add3A_1682, %gather3A_1686 : vector<16xf32>
      %get3A_1688 = arith.index_cast %add3A_1652 : i32 to index
      %get3A_1689 = arith.constant 112 : index
      %get3A_1690 = tpu.vector_load %arg8[%get3A_1688, %get3A_1689] {strides = array<i32>} : memref<32x200xi32, #tpu.memory_space<vmem>>, vector<16xi32>,
      %gather3A_1691 = tpu.vector_load_idx %arg6[%get3A_1690] : memref<100000xf32, #tpu.memory_space<vmem>>[vector<16xi32>], vector<16xf32>,
      %add3A_1692 = arith.addf %add3A_1687, %gather3A_1691 : vector<16xf32>
      %get3A_1693 = arith.index_cast %add3A_1652 : i32 to index
      %get3A_1694 = arith.constant 128 : index
      %get3A_1695 = tpu.vector_load %arg8[%get3A_1693, %get3A_1694] {strides = array<i32>} : memref<32x200xi32, #tpu.memory_space<vmem>>, vector<16xi32>,
      %gather3A_1696 = tpu.vector_load_idx %arg6[%get3A_1695] : memref<100000xf32, #tpu.memory_space<vmem>>[vector<16xi32>], vector<16xf32>,
      %add3A_1697 = arith.addf %add3A_1692, %gather3A_1696 : vector<16xf32>
      %get3A_1698 = arith.index_cast %add3A_1652 : i32 to index
      %get3A_1699 = arith.constant 144 : index
      %get3A_1700 = tpu.vector_load %arg8[%get3A_1698, %get3A_1699] {strides = array<i32>} : memref<32x200xi32, #tpu.memory_space<vmem>>, vector<16xi32>,
      %gather3A_1701 = tpu.vector_load_idx %arg6[%get3A_1700] : memref<100000xf32, #tpu.memory_space<vmem>>[vector<16xi32>], vector<16xf32>,
      %add3A_1702 = arith.addf %add3A_1697, %gather3A_1701 : vector<16xf32>
      %get3A_1703 = arith.index_cast %add3A_1652 : i32 to index
      %get3A_1704 = arith.constant 160 : index
      %get3A_1705 = tpu.vector_load %arg8[%get3A_1703, %get3A_1704] {strides = array<i32>} : memref<32x200xi32, #tpu.memory_space<vmem>>, vector<16xi32>,
      %gather3A_1706 = tpu.vector_load_idx %arg6[%get3A_1705] : memref<100000xf32, #tpu.memory_space<vmem>>[vector<16xi32>], vector<16xf32>,
      %add3A_1707 = arith.addf %add3A_1702, %gather3A_1706 : vector<16xf32>
      %get3A_1708 = arith.index_cast %add3A_1652 : i32 to index
      %get3A_1709 = arith.constant 176 : index
      %get3A_1710 = tpu.vector_load %arg8[%get3A_1708, %get3A_1709] {strides = array<i32>} : memref<32x200xi32, #tpu.memory_space<vmem>>, vector<16xi32>,
      %gather3A_1711 = tpu.vector_load_idx %arg6[%get3A_1710] : memref<100000xf32, #tpu.memory_space<vmem>>[vector<16xi32>], vector<16xf32>,
      %add3A_1712 = arith.addf %add3A_1707, %gather3A_1711 : vector<16xf32>
      %get3A_1713 = arith.index_cast %add3A_1652 : i32 to index
      %get3A_1714 = arith.constant 184 : index
      %get3A_1715 = tpu.vector_load %arg8[%get3A_1713, %get3A_1714] {strides = array<i32>} : memref<32x200xi32, #tpu.memory_space<vmem>>, vector<16xi32>,
      %gather3A_1716 = tpu.vector_load_idx %arg6[%get3A_1715] : memref<100000xf32, #tpu.memory_space<vmem>>[vector<16xi32>], vector<16xf32>,
      %select_n3A_1717 = arith.select %ge3A_17, %gather3A_1716, %broadcast_in_dim3A_18 : vector<16xi1>, vector<16xf32>
      %add3A_1718 = arith.addf %add3A_1712, %select_n3A_1717 : vector<16xf32>
      %add3A_1719 = arith.constant 0 : i32
      %add3A_1720 = arith.addi %add3A_1719, %scan3A_1650 : i32
      %mul3A_1721 = arith.constant 17 : i32
      %mul3A_1722 = arith.muli %add3A_1720, %mul3A_1721 : i32
      %swap3A_1723 = arith.index_cast %mul3A_1722 : i32 to index
      %swap3A_1724 = tpu.vector_load %arg9[%swap3A_1723] {strides = array<i32>} : memref<543xf32, #tpu.memory_space<vmem>>, vector<16xf32>,
      tpu.vector_store %arg9[%swap3A_1723], %add3A_1718 {strides = array<i32>} : memref<543xf32, #tpu.memory_space<vmem>>, vector<16xf32>,
      %add3A_1725 = arith.constant 16 : i32
      %add3A_1726 = arith.addi %add3A_1725, %scan3A_1650 : i32
      %get3A_1727 = arith.index_cast %add3A_1726 : i32 to index
      %get3A_1728 = arith.constant 0 : index
      %get3A_1729 = tpu.vector_load %arg8[%get3A_1727, %get3A_1728] {strides = array<i32>} : memref<32x200xi32, #tpu.memory_space<vmem>>, vector<16xi32>,
      %gather3A_1730 = tpu.vector_load_idx %arg6[%get3A_1729] : memref<100000xf32, #tpu.memory_space<vmem>>[vector<16xi32>], vector<16xf32>,
      %add3A_1731 = arith.addf %broadcast_in_dim3A_18, %gather3A_1730 : vector<16xf32>
      %get3A_1732 = arith.index_cast %add3A_1726 : i32 to index
      %get3A_1733 = arith.constant 16 : index
      %get3A_1734 = tpu.vector_load %arg8[%get3A_1732, %get3A_1733] {strides = array<i32>} : memref<32x200xi32, #tpu.memory_space<vmem>>, vector<16xi32>,
      %gather3A_1735 = tpu.vector_load_idx %arg6[%get3A_1734] : memref<100000xf32, #tpu.memory_space<vmem>>[vector<16xi32>], vector<16xf32>,
      %add3A_1736 = arith.addf %add3A_1731, %gather3A_1735 : vector<16xf32>
      %get3A_1737 = arith.index_cast %add3A_1726 : i32 to index
      %get3A_1738 = arith.constant 32 : index
      %get3A_1739 = tpu.vector_load %arg8[%get3A_1737, %get3A_1738] {strides = array<i32>} : memref<32x200xi32, #tpu.memory_space<vmem>>, vector<16xi32>,
      %gather3A_1740 = tpu.vector_load_idx %arg6[%get3A_1739] : memref<100000xf32, #tpu.memory_space<vmem>>[vector<16xi32>], vector<16xf32>,
      %add3A_1741 = arith.addf %add3A_1736, %gather3A_1740 : vector<16xf32>
      %get3A_1742 = arith.index_cast %add3A_1726 : i32 to index
      %get3A_1743 = arith.constant 48 : index
      %get3A_1744 = tpu.vector_load %arg8[%get3A_1742, %get3A_1743] {strides = array<i32>} : memref<32x200xi32, #tpu.memory_space<vmem>>, vector<16xi32>,
      %gather3A_1745 = tpu.vector_load_idx %arg6[%get3A_1744] : memref<100000xf32, #tpu.memory_space<vmem>>[vector<16xi32>], vector<16xf32>,
      %add3A_1746 = arith.addf %add3A_1741, %gather3A_1745 : vector<16xf32>
      %get3A_1747 = arith.index_cast %add3A_1726 : i32 to index
      %get3A_1748 = arith.constant 64 : index
      %get3A_1749 = tpu.vector_load %arg8[%get3A_1747, %get3A_1748] {strides = array<i32>} : memref<32x200xi32, #tpu.memory_space<vmem>>, vector<16xi32>,
      %gather3A_1750 = tpu.vector_load_idx %arg6[%get3A_1749] : memref<100000xf32, #tpu.memory_space<vmem>>[vector<16xi32>], vector<16xf32>,
      %add3A_1751 = arith.addf %add3A_1746, %gather3A_1750 : vector<16xf32>
      %get3A_1752 = arith.index_cast %add3A_1726 : i32 to index
      %get3A_1753 = arith.constant 80 : index
      %get3A_1754 = tpu.vector_load %arg8[%get3A_1752, %get3A_1753] {strides = array<i32>} : memref<32x200xi32, #tpu.memory_space<vmem>>, vector<16xi32>,
      %gather3A_1755 = tpu.vector_load_idx %arg6[%get3A_1754] : memref<100000xf32, #tpu.memory_space<vmem>>[vector<16xi32>], vector<16xf32>,
      %add3A_1756 = arith.addf %add3A_1751, %gather3A_1755 : vector<16xf32>
      %get3A_1757 = arith.index_cast %add3A_1726 : i32 to index
      %get3A_1758 = arith.constant 96 : index
      %get3A_1759 = tpu.vector_load %arg8[%get3A_1757, %get3A_1758] {strides = array<i32>} : memref<32x200xi32, #tpu.memory_space<vmem>>, vector<16xi32>,
      %gather3A_1760 = tpu.vector_load_idx %arg6[%get3A_1759] : memref<100000xf32, #tpu.memory_space<vmem>>[vector<16xi32>], vector<16xf32>,
      %add3A_1761 = arith.addf %add3A_1756, %gather3A_1760 : vector<16xf32>
      %get3A_1762 = arith.index_cast %add3A_1726 : i32 to index
      %get3A_1763 = arith.constant 112 : index
      %get3A_1764 = tpu.vector_load %arg8[%get3A_1762, %get3A_1763] {strides = array<i32>} : memref<32x200xi32, #tpu.memory_space<vmem>>, vector<16xi32>,
      %gather3A_1765 = tpu.vector_load_idx %arg6[%get3A_1764] : memref<100000xf32, #tpu.memory_space<vmem>>[vector<16xi32>], vector<16xf32>,
      %add3A_1766 = arith.addf %add3A_1761, %gather3A_1765 : vector<16xf32>
      %get3A_1767 = arith.index_cast %add3A_1726 : i32 to index
      %get3A_1768 = arith.constant 128 : index
      %get3A_1769 = tpu.vector_load %arg8[%get3A_1767, %get3A_1768] {strides = array<i32>} : memref<32x200xi32, #tpu.memory_space<vmem>>, vector<16xi32>,
      %gather3A_1770 = tpu.vector_load_idx %arg6[%get3A_1769] : memref<100000xf32, #tpu.memory_space<vmem>>[vector<16xi32>], vector<16xf32>,
      %add3A_1771 = arith.addf %add3A_1766, %gather3A_1770 : vector<16xf32>
      %get3A_1772 = arith.index_cast %add3A_1726 : i32 to index
      %get3A_1773 = arith.constant 144 : index
      %get3A_1774 = tpu.vector_load %arg8[%get3A_1772, %get3A_1773] {strides = array<i32>} : memref<32x200xi32, #tpu.memory_space<vmem>>, vector<16xi32>,
      %gather3A_1775 = tpu.vector_load_idx %arg6[%get3A_1774] : memref<100000xf32, #tpu.memory_space<vmem>>[vector<16xi32>], vector<16xf32>,
      %add3A_1776 = arith.addf %add3A_1771, %gather3A_1775 : vector<16xf32>
      %get3A_1777 = arith.index_cast %add3A_1726 : i32 to index
      %get3A_1778 = arith.constant 160 : index
      %get3A_1779 = tpu.vector_load %arg8[%get3A_1777, %get3A_1778] {strides = array<i32>} : memref<32x200xi32, #tpu.memory_space<vmem>>, vector<16xi32>,
      %gather3A_1780 = tpu.vector_load_idx %arg6[%get3A_1779] : memref<100000xf32, #tpu.memory_space<vmem>>[vector<16xi32>], vector<16xf32>,
      %add3A_1781 = arith.addf %add3A_1776, %gather3A_1780 : vector<16xf32>
      %get3A_1782 = arith.index_cast %add3A_1726 : i32 to index
      %get3A_1783 = arith.constant 176 : index
      %get3A_1784 = tpu.vector_load %arg8[%get3A_1782, %get3A_1783] {strides = array<i32>} : memref<32x200xi32, #tpu.memory_space<vmem>>, vector<16xi32>,
      %gather3A_1785 = tpu.vector_load_idx %arg6[%get3A_1784] : memref<100000xf32, #tpu.memory_space<vmem>>[vector<16xi32>], vector<16xf32>,
      %add3A_1786 = arith.addf %add3A_1781, %gather3A_1785 : vector<16xf32>
      %get3A_1787 = arith.index_cast %add3A_1726 : i32 to index
      %get3A_1788 = arith.constant 184 : index
      %get3A_1789 = tpu.vector_load %arg8[%get3A_1787, %get3A_1788] {strides = array<i32>} : memref<32x200xi32, #tpu.memory_space<vmem>>, vector<16xi32>,
      %gather3A_1790 = tpu.vector_load_idx %arg6[%get3A_1789] : memref<100000xf32, #tpu.memory_space<vmem>>[vector<16xi32>], vector<16xf32>,
      %select_n3A_1791 = arith.select %ge3A_17, %gather3A_1790, %broadcast_in_dim3A_18 : vector<16xi1>, vector<16xf32>
      %add3A_1792 = arith.addf %add3A_1786, %select_n3A_1791 : vector<16xf32>
      %add3A_1793 = arith.constant 16 : i32
      %add3A_1794 = arith.addi %add3A_1793, %scan3A_1650 : i32
      %mul3A_1795 = arith.constant 17 : i32
      %mul3A_1796 = arith.muli %add3A_1794, %mul3A_1795 : i32
      %swap3A_1797 = arith.index_cast %mul3A_1796 : i32 to index
      %swap3A_1798 = tpu.vector_load %arg9[%swap3A_1797] {strides = array<i32>} : memref<543xf32, #tpu.memory_space<vmem>>, vector<16xf32>,
      tpu.vector_store %arg9[%swap3A_1797], %add3A_1792 {strides = array<i32>} : memref<543xf32, #tpu.memory_space<vmem>>, vector<16xf32>,
    }
    %scan3A_1142 = arith.constant 16 : i32
    %add3A_1143 = arith.constant 0 : i32
    %add3A_1144 = vector.broadcast %add3A_1143 : i32 to vector<16xi32>
    %add3A_1145 = arith.addi %iota3A, %add3A_1144 : vector<16xi32>
    %mul3A_1146 = arith.constant 17 : i32
    %mul3A_1147 = vector.broadcast %mul3A_1146 : i32 to vector<16xi32>
    %mul3A_1148 = arith.muli %add3A_1145, %mul3A_1147 : vector<16xi32>
    %add3A_1149 = arith.constant 0 : i32
    %add3A_1150 = vector.broadcast %add3A_1149 : i32 to vector<16xi32>
    %add3A_1151 = arith.addi %mul3A_1148, %add3A_1150 : vector<16xi32>
    %gather3A_1152 = tpu.vector_load_idx %arg9[%add3A_1151] : memref<543xf32, #tpu.memory_space<vmem>>[vector<16xi32>], vector<16xf32>,
    %add3A_1153 = arith.addf %broadcast_in_dim3A_18, %gather3A_1152 : vector<16xf32>
    %add3A_1154 = arith.constant 0 : i32
    %add3A_1155 = vector.broadcast %add3A_1154 : i32 to vector<16xi32>
    %add3A_1156 = arith.addi %iota3A, %add3A_1155 : vector<16xi32>
    %mul3A_1157 = arith.constant 17 : i32
    %mul3A_1158 = vector.broadcast %mul3A_1157 : i32 to vector<16xi32>
    %mul3A_1159 = arith.muli %add3A_1156, %mul3A_1158 : vector<16xi32>
    %add3A_1160 = arith.constant 1 : i32
    %add3A_1161 = vector.broadcast %add3A_1160 : i32 to vector<16xi32>
    %add3A_1162 = arith.addi %mul3A_1159, %add3A_1161 : vector<16xi32>
    %gather3A_1163 = tpu.vector_load_idx %arg9[%add3A_1162] : memref<543xf32, #tpu.memory_space<vmem>>[vector<16xi32>], vector<16xf32>,
    %add3A_1164 = arith.addf %add3A_1153, %gather3A_1163 : vector<16xf32>
    %add3A_1165 = arith.constant 0 : i32
    %add3A_1166 = vector.broadcast %add3A_1165 : i32 to vector<16xi32>
    %add3A_1167 = arith.addi %iota3A, %add3A_1166 : vector<16xi32>
    %mul3A_1168 = arith.constant 17 : i32
    %mul3A_1169 = vector.broadcast %mul3A_1168 : i32 to vector<16xi32>
    %mul3A_1170 = arith.muli %add3A_1167, %mul3A_1169 : vector<16xi32>
    %add3A_1171 = arith.constant 2 : i32
    %add3A_1172 = vector.broadcast %add3A_1171 : i32 to vector<16xi32>
    %add3A_1173 = arith.addi %mul3A_1170, %add3A_1172 : vector<16xi32>
    %gather3A_1174 = tpu.vector_load_idx %arg9[%add3A_1173] : memref<543xf32, #tpu.memory_space<vmem>>[vector<16xi32>], vector<16xf32>,
    %add3A_1175 = arith.addf %add3A_1164, %gather3A_1174 : vector<16xf32>
    %add3A_1176 = arith.constant 0 : i32
    %add3A_1177 = vector.broadcast %add3A_1176 : i32 to vector<16xi32>
    %add3A_1178 = arith.addi %iota3A, %add3A_1177 : vector<16xi32>
    %mul3A_1179 = arith.constant 17 : i32
    %mul3A_1180 = vector.broadcast %mul3A_1179 : i32 to vector<16xi32>
    %mul3A_1181 = arith.muli %add3A_1178, %mul3A_1180 : vector<16xi32>
    %add3A_1182 = arith.constant 3 : i32
    %add3A_1183 = vector.broadcast %add3A_1182 : i32 to vector<16xi32>
    %add3A_1184 = arith.addi %mul3A_1181, %add3A_1183 : vector<16xi32>
    %gather3A_1185 = tpu.vector_load_idx %arg9[%add3A_1184] : memref<543xf32, #tpu.memory_space<vmem>>[vector<16xi32>], vector<16xf32>,
    %add3A_1186 = arith.addf %add3A_1175, %gather3A_1185 : vector<16xf32>
    %add3A_1187 = arith.constant 0 : i32
    %add3A_1188 = vector.broadcast %add3A_1187 : i32 to vector<16xi32>
    %add3A_1189 = arith.addi %iota3A, %add3A_1188 : vector<16xi32>
    %mul3A_1190 = arith.constant 17 : i32
    %mul3A_1191 = vector.broadcast %mul3A_1190 : i32 to vector<16xi32>
    %mul3A_1192 = arith.muli %add3A_1189, %mul3A_1191 : vector<16xi32>
    %add3A_1193 = arith.constant 4 : i32
    %add3A_1194 = vector.broadcast %add3A_1193 : i32 to vector<16xi32>
    %add3A_1195 = arith.addi %mul3A_1192, %add3A_1194 : vector<16xi32>
    %gather3A_1196 = tpu.vector_load_idx %arg9[%add3A_1195] : memref<543xf32, #tpu.memory_space<vmem>>[vector<16xi32>], vector<16xf32>,
    %add3A_1197 = arith.addf %add3A_1186, %gather3A_1196 : vector<16xf32>
    %add3A_1198 = arith.constant 0 : i32
    %add3A_1199 = vector.broadcast %add3A_1198 : i32 to vector<16xi32>
    %add3A_1200 = arith.addi %iota3A, %add3A_1199 : vector<16xi32>
    %mul3A_1201 = arith.constant 17 : i32
    %mul3A_1202 = vector.broadcast %mul3A_1201 : i32 to vector<16xi32>
    %mul3A_1203 = arith.muli %add3A_1200, %mul3A_1202 : vector<16xi32>
    %add3A_1204 = arith.constant 5 : i32
    %add3A_1205 = vector.broadcast %add3A_1204 : i32 to vector<16xi32>
    %add3A_1206 = arith.addi %mul3A_1203, %add3A_1205 : vector<16xi32>
    %gather3A_1207 = tpu.vector_load_idx %arg9[%add3A_1206] : memref<543xf32, #tpu.memory_space<vmem>>[vector<16xi32>], vector<16xf32>,
    %add3A_1208 = arith.addf %add3A_1197, %gather3A_1207 : vector<16xf32>
    %add3A_1209 = arith.constant 0 : i32
    %add3A_1210 = vector.broadcast %add3A_1209 : i32 to vector<16xi32>
    %add3A_1211 = arith.addi %iota3A, %add3A_1210 : vector<16xi32>
    %mul3A_1212 = arith.constant 17 : i32
    %mul3A_1213 = vector.broadcast %mul3A_1212 : i32 to vector<16xi32>
    %mul3A_1214 = arith.muli %add3A_1211, %mul3A_1213 : vector<16xi32>
    %add3A_1215 = arith.constant 6 : i32
    %add3A_1216 = vector.broadcast %add3A_1215 : i32 to vector<16xi32>
    %add3A_1217 = arith.addi %mul3A_1214, %add3A_1216 : vector<16xi32>
    %gather3A_1218 = tpu.vector_load_idx %arg9[%add3A_1217] : memref<543xf32, #tpu.memory_space<vmem>>[vector<16xi32>], vector<16xf32>,
    %add3A_1219 = arith.addf %add3A_1208, %gather3A_1218 : vector<16xf32>
    %add3A_1220 = arith.constant 0 : i32
    %add3A_1221 = vector.broadcast %add3A_1220 : i32 to vector<16xi32>
    %add3A_1222 = arith.addi %iota3A, %add3A_1221 : vector<16xi32>
    %mul3A_1223 = arith.constant 17 : i32
    %mul3A_1224 = vector.broadcast %mul3A_1223 : i32 to vector<16xi32>
    %mul3A_1225 = arith.muli %add3A_1222, %mul3A_1224 : vector<16xi32>
    %add3A_1226 = arith.constant 7 : i32
    %add3A_1227 = vector.broadcast %add3A_1226 : i32 to vector<16xi32>
    %add3A_1228 = arith.addi %mul3A_1225, %add3A_1227 : vector<16xi32>
    %gather3A_1229 = tpu.vector_load_idx %arg9[%add3A_1228] : memref<543xf32, #tpu.memory_space<vmem>>[vector<16xi32>], vector<16xf32>,
    %add3A_1230 = arith.addf %add3A_1219, %gather3A_1229 : vector<16xf32>
    %add3A_1231 = arith.constant 0 : i32
    %add3A_1232 = vector.broadcast %add3A_1231 : i32 to vector<16xi32>
    %add3A_1233 = arith.addi %iota3A, %add3A_1232 : vector<16xi32>
    %mul3A_1234 = arith.constant 17 : i32
    %mul3A_1235 = vector.broadcast %mul3A_1234 : i32 to vector<16xi32>
    %mul3A_1236 = arith.muli %add3A_1233, %mul3A_1235 : vector<16xi32>
    %add3A_1237 = arith.constant 8 : i32
    %add3A_1238 = vector.broadcast %add3A_1237 : i32 to vector<16xi32>
    %add3A_1239 = arith.addi %mul3A_1236, %add3A_1238 : vector<16xi32>
    %gather3A_1240 = tpu.vector_load_idx %arg9[%add3A_1239] : memref<543xf32, #tpu.memory_space<vmem>>[vector<16xi32>], vector<16xf32>,
    %add3A_1241 = arith.addf %add3A_1230, %gather3A_1240 : vector<16xf32>
    %add3A_1242 = arith.constant 0 : i32
    %add3A_1243 = vector.broadcast %add3A_1242 : i32 to vector<16xi32>
    %add3A_1244 = arith.addi %iota3A, %add3A_1243 : vector<16xi32>
    %mul3A_1245 = arith.constant 17 : i32
    %mul3A_1246 = vector.broadcast %mul3A_1245 : i32 to vector<16xi32>
    %mul3A_1247 = arith.muli %add3A_1244, %mul3A_1246 : vector<16xi32>
    %add3A_1248 = arith.constant 9 : i32
    %add3A_1249 = vector.broadcast %add3A_1248 : i32 to vector<16xi32>
    %add3A_1250 = arith.addi %mul3A_1247, %add3A_1249 : vector<16xi32>
    %gather3A_1251 = tpu.vector_load_idx %arg9[%add3A_1250] : memref<543xf32, #tpu.memory_space<vmem>>[vector<16xi32>], vector<16xf32>,
    %add3A_1252 = arith.addf %add3A_1241, %gather3A_1251 : vector<16xf32>
    %add3A_1253 = arith.constant 0 : i32
    %add3A_1254 = vector.broadcast %add3A_1253 : i32 to vector<16xi32>
    %add3A_1255 = arith.addi %iota3A, %add3A_1254 : vector<16xi32>
    %mul3A_1256 = arith.constant 17 : i32
    %mul3A_1257 = vector.broadcast %mul3A_1256 : i32 to vector<16xi32>
    %mul3A_1258 = arith.muli %add3A_1255, %mul3A_1257 : vector<16xi32>
    %add3A_1259 = arith.constant 10 : i32
    %add3A_1260 = vector.broadcast %add3A_1259 : i32 to vector<16xi32>
    %add3A_1261 = arith.addi %mul3A_1258, %add3A_1260 : vector<16xi32>
    %gather3A_1262 = tpu.vector_load_idx %arg9[%add3A_1261] : memref<543xf32, #tpu.memory_space<vmem>>[vector<16xi32>], vector<16xf32>,
    %add3A_1263 = arith.addf %add3A_1252, %gather3A_1262 : vector<16xf32>
    %add3A_1264 = arith.constant 0 : i32
    %add3A_1265 = vector.broadcast %add3A_1264 : i32 to vector<16xi32>
    %add3A_1266 = arith.addi %iota3A, %add3A_1265 : vector<16xi32>
    %mul3A_1267 = arith.constant 17 : i32
    %mul3A_1268 = vector.broadcast %mul3A_1267 : i32 to vector<16xi32>
    %mul3A_1269 = arith.muli %add3A_1266, %mul3A_1268 : vector<16xi32>
    %add3A_1270 = arith.constant 11 : i32
    %add3A_1271 = vector.broadcast %add3A_1270 : i32 to vector<16xi32>
    %add3A_1272 = arith.addi %mul3A_1269, %add3A_1271 : vector<16xi32>
    %gather3A_1273 = tpu.vector_load_idx %arg9[%add3A_1272] : memref<543xf32, #tpu.memory_space<vmem>>[vector<16xi32>], vector<16xf32>,
    %add3A_1274 = arith.addf %add3A_1263, %gather3A_1273 : vector<16xf32>
    %add3A_1275 = arith.constant 0 : i32
    %add3A_1276 = vector.broadcast %add3A_1275 : i32 to vector<16xi32>
    %add3A_1277 = arith.addi %iota3A, %add3A_1276 : vector<16xi32>
    %mul3A_1278 = arith.constant 17 : i32
    %mul3A_1279 = vector.broadcast %mul3A_1278 : i32 to vector<16xi32>
    %mul3A_1280 = arith.muli %add3A_1277, %mul3A_1279 : vector<16xi32>
    %add3A_1281 = arith.constant 12 : i32
    %add3A_1282 = vector.broadcast %add3A_1281 : i32 to vector<16xi32>
    %add3A_1283 = arith.addi %mul3A_1280, %add3A_1282 : vector<16xi32>
    %gather3A_1284 = tpu.vector_load_idx %arg9[%add3A_1283] : memref<543xf32, #tpu.memory_space<vmem>>[vector<16xi32>], vector<16xf32>,
    %add3A_1285 = arith.addf %add3A_1274, %gather3A_1284 : vector<16xf32>
    %add3A_1286 = arith.constant 0 : i32
    %add3A_1287 = vector.broadcast %add3A_1286 : i32 to vector<16xi32>
    %add3A_1288 = arith.addi %iota3A, %add3A_1287 : vector<16xi32>
    %mul3A_1289 = arith.constant 17 : i32
    %mul3A_1290 = vector.broadcast %mul3A_1289 : i32 to vector<16xi32>
    %mul3A_1291 = arith.muli %add3A_1288, %mul3A_1290 : vector<16xi32>
    %add3A_1292 = arith.constant 13 : i32
    %add3A_1293 = vector.broadcast %add3A_1292 : i32 to vector<16xi32>
    %add3A_1294 = arith.addi %mul3A_1291, %add3A_1293 : vector<16xi32>
    %gather3A_1295 = tpu.vector_load_idx %arg9[%add3A_1294] : memref<543xf32, #tpu.memory_space<vmem>>[vector<16xi32>], vector<16xf32>,
    %add3A_1296 = arith.addf %add3A_1285, %gather3A_1295 : vector<16xf32>
    %add3A_1297 = arith.constant 0 : i32
    %add3A_1298 = vector.broadcast %add3A_1297 : i32 to vector<16xi32>
    %add3A_1299 = arith.addi %iota3A, %add3A_1298 : vector<16xi32>
    %mul3A_1300 = arith.constant 17 : i32
    %mul3A_1301 = vector.broadcast %mul3A_1300 : i32 to vector<16xi32>
    %mul3A_1302 = arith.muli %add3A_1299, %mul3A_1301 : vector<16xi32>
    %add3A_1303 = arith.constant 14 : i32
    %add3A_1304 = vector.broadcast %add3A_1303 : i32 to vector<16xi32>
    %add3A_1305 = arith.addi %mul3A_1302, %add3A_1304 : vector<16xi32>
    %gather3A_1306 = tpu.vector_load_idx %arg9[%add3A_1305] : memref<543xf32, #tpu.memory_space<vmem>>[vector<16xi32>], vector<16xf32>,
    %add3A_1307 = arith.addf %add3A_1296, %gather3A_1306 : vector<16xf32>
    %add3A_1308 = arith.constant 0 : i32
    %add3A_1309 = vector.broadcast %add3A_1308 : i32 to vector<16xi32>
    %add3A_1310 = arith.addi %iota3A, %add3A_1309 : vector<16xi32>
    %mul3A_1311 = arith.constant 17 : i32
    %mul3A_1312 = vector.broadcast %mul3A_1311 : i32 to vector<16xi32>
    %mul3A_1313 = arith.muli %add3A_1310, %mul3A_1312 : vector<16xi32>
    %add3A_1314 = arith.constant 15 : i32
    %add3A_1315 = vector.broadcast %add3A_1314 : i32 to vector<16xi32>
    %add3A_1316 = arith.addi %mul3A_1313, %add3A_1315 : vector<16xi32>
    %gather3A_1317 = tpu.vector_load_idx %arg9[%add3A_1316] : memref<543xf32, #tpu.memory_space<vmem>>[vector<16xi32>], vector<16xf32>,
    %add3A_1318 = arith.addf %add3A_1307, %gather3A_1317 : vector<16xf32>
    %swap3A_1319 = arith.constant 96 : index
    %swap3A_1320 = tpu.vector_load %arg10[%swap3A_1319] {strides = array<i32>} : memref<128xf32, #tpu.memory_space<vmem>>, vector<16xf32>,
    tpu.vector_store %arg10[%swap3A_1319], %add3A_1318 {strides = array<i32>} : memref<128xf32, #tpu.memory_space<vmem>>, vector<16xf32>,
    %add3A_1321 = arith.constant 16 : i32
    %add3A_1322 = vector.broadcast %add3A_1321 : i32 to vector<16xi32>
    %add3A_1323 = arith.addi %iota3A, %add3A_1322 : vector<16xi32>
    %mul3A_1324 = arith.constant 17 : i32
    %mul3A_1325 = vector.broadcast %mul3A_1324 : i32 to vector<16xi32>
    %mul3A_1326 = arith.muli %add3A_1323, %mul3A_1325 : vector<16xi32>
    %add3A_1327 = arith.constant 0 : i32
    %add3A_1328 = vector.broadcast %add3A_1327 : i32 to vector<16xi32>
    %add3A_1329 = arith.addi %mul3A_1326, %add3A_1328 : vector<16xi32>
    %gather3A_1330 = tpu.vector_load_idx %arg9[%add3A_1329] : memref<543xf32, #tpu.memory_space<vmem>>[vector<16xi32>], vector<16xf32>,
    %add3A_1331 = arith.addf %broadcast_in_dim3A_18, %gather3A_1330 : vector<16xf32>
    %add3A_1332 = arith.constant 16 : i32
    %add3A_1333 = vector.broadcast %add3A_1332 : i32 to vector<16xi32>
    %add3A_1334 = arith.addi %iota3A, %add3A_1333 : vector<16xi32>
    %mul3A_1335 = arith.constant 17 : i32
    %mul3A_1336 = vector.broadcast %mul3A_1335 : i32 to vector<16xi32>
    %mul3A_1337 = arith.muli %add3A_1334, %mul3A_1336 : vector<16xi32>
    %add3A_1338 = arith.constant 1 : i32
    %add3A_1339 = vector.broadcast %add3A_1338 : i32 to vector<16xi32>
    %add3A_1340 = arith.addi %mul3A_1337, %add3A_1339 : vector<16xi32>
    %gather3A_1341 = tpu.vector_load_idx %arg9[%add3A_1340] : memref<543xf32, #tpu.memory_space<vmem>>[vector<16xi32>], vector<16xf32>,
    %add3A_1342 = arith.addf %add3A_1331, %gather3A_1341 : vector<16xf32>
    %add3A_1343 = arith.constant 16 : i32
    %add3A_1344 = vector.broadcast %add3A_1343 : i32 to vector<16xi32>
    %add3A_1345 = arith.addi %iota3A, %add3A_1344 : vector<16xi32>
    %mul3A_1346 = arith.constant 17 : i32
    %mul3A_1347 = vector.broadcast %mul3A_1346 : i32 to vector<16xi32>
    %mul3A_1348 = arith.muli %add3A_1345, %mul3A_1347 : vector<16xi32>
    %add3A_1349 = arith.constant 2 : i32
    %add3A_1350 = vector.broadcast %add3A_1349 : i32 to vector<16xi32>
    %add3A_1351 = arith.addi %mul3A_1348, %add3A_1350 : vector<16xi32>
    %gather3A_1352 = tpu.vector_load_idx %arg9[%add3A_1351] : memref<543xf32, #tpu.memory_space<vmem>>[vector<16xi32>], vector<16xf32>,
    %add3A_1353 = arith.addf %add3A_1342, %gather3A_1352 : vector<16xf32>
    %add3A_1354 = arith.constant 16 : i32
    %add3A_1355 = vector.broadcast %add3A_1354 : i32 to vector<16xi32>
    %add3A_1356 = arith.addi %iota3A, %add3A_1355 : vector<16xi32>
    %mul3A_1357 = arith.constant 17 : i32
    %mul3A_1358 = vector.broadcast %mul3A_1357 : i32 to vector<16xi32>
    %mul3A_1359 = arith.muli %add3A_1356, %mul3A_1358 : vector<16xi32>
    %add3A_1360 = arith.constant 3 : i32
    %add3A_1361 = vector.broadcast %add3A_1360 : i32 to vector<16xi32>
    %add3A_1362 = arith.addi %mul3A_1359, %add3A_1361 : vector<16xi32>
    %gather3A_1363 = tpu.vector_load_idx %arg9[%add3A_1362] : memref<543xf32, #tpu.memory_space<vmem>>[vector<16xi32>], vector<16xf32>,
    %add3A_1364 = arith.addf %add3A_1353, %gather3A_1363 : vector<16xf32>
    %add3A_1365 = arith.constant 16 : i32
    %add3A_1366 = vector.broadcast %add3A_1365 : i32 to vector<16xi32>
    %add3A_1367 = arith.addi %iota3A, %add3A_1366 : vector<16xi32>
    %mul3A_1368 = arith.constant 17 : i32
    %mul3A_1369 = vector.broadcast %mul3A_1368 : i32 to vector<16xi32>
    %mul3A_1370 = arith.muli %add3A_1367, %mul3A_1369 : vector<16xi32>
    %add3A_1371 = arith.constant 4 : i32
    %add3A_1372 = vector.broadcast %add3A_1371 : i32 to vector<16xi32>
    %add3A_1373 = arith.addi %mul3A_1370, %add3A_1372 : vector<16xi32>
    %gather3A_1374 = tpu.vector_load_idx %arg9[%add3A_1373] : memref<543xf32, #tpu.memory_space<vmem>>[vector<16xi32>], vector<16xf32>,
    %add3A_1375 = arith.addf %add3A_1364, %gather3A_1374 : vector<16xf32>
    %add3A_1376 = arith.constant 16 : i32
    %add3A_1377 = vector.broadcast %add3A_1376 : i32 to vector<16xi32>
    %add3A_1378 = arith.addi %iota3A, %add3A_1377 : vector<16xi32>
    %mul3A_1379 = arith.constant 17 : i32
    %mul3A_1380 = vector.broadcast %mul3A_1379 : i32 to vector<16xi32>
    %mul3A_1381 = arith.muli %add3A_1378, %mul3A_1380 : vector<16xi32>
    %add3A_1382 = arith.constant 5 : i32
    %add3A_1383 = vector.broadcast %add3A_1382 : i32 to vector<16xi32>
    %add3A_1384 = arith.addi %mul3A_1381, %add3A_1383 : vector<16xi32>
    %gather3A_1385 = tpu.vector_load_idx %arg9[%add3A_1384] : memref<543xf32, #tpu.memory_space<vmem>>[vector<16xi32>], vector<16xf32>,
    %add3A_1386 = arith.addf %add3A_1375, %gather3A_1385 : vector<16xf32>
    %add3A_1387 = arith.constant 16 : i32
    %add3A_1388 = vector.broadcast %add3A_1387 : i32 to vector<16xi32>
    %add3A_1389 = arith.addi %iota3A, %add3A_1388 : vector<16xi32>
    %mul3A_1390 = arith.constant 17 : i32
    %mul3A_1391 = vector.broadcast %mul3A_1390 : i32 to vector<16xi32>
    %mul3A_1392 = arith.muli %add3A_1389, %mul3A_1391 : vector<16xi32>
    %add3A_1393 = arith.constant 6 : i32
    %add3A_1394 = vector.broadcast %add3A_1393 : i32 to vector<16xi32>
    %add3A_1395 = arith.addi %mul3A_1392, %add3A_1394 : vector<16xi32>
    %gather3A_1396 = tpu.vector_load_idx %arg9[%add3A_1395] : memref<543xf32, #tpu.memory_space<vmem>>[vector<16xi32>], vector<16xf32>,
    %add3A_1397 = arith.addf %add3A_1386, %gather3A_1396 : vector<16xf32>
    %add3A_1398 = arith.constant 16 : i32
    %add3A_1399 = vector.broadcast %add3A_1398 : i32 to vector<16xi32>
    %add3A_1400 = arith.addi %iota3A, %add3A_1399 : vector<16xi32>
    %mul3A_1401 = arith.constant 17 : i32
    %mul3A_1402 = vector.broadcast %mul3A_1401 : i32 to vector<16xi32>
    %mul3A_1403 = arith.muli %add3A_1400, %mul3A_1402 : vector<16xi32>
    %add3A_1404 = arith.constant 7 : i32
    %add3A_1405 = vector.broadcast %add3A_1404 : i32 to vector<16xi32>
    %add3A_1406 = arith.addi %mul3A_1403, %add3A_1405 : vector<16xi32>
    %gather3A_1407 = tpu.vector_load_idx %arg9[%add3A_1406] : memref<543xf32, #tpu.memory_space<vmem>>[vector<16xi32>], vector<16xf32>,
    %add3A_1408 = arith.addf %add3A_1397, %gather3A_1407 : vector<16xf32>
    %add3A_1409 = arith.constant 16 : i32
    %add3A_1410 = vector.broadcast %add3A_1409 : i32 to vector<16xi32>
    %add3A_1411 = arith.addi %iota3A, %add3A_1410 : vector<16xi32>
    %mul3A_1412 = arith.constant 17 : i32
    %mul3A_1413 = vector.broadcast %mul3A_1412 : i32 to vector<16xi32>
    %mul3A_1414 = arith.muli %add3A_1411, %mul3A_1413 : vector<16xi32>
    %add3A_1415 = arith.constant 8 : i32
    %add3A_1416 = vector.broadcast %add3A_1415 : i32 to vector<16xi32>
    %add3A_1417 = arith.addi %mul3A_1414, %add3A_1416 : vector<16xi32>
    %gather3A_1418 = tpu.vector_load_idx %arg9[%add3A_1417] : memref<543xf32, #tpu.memory_space<vmem>>[vector<16xi32>], vector<16xf32>,
    %add3A_1419 = arith.addf %add3A_1408, %gather3A_1418 : vector<16xf32>
    %add3A_1420 = arith.constant 16 : i32
    %add3A_1421 = vector.broadcast %add3A_1420 : i32 to vector<16xi32>
    %add3A_1422 = arith.addi %iota3A, %add3A_1421 : vector<16xi32>
    %mul3A_1423 = arith.constant 17 : i32
    %mul3A_1424 = vector.broadcast %mul3A_1423 : i32 to vector<16xi32>
    %mul3A_1425 = arith.muli %add3A_1422, %mul3A_1424 : vector<16xi32>
    %add3A_1426 = arith.constant 9 : i32
    %add3A_1427 = vector.broadcast %add3A_1426 : i32 to vector<16xi32>
    %add3A_1428 = arith.addi %mul3A_1425, %add3A_1427 : vector<16xi32>
    %gather3A_1429 = tpu.vector_load_idx %arg9[%add3A_1428] : memref<543xf32, #tpu.memory_space<vmem>>[vector<16xi32>], vector<16xf32>,
    %add3A_1430 = arith.addf %add3A_1419, %gather3A_1429 : vector<16xf32>
    %add3A_1431 = arith.constant 16 : i32
    %add3A_1432 = vector.broadcast %add3A_1431 : i32 to vector<16xi32>
    %add3A_1433 = arith.addi %iota3A, %add3A_1432 : vector<16xi32>
    %mul3A_1434 = arith.constant 17 : i32
    %mul3A_1435 = vector.broadcast %mul3A_1434 : i32 to vector<16xi32>
    %mul3A_1436 = arith.muli %add3A_1433, %mul3A_1435 : vector<16xi32>
    %add3A_1437 = arith.constant 10 : i32
    %add3A_1438 = vector.broadcast %add3A_1437 : i32 to vector<16xi32>
    %add3A_1439 = arith.addi %mul3A_1436, %add3A_1438 : vector<16xi32>
    %gather3A_1440 = tpu.vector_load_idx %arg9[%add3A_1439] : memref<543xf32, #tpu.memory_space<vmem>>[vector<16xi32>], vector<16xf32>,
    %add3A_1441 = arith.addf %add3A_1430, %gather3A_1440 : vector<16xf32>
    %add3A_1442 = arith.constant 16 : i32
    %add3A_1443 = vector.broadcast %add3A_1442 : i32 to vector<16xi32>
    %add3A_1444 = arith.addi %iota3A, %add3A_1443 : vector<16xi32>
    %mul3A_1445 = arith.constant 17 : i32
    %mul3A_1446 = vector.broadcast %mul3A_1445 : i32 to vector<16xi32>
    %mul3A_1447 = arith.muli %add3A_1444, %mul3A_1446 : vector<16xi32>
    %add3A_1448 = arith.constant 11 : i32
    %add3A_1449 = vector.broadcast %add3A_1448 : i32 to vector<16xi32>
    %add3A_1450 = arith.addi %mul3A_1447, %add3A_1449 : vector<16xi32>
    %gather3A_1451 = tpu.vector_load_idx %arg9[%add3A_1450] : memref<543xf32, #tpu.memory_space<vmem>>[vector<16xi32>], vector<16xf32>,
    %add3A_1452 = arith.addf %add3A_1441, %gather3A_1451 : vector<16xf32>
    %add3A_1453 = arith.constant 16 : i32
    %add3A_1454 = vector.broadcast %add3A_1453 : i32 to vector<16xi32>
    %add3A_1455 = arith.addi %iota3A, %add3A_1454 : vector<16xi32>
    %mul3A_1456 = arith.constant 17 : i32
    %mul3A_1457 = vector.broadcast %mul3A_1456 : i32 to vector<16xi32>
    %mul3A_1458 = arith.muli %add3A_1455, %mul3A_1457 : vector<16xi32>
    %add3A_1459 = arith.constant 12 : i32
    %add3A_1460 = vector.broadcast %add3A_1459 : i32 to vector<16xi32>
    %add3A_1461 = arith.addi %mul3A_1458, %add3A_1460 : vector<16xi32>
    %gather3A_1462 = tpu.vector_load_idx %arg9[%add3A_1461] : memref<543xf32, #tpu.memory_space<vmem>>[vector<16xi32>], vector<16xf32>,
    %add3A_1463 = arith.addf %add3A_1452, %gather3A_1462 : vector<16xf32>
    %add3A_1464 = arith.constant 16 : i32
    %add3A_1465 = vector.broadcast %add3A_1464 : i32 to vector<16xi32>
    %add3A_1466 = arith.addi %iota3A, %add3A_1465 : vector<16xi32>
    %mul3A_1467 = arith.constant 17 : i32
    %mul3A_1468 = vector.broadcast %mul3A_1467 : i32 to vector<16xi32>
    %mul3A_1469 = arith.muli %add3A_1466, %mul3A_1468 : vector<16xi32>
    %add3A_1470 = arith.constant 13 : i32
    %add3A_1471 = vector.broadcast %add3A_1470 : i32 to vector<16xi32>
    %add3A_1472 = arith.addi %mul3A_1469, %add3A_1471 : vector<16xi32>
    %gather3A_1473 = tpu.vector_load_idx %arg9[%add3A_1472] : memref<543xf32, #tpu.memory_space<vmem>>[vector<16xi32>], vector<16xf32>,
    %add3A_1474 = arith.addf %add3A_1463, %gather3A_1473 : vector<16xf32>
    %add3A_1475 = arith.constant 16 : i32
    %add3A_1476 = vector.broadcast %add3A_1475 : i32 to vector<16xi32>
    %add3A_1477 = arith.addi %iota3A, %add3A_1476 : vector<16xi32>
    %mul3A_1478 = arith.constant 17 : i32
    %mul3A_1479 = vector.broadcast %mul3A_1478 : i32 to vector<16xi32>
    %mul3A_1480 = arith.muli %add3A_1477, %mul3A_1479 : vector<16xi32>
    %add3A_1481 = arith.constant 14 : i32
    %add3A_1482 = vector.broadcast %add3A_1481 : i32 to vector<16xi32>
    %add3A_1483 = arith.addi %mul3A_1480, %add3A_1482 : vector<16xi32>
    %gather3A_1484 = tpu.vector_load_idx %arg9[%add3A_1483] : memref<543xf32, #tpu.memory_space<vmem>>[vector<16xi32>], vector<16xf32>,
    %add3A_1485 = arith.addf %add3A_1474, %gather3A_1484 : vector<16xf32>
    %add3A_1486 = arith.constant 16 : i32
    %add3A_1487 = vector.broadcast %add3A_1486 : i32 to vector<16xi32>
    %add3A_1488 = arith.addi %iota3A, %add3A_1487 : vector<16xi32>
    %mul3A_1489 = arith.constant 17 : i32
    %mul3A_1490 = vector.broadcast %mul3A_1489 : i32 to vector<16xi32>
    %mul3A_1491 = arith.muli %add3A_1488, %mul3A_1490 : vector<16xi32>
    %add3A_1492 = arith.constant 15 : i32
    %add3A_1493 = vector.broadcast %add3A_1492 : i32 to vector<16xi32>
    %add3A_1494 = arith.addi %mul3A_1491, %add3A_1493 : vector<16xi32>
    %gather3A_1495 = tpu.vector_load_idx %arg9[%add3A_1494] : memref<543xf32, #tpu.memory_space<vmem>>[vector<16xi32>], vector<16xf32>,
    %add3A_1496 = arith.addf %add3A_1485, %gather3A_1495 : vector<16xf32>
    %swap3A_1497 = arith.constant 112 : index
    %swap3A_1498 = tpu.vector_load %arg10[%swap3A_1497] {strides = array<i32>} : memref<128xf32, #tpu.memory_space<vmem>>, vector<16xf32>,
    tpu.vector_store %arg10[%swap3A_1497], %add3A_1496 {strides = array<i32>} : memref<128xf32, #tpu.memory_space<vmem>>, vector<16xf32>,
    %mul3A_1499 = arith.constant 128 : i32
    %mul3A_1500 = arith.muli %add3A, %mul3A_1499 : i32
    %multiple_of3A_1501 = tpu.assume_multiple %mul3A_1500, 8 : i32
    "tpu.region"() ({
      %run_scoped3A = tpu.sem_alloc : memref<!tpu.dma_semaphore, #tpu.memory_space<semaphore_mem>>
      %dma_start3A_1502 = tpu.memref_slice %arg4[%multiple_of3A_1501] : memref<4096xf32, #tpu.memory_space<hbm>> -> memref<128xf32, #tpu.memory_space<hbm>>
      %dma_start3A_1503 = tpu.memref_slice %arg4[%multiple_of3A_1501] : memref<4096xf32, #tpu.memory_space<hbm>> -> memref<128xf32, #tpu.memory_space<hbm>>
      tpu.enqueue_dma source(%arg10 : memref<128xf32, #tpu.memory_space<vmem>>) target(%dma_start3A_1503 : memref<128xf32, #tpu.memory_space<hbm>>) target_semaphore(%run_scoped3A : memref<!tpu.dma_semaphore, #tpu.memory_space<semaphore_mem>>)
      %dma_wait3A_1504 = tpu.memref_slice %arg4[%multiple_of3A_1501] : memref<4096xf32, #tpu.memory_space<hbm>> -> memref<128xf32, #tpu.memory_space<hbm>>
      %dma_wait3A_1505 = tpu.memref_slice %arg4[%multiple_of3A_1501] : memref<4096xf32, #tpu.memory_space<hbm>> -> memref<128xf32, #tpu.memory_space<hbm>>
      tpu.wait_dma2 semaphore(%run_scoped3A : memref<!tpu.dma_semaphore, #tpu.memory_space<semaphore_mem>>) src(%arg10 : memref<128xf32, #tpu.memory_space<vmem>>) dst(%dma_wait3A_1505 : memref<128xf32, #tpu.memory_space<hbm>>)
      tpu.yield
    }) : () -> ()
    return
  }
}

</mosaic_0001>

<sc_bundles>
// kernel: kernel.3.cloned.1.call-start
scs
__scs_entry_jumppad:
0x0: {  	(pc) =	sbr.rel $0x88, $3  }
0x1: {  	(tag) =	ssettag $0x0;
	lr =	simm.s32 $0x1  }
0x2: {  	[smem:$0x3F9F] =	sst lr;
	_ =	strace $0xD0000000  }
0x3: {  	_ = 	snop  }
0x4: {  	_ = 	snop  }
0x5: {  	_ = 	snop  }
0x6: {  	_ = 	snop  }
0x7: {  	_ = 	snop  }
__scs_overlays_trampoline_lowered:
0x8: {  	[smem:$0x3FAE] =	sst s0  }
0x9: {  	[smem:$0x3FAF] =	sst s1  }
0xa: {  	[smem:$0x3FB0] =	sst s2  }
0xb: {  	[smem:$0x3FB1] =	sst s3  }
0xc: {  	[smem:$0x3FB2] =	sst s4  }
0xd: {  	[smem:$0x3FB3] =	sst s5  }
0xe: {  	[smem:$0x3FB4] =	sst s6  }
0xf: {  	[smem:$0x3FB5] =	sst s7  }
0x10: {  	[smem:$0x3FB6] =	sst s8  }
0x11: {  	[smem:$0x3FB7] =	sst s9;
	s0 =	simm.s32 @!p0 $0x0  }
0x12: {  	s1 =	sld [smem:$0x3F9D];
	s0 =	simm.s32 @p0 $0x1  }
0x13: {  	[smem:$0x3FB8] =	sst s0;
	s0 =	simm.s32 @!p1 $0x0  }
0x14: {  	s2 =	sld [smem:$0x3F9C];
	s0 =	simm.s32 @p1 $0x1  }
0x15: {  	[smem:$0x3FB9] =	sst s0;
	s0 =	simm.s32 @!p2 $0x0  }
0x16: {  	s3 =	sld [smem:$0x3FDB];
	s0 =	simm.s32 @p2 $0x1  }
0x17: {  	s4 =	simm.s32 $0x1BF5;
	[smem:$0x3FBB] =	sst s0  }
0x18: {  	s0 =	sld [smem:$0x3F9E];
	_ =	swait.ge [sflag:s4], $0x0  }
0x19: {  	s7 =	sld [smem:$0x3F9F]  }
0x1a: {  	s8 =	sadd.s32 $0xFFFFE003, lr  }
0x1b: {  	s9 =	sadd.s32 $0xFFFFFEF7, lr;
	s5 =	simm.s32 $0xFFFFFFFF;
	p2 =	slt.u32 s8, $0xFFFFF086  }
0x1c: {  	p1 =	slt.u32 s9, $0xF7A;
	s5 =	simm.s32 @!p2 $0x0  }
0x1d: {  	s5 =	simm.s32 @p1 $0x1;
	p0 =	seq.s32 s7, s2  }
0x1e: {  	s7 =	smul.u32 @!p0 $0xF7A, s2;
	p2 =	seq.s32 @!p0 s5, $0x0  }
0x1f: {  	s9 =	smul.u32 $0xF7A, s1;
	s8 =	simm.s32 @!p0 $0x1BF5;
	p2 =	por !p2, p0  }
0x20: {  	[sflag:s8] =	ssyncset.s32 @!p0 $0xFFFFF086;
	s6 =	sadd.s32 @!p0 s3, s7;
	s7 =	simm.s32 @!p0 $0x108  }
0x21: {  	s3 =	sadd.s32 s3, s9;
	s6 =	sadd.s32 @!p0 $0x88, s6;
	s7 =	simm.s32 @p2 $0x1082  }
0x22: {  	[simem:s7], [sflag:s8] =	dma.local @!p0 [hbm:s6], $0xF7A  }
0x23: {  	s9 =	sor.u32 $0xD0000000, s2;
	s6 =	simm.s32 $0x108;
	_ =	swait.ge @!p0 [sflag:s8], $0x0  }
0x24: {  	s3 =	sadd.s32 $0x88, s3;
	s6 =	simm.s32 @!p1 $0x1082;
	[sflag:s4] =	ssyncset.s32 $0xFFFFF086  }
0x25: {  	[simem:s6], [sflag:s4] =	dma.local [hbm:s3], $0xF7A  }
0x26: {  	[smem:$0x3F9F] =	sst s1;
	(tag) =	ssettag s2;
	_ =	strace s9  }
0x27: {  	s1 =	sld [smem:$0x3FAF]  }
0x28: {  	s2 =	sld [smem:$0x3FB0]  }
0x29: {  	s4 =	sld [smem:$0x3FB2]  }
0x2a: {  	p0 =	seq.s32 s5, $0x0;
	s5 =	sld [smem:$0x3FB3]  }
0x2b: {  	s6 =	sld [smem:$0x3FB4]  }
0x2c: {  	s7 =	sld [smem:$0x3FB5]  }
0x2d: {  	s3 =	simm.s32 $0x108;
	s8 =	sld [smem:$0x3FB6]  }
0x2e: {  	s3 =	simm.s32 @!p0 $0x1082;
	s9 =	sld [smem:$0x3FB7]  }
0x2f: {  	lr =	sadd.s32 s0, s3;
	s0 =	sld [smem:$0x3FAE]  }
0x30: {  	s3 =	sld [smem:$0x3FB1]  }
0x31: {  	[smem:$0x3FBA] =	sst s10  }
0x32: {  	s10 =	sld [smem:$0x3FB8];
	_ =	sdelay $0x3  }
0x33: {  	p0 =	seq.s32 s10, $0x1;
	s10 =	sld [smem:$0x3FBA];
	_ =	sdelay $0x3  }
0x34: {  	[smem:$0x3FBA] =	sst s10  }
0x35: {  	s10 =	sld [smem:$0x3FB9];
	_ =	sdelay $0x3  }
0x36: {  	p1 =	seq.s32 s10, $0x1;
	s10 =	sld [smem:$0x3FBA];
	_ =	sdelay $0x3  }
0x37: {  	[smem:$0x3FBA] =	sst s10  }
0x38: {  	s10 =	sld [smem:$0x3FBB]  }
0x39: {  	_ = 	snop;
	(pc) =	sbr.ind lr, $3  }
0x3a: {  	_ = 	snop  }
0x3b: {  	_ = 	snop  }
0x3c: {  	p2 =	seq.s32 s10, $0x1;
	s10 =	sld [smem:$0x3FBA]  }
0x3d: {  	_ =	shalt  }
0x3e: {  	_ =	shalt  }
0x3f: {  	_ =	shalt  }
0x40: {  	_ =	shalt  }
0x41: {  	_ =	shalt  }
0x42: {  	_ =	shalt  }
0x43: {  	_ =	shalt  }
0x44: {  	_ =	shalt  }
0x45: {  	_ =	shalt  }
0x46: {  	_ =	shalt  }
0x47: {  	_ =	shalt  }
0x48: {  	_ =	shalt  }
0x49: {  	_ =	shalt  }
0x4a: {  	_ =	shalt  }
0x4b: {  	_ =	shalt  }
0x4c: {  	_ =	shalt  }
0x4d: {  	_ =	shalt  }
0x4e: {  	_ =	shalt  }
0x4f: {  	_ =	shalt  }
0x50: {  	_ =	shalt  }
0x51: {  	_ =	shalt  }
0x52: {  	_ =	shalt  }
0x53: {  	_ =	shalt  }
0x54: {  	_ =	shalt  }
0x55: {  	_ =	shalt  }
0x56: {  	_ =	shalt  }
0x57: {  	_ =	shalt  }
0x58: {  	_ =	shalt  }
0x59: {  	_ =	shalt  }
0x5a: {  	_ =	shalt  }
0x5b: {  	_ =	shalt  }
0x5c: {  	_ =	shalt  }
0x5d: {  	_ =	shalt  }
0x5e: {  	_ =	shalt  }
0x5f: {  	_ =	shalt  }
0x60: {  	_ =	shalt  }
0x61: {  	_ =	shalt  }
0x62: {  	_ =	shalt  }
0x63: {  	_ =	shalt  }
0x64: {  	_ =	shalt  }
0x65: {  	_ =	shalt  }
0x66: {  	_ =	shalt  }
0x67: {  	_ =	shalt  }
0x68: {  	_ =	shalt  }
0x69: {  	_ =	shalt  }
0x6a: {  	_ =	shalt  }
0x6b: {  	_ =	shalt  }
0x6c: {  	_ =	shalt  }
0x6d: {  	_ =	shalt  }
0x6e: {  	_ =	shalt  }
0x6f: {  	_ =	shalt  }
0x70: {  	_ =	shalt  }
0x71: {  	_ =	shalt  }
0x72: {  	_ =	shalt  }
0x73: {  	_ =	shalt  }
0x74: {  	_ =	shalt  }
0x75: {  	_ =	shalt  }
0x76: {  	_ =	shalt  }
0x77: {  	_ =	shalt  }
0x78: {  	_ =	shalt  }
0x79: {  	_ =	shalt  }
0x7a: {  	_ =	shalt  }
0x7b: {  	_ =	shalt  }
0x7c: {  	_ =	shalt  }
0x7d: {  	_ =	shalt  }
0x7e: {  	_ =	shalt  }
0x7f: {  	_ =	shalt  }
0x80: {  	_ =	shalt  }
0x81: {  	_ =	shalt  }
0x82: {  	_ =	shalt  }
0x83: {  	_ =	shalt  }
0x84: {  	_ =	shalt  }
0x85: {  	_ =	shalt  }
0x86: {  	_ =	shalt  }
0x87: {  	_ =	shalt  }
.Lfunc_end0:
.L_simem_size_0:
called_computation_lowered:
.L_overlay_start_0:
0x88: {  	s2 =	sld [smem:$0x3FD9]  }
0x89: {  	s3 =	sld [smem:$0x3FFE];
	_ =	sdelay $0x1  }
0x8a: {  	s1 =	srdreg.scid  }
0x8b: {  	s0 =	sand.u32 $0x1, s1  }
0x8c: {  	s17 =	sshll.u32 s0, $0xA;
	s2 =	sadd.s32 s3, s2  }
0x8d: {  	s2 =	sadd.s32 s2, s17  }
0x8e: {  	[smem:$0x3FC6] =	sst s2  }
0x8f: {  	_ = 	snop  }
0x90: {  	s2 =	sld [smem:$0x3FC8]  }
0x91: {  	s18 =	sld [smem:$0x3FD0];
	(tm) =	ssettm $0x1  }
0x92: {  	s4 =	sld [smem:$0x3FFB];
	_ =	sdelay $0x3  }
0x93: {  	_ =	strace s4  }
0x94: {  	s4 =	sld [smem:$0x3FFC];
	_ =	sdelay $0x3  }
0x95: {  	_ =	strace s4  }
0x96: {  	s4 =	sld [smem:$0x3FFD];
	_ =	sdelay $0x3  }
0x97: {  	_ =	strace s4  }
0x98: {  	_ =	strace $0x8FFFFFFF  }
0x99: {  	s19 =	sld [smem:$0x3FDB];
	_ =	sdelay $0x1  }
0x9a: {  	s5 =	simm.s32 $_scs_section_size  }
0x9b: {  	s6 =	simm.s32 $_size__tile_overlayer_lowered;
	s7 =	simm.s32 $_tile_overlayer_lowered  }
0x9c: {  	s22 =	simm.s32 $0x1BFF;
	s21 =	sshll.u32 s7, $0x1;
	s4 =	sadd.s32 s5, s19  }
0x9d: {  	s8 =	simm.s32 $0x0;
	s20 =	sshll.u32 s6, $0x1;
	s6 =	sadd.s32 s21, s4  }
0x9e: {  	[timem:s8], [sflag:s22] =	dma.local [hbm:s6], s20  }
0x9f: {  	_ =	swait.ge [sflag:s22], s20  }
0xa0: {  	s5 =	ssub.s32 $0x0, s20;
	[sflag:s22] =	ssyncset.done $0x0  }
0xa1: {  	[sflag:s22] =	ssyncadd.s32 s5;
	_ =	sdelay $0x1  }
0xa2: {  	s23 =	simm.s32 $0x1B8B  }
0xa3: {  	_ =	swait.ge [sflag:s23], $0x1  }
0xa4: {  	[sflag:s23] =	ssyncset.done $0x0  }
0xa5: {  	s25 =	simm.s32 $0x1B8E;
	s24 =	sld [smem:$0x3FFE];
	[sflag:s23] =	ssyncadd.s32 $0xFFFFFFFF  }
0xa6: {  	s26 =	simm.s32 $execute0_lowered;
	[smem:$0x3FD2] =	sst s25  }
0xa7: {  	s6 =	sshll.u32 s26, $0x1;
	_ =	strace $0x80000046;
	[dreg:$0x1] =	wrdreg $0xFFFFFFFF  }
0xa8: {  	s28 =	simm.s32 $_size_execute0_lowered;
	s4 =	sadd.s32 s4, s6;
	[dreg:$0x0] =	wrdreg $0x0  }
0xa9: {  	s6 =	sshll.u32 s28, $0x1;
	[dreg:$0x2] =	wrdreg s4  }
0xaa: {  	[dreg:$0x3] =	wrdreg s6  }
0xab: {  	[dreg:$0x4] =	wrdreg $0xC0  }
0xac: {  	_ =	task [dreg:s8], $0x5FFFF  }
0xad: {  	[dreg:$0x1] =	wrdreg $0xFFFFFFFF  }
0xae: {  	[dreg:$0x0] =	wrdreg $0x60  }
0xaf: {  	[dreg:$0x2] =	wrdreg s24  }
0xb0: {  	[dreg:$0x3] =	wrdreg s2  }
0xb1: {  	[dreg:$0x4] =	wrdreg s18  }
0xb2: {  	[dreg:$0x5] =	wrdreg $0x0  }
0xb3: {  	[dreg:$0x6] =	wrdreg $0x9  }
0xb4: {  	_ =	task.clear_ibuf [dreg:s8], $0x7FFFF;
	_ =	strace $0x90000046  }
0xb5: {  	s29 =	simm.s32 $0x9;
	_ =	strace $0x80000048  }
0xb6: {  	_ =	swait.ge [sflag:s29], $0x1  }
0xb7: {  	[sflag:s29] =	ssyncadd.s32 $0xFFFFFFFF  }
0xb8: {  	_ =	strace $0x90000048  }
0xb9: {  	_ =	sfence  }
0xba: {  	s30 =	sld [smem:$0x0];
	_ =	sdelay $0x2  }
0xbb: {  	s31 =	sshll.u32 s1, $0xD;
	s1 =	sshrl.u32 s1, $0x2  }
0xbc: {  	s3 =	sand.u32 $0x4000, s31;
	s1 =	sadd.s32 s1, s30  }
0xbd: {  	s0 =	sor.u32 s3, s0;
	s1 =	sshll.u32 s1, $0x11  }
0xbe: {  	s0 =	sor.u32 s1, s0  }
0xbf: {  	s0 =	sadd.s32 $0x8F2B, s0  }
0xc0: {  	[sflag:s0] =	ssyncadd.remote.s32 $0x1  }
0xc1: {  	_ =	sfence.sel $0xFFFF  }
0xc2: {  	[dreg:$0x0] =	wrdreg $0xFFFFFFFF;
	(pc) =	sbr.abs _section_cstart, $3  }
0xc3: {  	[dreg:$0x1] =	wrdreg $0xFFFFFFFF  }
0xc4: {  	_ =	task.clear_ibuf [dreg:s8], $0x2FFFF;
	_ =	strace $0x9FFFFFFF  }
0xc5: {  	(tm) =	ssettm $0x7FFFFFFF  }
tec
execute0_lowered:
.L_overlay_start_1:
0x0: {  	(tag) =	ssettag $0x1  }
0x1: {  	s4 =	rddreg [dreg:$0x0];
	v0 =	vlaneseq.u32  }
0x2: {  	s0 =	rddreg [dreg:$0x1];
	s1 =	srdreg.scid;
	v0 =	vmul.u32 $0x11, v0  }
0x3: {  	s8 =	rddreg [dreg:$0x2];
	s9 =	stileid.u32  }
0x4: {  	s2 =	rddreg [dreg:$0x3];
	vm0 =	vmmov $0xff;
	s13 =	simm.s32 $0x1BF70;
	s14 =	simm.s32 $0x2;
	v1 =	vadd.s32 $0x1, v0  }
0x5: {  	s15 =	simm.s32 $0x1;
	s16 =	simm.s32 $0x1DF70;
	s17 =	simm.s32 $0x3;
	v2 =	vadd.s32 $0x2, v0;
	v3 =	vadd.s32 $0x3, v0;
	v4 =	vadd.s32 $0x4, v0  }
0x6: {  	s18 =	simm.s32 $0x1E1F0;
	s19 =	simm.s32 $0x4;
	s20 =	simm.s32 $0x0;
	v5 =	vadd.s32 $0x5, v0;
	v6 =	vadd.s32 $0x6, v0;
	v7 =	vadd.s32 $0x7, v0  }
0x7: {  	s5 =	sand.u32 $0x1, s1;
	s3 =	sshll.u32 s9, $0x8;
	s1 =	rddreg [dreg:$0x4];
	v8 =	vadd.s32 $0x8, v0;
	v9 =	vadd.s32 $0x9, v0;
	v10 =	vadd.s32 $0xA, v0  }
0x8: {  	p0 =	sne.s32 s9, $0x0;
	s6 =	sshll.u32 s5, $0x7;
	s5 =	ssub.s32 $0x2, s5;
	v11 =	vadd.s32 $0xB, v0;
	v12 =	vadd.s32 $0xC, v0;
	v13 =	vadd.s32 $0xD, v0  }
0x9: {  	s7 =	sor.u32 s6, s3;
	s3 =	simm.s32 $0x0;
	s31 =	sshrl.u32 s5, $0x1;
	v14 =	vadd.s32 $0xE, v0;
	v15 =	vadd.s32 $0xF, v0;
	v16 =	vadd.s32 $0x110, v0  }
0xa: {  	v17 =	vadd.s32 $0x111, v0;
	v18 =	vadd.s32 $0x112, v0;
	v19 =	vadd.s32 $0x113, v0;
	s6 =	sshll.u32 s7, $0x5;
	[smem:$0x7FF] =	sst s3;
	s11 =	ssub.s32 s5, s31  }
0xb: {  	v20 =	vadd.s32 $0x114, v0;
	v21 =	vadd.s32 $0x115, v0;
	v22 =	vadd.s32 $0x116, v0;
	s12 =	sshrl.u32 s7, $0x3;
	s10 =	sadd.s32 s6, s4;
	_ =	strace $0x80000047  }
0xc: {  	v23 =	vadd.s32 $0x117, v0;
	v24 =	vadd.s32 $0x118, v0;
	v25 =	vadd.s32 $0x119, v0;
	s8 =	sadd.s32 s8, s12;
	s9 =	smax.u32 s11, $0x1;
	s11 =	simm.s32 $0x1870  }
0xd: {  	v26 =	vadd.s32 $0x11A, v0;
	v27 =	vadd.s32 $0x11B, v0;
	v28 =	vadd.s32 $0x11C, v0;
	s12 =	simm.s32 $0x19F70;
	s4 =	sadd.s32 $0x400, s10;
	s5 =	sadd.s32 $0x800, s10  }
0xe: {  	v29 =	vadd.s32 $0x11D, v0;
	v30 =	vadd.s32 $0x11E, v0;
	v31 =	vadd.s32 $0x11F, v0;
	s6 =	sadd.s32 $0xC00, s10;
	s7 =	sadd.s32 $0x1000, s10;
	s10 =	sshrl.u32 @!p0 s2, $0x3  }
.LBB2_1:
0xf: {  	s21 =	simm.s32 @!p0 $0x1C04  }
0x10: {  	[spmem:s10], [sflag:s21] =	dma.local @!p0 [hbm:s0], $0x30E0  }
0x11: {  	s21 =	simm.s32 @!p0 $0x4  }
0x12: {  	_ =	swait.ge @!p0 [sflag:s21], $0x30E0  }
0x13: {  	[sflag:s21] =	ssyncset.done @!p0 $0x0  }
0x14: {  	[sflag:s21] =	ssyncadd.s32 @!p0 $0xFFFFCF20  }
0x15: {  	[bflag:$0x0] =	sbarrier.arrive $0xFFFF  }
0x16: {  	[tilespmem:s11], [sflag:$0x1] =	stream.linear.gather [spmem:s2], $0x18700, $0x38;
	[tilespmem:$0x1E270] =	vst v63  }
0x17: {  	_ = 	snop  }
0x18: {  	[tilespmem:s12], [sflag:$0x2] =	stream.linear.gather [hbm4b:s4+s3], $0x2000, $0x38;
	[tilespmem:$0x1E270] =	vst v63  }
0x19: {  	_ = 	snop  }
0x1a: {  	[tilespmem:s13], [sflag:$0x3] =	stream.linear.gather [hbm4b:s5+s3], $0x2000, $0x38;
	[tilespmem:$0x1E270] =	vst v63  }
0x1b: {  	_ =	swait.ge [sflag:s14], $0x2000  }
0x1c: {  	[sflag:s14] =	ssyncset.done $0x0  }
0x1d: {  	[sflag:s14] =	ssyncadd.s32 $0xFFFFE000  }
0x1e: {  	_ =	swait.ge [sflag:s15], $0x18700  }
0x1f: {  	s22 =	simm.s32 $0x880;
	s23 =	simm.s32 $0x1100;
	[sflag:s15] =	ssyncset.done $0x0  }
0x20: {  	s24 =	simm.s32 $0x1E080;
	s21 =	simm.s32 $0xFFFFFFFE;
	[sflag:s15] =	ssyncadd.s32 $0xFFFE7900  }
.LBB2_2:
0x21: {  	s25 =	sadd.s32 $0xFFFFEF00, s23  }
0x22: {  	s26 =	sadd.s32 $0xFFFFF780, s22;
	s25 =	sand.u32 $0x800, s25  }
0x23: {  	s26 =	sand.u32 $0x300, s26;
	s25 =	sadd.s32 $0x19F70, s25  }
0x24: {  	s28 =	sadd.s32 s26, s25  }
0x25: {  	v32 =	vld [tilespmem:s28+$0x0];
	_ =	sdelay $0x1  }
0x26: {  	v33 =	vld [tilespmem:s28+$0x10];
	_ =	sdelay $0x1  }
0x27: {  	v34 =	vld [tilespmem:s28+$0x20];
	_ =	sdelay $0x1  }
0x28: {  	v35 =	vld [tilespmem:s28+$0x30]  }
0x29: {  	v36 =	vld [tilespmem:s28+$0x40]  }
0x2a: {  	v32 =	vld.idx.msk [tilespmem:v32+s11+$0x0], $0xffff  }
0x2b: {  	v37 =	vld [tilespmem:s28+$0x50]  }
0x2c: {  	v33 =	vld.idx.msk [tilespmem:v33+s11+$0x0], $0xffff  }
0x2d: {  	v38 =	vld [tilespmem:s28+$0x60]  }
0x2e: {  	v34 =	vld.idx.msk [tilespmem:v34+s11+$0x0], $0xffff  }
0x2f: {  	v39 =	vld [tilespmem:s28+$0x70];
	v32 =	vadd.f32 $0.0e+00, v32  }
0x30: {  	v35 =	vld.idx.msk [tilespmem:v35+s11+$0x0], $0xffff  }
0x31: {  	v60 =	vld [tilespmem:s28+$0x400];
	v32 =	vadd.f32 v33, v32  }
0x32: {  	v59 =	vld.idx.msk [tilespmem:v36+s11+$0x0], $0xffff  }
0x33: {  	v62 =	vld [tilespmem:s28+$0x410];
	v32 =	vadd.f32 v34, v32  }
0x34: {  	v61 =	vld.idx.msk [tilespmem:v37+s11+$0x0], $0xffff  }
0x35: {  	v42 =	vld [tilespmem:s28+$0x420];
	v32 =	vadd.f32 v35, v32  }
0x36: {  	v63 =	vld.idx.msk [tilespmem:v38+s11+$0x0], $0xffff  }
0x37: {  	v44 =	vld [tilespmem:s28+$0x430];
	v32 =	vadd.f32 v59, v32  }
0x38: {  	v43 =	vld.idx.msk [tilespmem:v39+s11+$0x0], $0xffff  }
0x39: {  	v45 =	vld [tilespmem:s28+$0x438];
	v32 =	vadd.f32 v61, v32  }
0x3a: {  	v36 =	vld.idx.msk [tilespmem:v60+s11+$0x0], $0xffff  }
0x3b: {  	v32 =	vadd.f32 v63, v32  }
0x3c: {  	v46 =	vld.idx.msk [tilespmem:v62+s11+$0x0], $0xffff  }
0x3d: {  	v32 =	vadd.f32 v43, v32  }
0x3e: {  	v47 =	vld.idx.msk [tilespmem:v42+s11+$0x0], $0xffff  }
0x3f: {  	v32 =	vadd.f32 v36, v32  }
0x40: {  	v48 =	vld.idx.msk [tilespmem:v44+s11+$0x0], $0xffff  }
0x41: {  	v34 =	vld.idx.msk [tilespmem:v45+s11+$0x0], $0xffff;
	v32 =	vadd.f32 v46, v32;
	_ =	sdelay $0x1  }
0x42: {  	v32 =	vadd.f32 v47, v32;
	_ =	sdelay $0x1  }
0x43: {  	v32 =	vadd.f32 v48, v32  }
0x44: {  	v49 =	vsel vm0, $0x0, v34  }
0x45: {  	s31 =	sadd.s32 $0xFFFFFF00, s23;
	v32 =	vadd.f32 v49, v32  }
0x46: {  	s28 =	sand.u32 $0x1800, s31  }
0x47: {  	s26 =	sor.u32 s26, s28;
	[tilespmem:s24+$0xFFFFFEF0] =	vst v32  }
0x48: {  	v32 =	vld [tilespmem:s26+$0x19F70]  }
0x49: {  	s26 =	sadd.s32 $0x19F70, s26  }
0x4a: {  	v50 =	vld [tilespmem:s26+$0x10];
	_ =	sdelay $0x1  }
0x4b: {  	v51 =	vld [tilespmem:s26+$0x20];
	_ =	sdelay $0x1  }
0x4c: {  	v52 =	vld [tilespmem:s26+$0x30]  }
0x4d: {  	v53 =	vld [tilespmem:s26+$0x40]  }
0x4e: {  	v32 =	vld.idx.msk [tilespmem:v32+s11+$0x0], $0xffff  }
0x4f: {  	v54 =	vld [tilespmem:s26+$0x50]  }
0x50: {  	v33 =	vld.idx.msk [tilespmem:v50+s11+$0x0], $0xffff  }
0x51: {  	v55 =	vld [tilespmem:s26+$0x60]  }
0x52: {  	v34 =	vld.idx.msk [tilespmem:v51+s11+$0x0], $0xffff  }
0x53: {  	v56 =	vld [tilespmem:s26+$0x70];
	v32 =	vadd.f32 $0.0e+00, v32  }
0x54: {  	v35 =	vld.idx.msk [tilespmem:v52+s11+$0x0], $0xffff  }
0x55: {  	v58 =	vld [tilespmem:s26+$0x400];
	v32 =	vadd.f32 v33, v32  }
0x56: {  	v57 =	vld.idx.msk [tilespmem:v53+s11+$0x0], $0xffff  }
0x57: {  	v60 =	vld [tilespmem:s26+$0x410];
	v32 =	vadd.f32 v34, v32  }
0x58: {  	v59 =	vld.idx.msk [tilespmem:v54+s11+$0x0], $0xffff  }
0x59: {  	v62 =	vld [tilespmem:s26+$0x420];
	v32 =	vadd.f32 v35, v32  }
0x5a: {  	v61 =	vld.idx.msk [tilespmem:v55+s11+$0x0], $0xffff  }
0x5b: {  	v42 =	vld [tilespmem:s26+$0x430];
	v32 =	vadd.f32 v57, v32  }
0x5c: {  	v63 =	vld.idx.msk [tilespmem:v56+s11+$0x0], $0xffff  }
0x5d: {  	v43 =	vld [tilespmem:s26+$0x438];
	v32 =	vadd.f32 v59, v32  }
0x5e: {  	v36 =	vld.idx.msk [tilespmem:v58+s11+$0x0], $0xffff  }
0x5f: {  	v32 =	vadd.f32 v61, v32  }
0x60: {  	v44 =	vld.idx.msk [tilespmem:v60+s11+$0x0], $0xffff  }
0x61: {  	v32 =	vadd.f32 v63, v32  }
0x62: {  	v45 =	vld.idx.msk [tilespmem:v62+s11+$0x0], $0xffff  }
0x63: {  	v32 =	vadd.f32 v36, v32  }
0x64: {  	v46 =	vld.idx.msk [tilespmem:v42+s11+$0x0], $0xffff  }
0x65: {  	v34 =	vld.idx.msk [tilespmem:v43+s11+$0x0], $0xffff;
	v32 =	vadd.f32 v44, v32;
	_ =	sdelay $0x1  }
0x66: {  	v32 =	vadd.f32 v45, v32;
	_ =	sdelay $0x1  }
0x67: {  	v32 =	vadd.f32 v46, v32  }
0x68: {  	v47 =	vsel vm0, $0x0, v34  }
0x69: {  	s29 =	sadd.s32 $0xFFFFF800, s22;
	v32 =	vadd.f32 v47, v32  }
0x6a: {  	s26 =	sand.u32 $0x380, s29  }
0x6b: {  	s25 =	sadd.s32 s26, s25;
	[tilespmem:s24+$0x0] =	vst v32  }
0x6c: {  	v32 =	vld [tilespmem:s25+$0x0];
	_ =	sdelay $0x1  }
0x6d: {  	v48 =	vld [tilespmem:s25+$0x10];
	_ =	sdelay $0x1  }
0x6e: {  	v49 =	vld [tilespmem:s25+$0x20];
	_ =	sdelay $0x1  }
0x6f: {  	v50 =	vld [tilespmem:s25+$0x30]  }
0x70: {  	v51 =	vld [tilespmem:s25+$0x40]  }
0x71: {  	v32 =	vld.idx.msk [tilespmem:v32+s11+$0x0], $0xffff  }
0x72: {  	v52 =	vld [tilespmem:s25+$0x50]  }
0x73: {  	v33 =	vld.idx.msk [tilespmem:v48+s11+$0x0], $0xffff  }
0x74: {  	v53 =	vld [tilespmem:s25+$0x60]  }
0x75: {  	v34 =	vld.idx.msk [tilespmem:v49+s11+$0x0], $0xffff  }
0x76: {  	v54 =	vld [tilespmem:s25+$0x70];
	v32 =	vadd.f32 $0.0e+00, v32  }
0x77: {  	v35 =	vld.idx.msk [tilespmem:v50+s11+$0x0], $0xffff  }
0x78: {  	v56 =	vld [tilespmem:s25+$0x400];
	v32 =	vadd.f32 v33, v32  }
0x79: {  	v55 =	vld.idx.msk [tilespmem:v51+s11+$0x0], $0xffff  }
0x7a: {  	v58 =	vld [tilespmem:s25+$0x410];
	v32 =	vadd.f32 v34, v32  }
0x7b: {  	v57 =	vld.idx.msk [tilespmem:v52+s11+$0x0], $0xffff  }
0x7c: {  	v60 =	vld [tilespmem:s25+$0x420];
	v32 =	vadd.f32 v35, v32  }
0x7d: {  	v59 =	vld.idx.msk [tilespmem:v53+s11+$0x0], $0xffff  }
0x7e: {  	v62 =	vld [tilespmem:s25+$0x430];
	v32 =	vadd.f32 v55, v32  }
0x7f: {  	v61 =	vld.idx.msk [tilespmem:v54+s11+$0x0], $0xffff  }
0x80: {  	v63 =	vld [tilespmem:s25+$0x438];
	v32 =	vadd.f32 v57, v32  }
0x81: {  	v36 =	vld.idx.msk [tilespmem:v56+s11+$0x0], $0xffff  }
0x82: {  	v32 =	vadd.f32 v59, v32  }
0x83: {  	v40 =	vld.idx.msk [tilespmem:v58+s11+$0x0], $0xffff  }
0x84: {  	v32 =	vadd.f32 v61, v32  }
0x85: {  	v41 =	vld.idx.msk [tilespmem:v60+s11+$0x0], $0xffff  }
0x86: {  	v32 =	vadd.f32 v36, v32  }
0x87: {  	v42 =	vld.idx.msk [tilespmem:v62+s11+$0x0], $0xffff  }
0x88: {  	v34 =	vld.idx.msk [tilespmem:v63+s11+$0x0], $0xffff;
	v32 =	vadd.f32 v40, v32;
	_ =	sdelay $0x1  }
0x89: {  	v32 =	vadd.f32 v41, v32;
	_ =	sdelay $0x1  }
0x8a: {  	v32 =	vadd.f32 v42, v32  }
0x8b: {  	v43 =	vsel vm0, $0x0, v34  }
0x8c: {  	v32 =	vadd.f32 v43, v32  }
0x8d: {  	s30 =	sand.u32 $0x1800, s23;
	s31 =	sand.u32 $0x380, s22  }
0x8e: {  	s25 =	sor.u32 s31, s30;
	[tilespmem:s24+$0xFFFFFF01] =	vst v32  }
0x8f: {  	v32 =	vld [tilespmem:s25+$0x19F70]  }
0x90: {  	s25 =	sadd.s32 $0x19F70, s25  }
0x91: {  	v44 =	vld [tilespmem:s25+$0x10];
	_ =	sdelay $0x1  }
0x92: {  	v45 =	vld [tilespmem:s25+$0x20];
	_ =	sdelay $0x1  }
0x93: {  	v46 =	vld [tilespmem:s25+$0x30]  }
0x94: {  	v47 =	vld [tilespmem:s25+$0x40]  }
0x95: {  	v32 =	vld.idx.msk [tilespmem:v32+s11+$0x0], $0xffff  }
0x96: {  	v48 =	vld [tilespmem:s25+$0x50]  }
0x97: {  	v33 =	vld.idx.msk [tilespmem:v44+s11+$0x0], $0xffff  }
0x98: {  	v49 =	vld [tilespmem:s25+$0x60]  }
0x99: {  	v34 =	vld.idx.msk [tilespmem:v45+s11+$0x0], $0xffff  }
0x9a: {  	v50 =	vld [tilespmem:s25+$0x70];
	v32 =	vadd.f32 $0.0e+00, v32  }
0x9b: {  	v35 =	vld.idx.msk [tilespmem:v46+s11+$0x0], $0xffff  }
0x9c: {  	v52 =	vld [tilespmem:s25+$0x400];
	v32 =	vadd.f32 v33, v32  }
0x9d: {  	v51 =	vld.idx.msk [tilespmem:v47+s11+$0x0], $0xffff  }
0x9e: {  	v54 =	vld [tilespmem:s25+$0x410];
	v32 =	vadd.f32 v34, v32  }
0x9f: {  	v53 =	vld.idx.msk [tilespmem:v48+s11+$0x0], $0xffff  }
0xa0: {  	v56 =	vld [tilespmem:s25+$0x420];
	v32 =	vadd.f32 v35, v32  }
0xa1: {  	v55 =	vld.idx.msk [tilespmem:v49+s11+$0x0], $0xffff  }
0xa2: {  	v58 =	vld [tilespmem:s25+$0x430];
	v32 =	vadd.f32 v51, v32  }
0xa3: {  	v57 =	vld.idx.msk [tilespmem:v50+s11+$0x0], $0xffff  }
0xa4: {  	v59 =	vld [tilespmem:s25+$0x438];
	v32 =	vadd.f32 v53, v32  }
0xa5: {  	v36 =	vld.idx.msk [tilespmem:v52+s11+$0x0], $0xffff  }
0xa6: {  	v32 =	vadd.f32 v55, v32  }
0xa7: {  	v60 =	vld.idx.msk [tilespmem:v54+s11+$0x0], $0xffff  }
0xa8: {  	v32 =	vadd.f32 v57, v32  }
0xa9: {  	v61 =	vld.idx.msk [tilespmem:v56+s11+$0x0], $0xffff  }
0xaa: {  	v32 =	vadd.f32 v36, v32  }
0xab: {  	v62 =	vld.idx.msk [tilespmem:v58+s11+$0x0], $0xffff  }
0xac: {  	v34 =	vld.idx.msk [tilespmem:v59+s11+$0x0], $0xffff;
	v32 =	vadd.f32 v60, v32;
	_ =	sdelay $0x1  }
0xad: {  	s21 =	sadd.s32 $0x2, s21;
	v32 =	vadd.f32 v61, v32  }
0xae: {  	p1 =	slt.u32 s21, $0xE  }
.Ltmp0:
0xaf: {  	v32 =	vadd.f32 v62, v32;
	(pc) =	sbr.rel @p1 .LBB2_2-.Ltmp0, $3  }
0xb0: {  	v63 =	vsel vm0, $0x0, v34  }
0xb1: {  	v32 =	vadd.f32 v63, v32;
	_ =	sdelay $0x1  }
0xb2: {  	s23 =	sadd.s32 $0x200, s23;
	s22 =	sadd.s32 $0x100, s22;
	[tilespmem:s24+$0x11] =	vst v32;
	s24 =	sadd.s32 $0x22, s24  }
0xb3: {  	_ =	sdelay $0x3  }
0xb4: {  	v32 =	vld.idx.msk [tilespmem:v0+s16+$0x0], $0xffff;
	_ =	sdelay $0x1  }
0xb5: {  	v33 =	vld.idx.msk [tilespmem:v1+s16+$0x0], $0xffff;
	_ =	sdelay $0x1  }
0xb6: {  	v34 =	vld.idx.msk [tilespmem:v2+s16+$0x0], $0xffff  }
0xb7: {  	v32 =	vadd.f32 $0.0e+00, v32  }
0xb8: {  	v35 =	vld.idx.msk [tilespmem:v3+s16+$0x0], $0xffff  }
0xb9: {  	v32 =	vadd.f32 v33, v32  }
0xba: {  	v37 =	vld.idx.msk [tilespmem:v4+s16+$0x0], $0xffff  }
0xbb: {  	v32 =	vadd.f32 v34, v32  }
0xbc: {  	v38 =	vld.idx.msk [tilespmem:v5+s16+$0x0], $0xffff  }
0xbd: {  	v32 =	vadd.f32 v35, v32  }
0xbe: {  	v39 =	vld.idx.msk [tilespmem:v6+s16+$0x0], $0xffff  }
0xbf: {  	v32 =	vadd.f32 v37, v32  }
0xc0: {  	v40 =	vld.idx.msk [tilespmem:v7+s16+$0x0], $0xffff  }
0xc1: {  	v32 =	vadd.f32 v38, v32  }
0xc2: {  	v41 =	vld.idx.msk [tilespmem:v8+s16+$0x0], $0xffff  }
0xc3: {  	v32 =	vadd.f32 v39, v32  }
0xc4: {  	v42 =	vld.idx.msk [tilespmem:v9+s16+$0x0], $0xffff  }
0xc5: {  	v32 =	vadd.f32 v40, v32  }
0xc6: {  	v43 =	vld.idx.msk [tilespmem:v10+s16+$0x0], $0xffff  }
0xc7: {  	v32 =	vadd.f32 v41, v32  }
0xc8: {  	v44 =	vld.idx.msk [tilespmem:v11+s16+$0x0], $0xffff  }
0xc9: {  	v32 =	vadd.f32 v42, v32  }
0xca: {  	v45 =	vld.idx.msk [tilespmem:v12+s16+$0x0], $0xffff  }
0xcb: {  	v32 =	vadd.f32 v43, v32  }
0xcc: {  	v46 =	vld.idx.msk [tilespmem:v13+s16+$0x0], $0xffff  }
0xcd: {  	v32 =	vadd.f32 v44, v32  }
0xce: {  	v47 =	vld.idx.msk [tilespmem:v14+s16+$0x0], $0xffff  }
0xcf: {  	v32 =	vadd.f32 v45, v32  }
0xd0: {  	v48 =	vld.idx.msk [tilespmem:v15+s16+$0x0], $0xffff  }
0xd1: {  	v32 =	vadd.f32 v46, v32;
	_ =	sdelay $0x1  }
0xd2: {  	v32 =	vadd.f32 v47, v32;
	_ =	sdelay $0x1  }
0xd3: {  	v32 =	vadd.f32 v48, v32;
	_ =	sdelay $0x1  }
0xd4: {  	[tilespmem:$0x1E1F0] =	vst v32  }
0xd5: {  	v32 =	vld.idx.msk [tilespmem:v16+s16+$0x0], $0xffff;
	_ =	sdelay $0x1  }
0xd6: {  	v49 =	vld.idx.msk [tilespmem:v17+s16+$0x0], $0xffff;
	_ =	sdelay $0x1  }
0xd7: {  	v50 =	vld.idx.msk [tilespmem:v18+s16+$0x0], $0xffff  }
0xd8: {  	v32 =	vadd.f32 $0.0e+00, v32  }
0xd9: {  	v51 =	vld.idx.msk [tilespmem:v19+s16+$0x0], $0xffff  }
0xda: {  	v32 =	vadd.f32 v49, v32  }
0xdb: {  	v52 =	vld.idx.msk [tilespmem:v20+s16+$0x0], $0xffff  }
0xdc: {  	v32 =	vadd.f32 v50, v32  }
0xdd: {  	v53 =	vld.idx.msk [tilespmem:v21+s16+$0x0], $0xffff  }
0xde: {  	v32 =	vadd.f32 v51, v32  }
0xdf: {  	v54 =	vld.idx.msk [tilespmem:v22+s16+$0x0], $0xffff  }
0xe0: {  	v32 =	vadd.f32 v52, v32  }
0xe1: {  	v55 =	vld.idx.msk [tilespmem:v23+s16+$0x0], $0xffff  }
0xe2: {  	v32 =	vadd.f32 v53, v32  }
0xe3: {  	v56 =	vld.idx.msk [tilespmem:v24+s16+$0x0], $0xffff  }
0xe4: {  	v32 =	vadd.f32 v54, v32  }
0xe5: {  	v57 =	vld.idx.msk [tilespmem:v25+s16+$0x0], $0xffff  }
0xe6: {  	v32 =	vadd.f32 v55, v32  }
0xe7: {  	v58 =	vld.idx.msk [tilespmem:v26+s16+$0x0], $0xffff  }
0xe8: {  	v32 =	vadd.f32 v56, v32  }
0xe9: {  	v59 =	vld.idx.msk [tilespmem:v27+s16+$0x0], $0xffff  }
0xea: {  	v32 =	vadd.f32 v57, v32  }
0xeb: {  	v60 =	vld.idx.msk [tilespmem:v28+s16+$0x0], $0xffff  }
0xec: {  	v32 =	vadd.f32 v58, v32  }
0xed: {  	v61 =	vld.idx.msk [tilespmem:v29+s16+$0x0], $0xffff  }
0xee: {  	v32 =	vadd.f32 v59, v32  }
0xef: {  	v62 =	vld.idx.msk [tilespmem:v30+s16+$0x0], $0xffff  }
0xf0: {  	v32 =	vadd.f32 v60, v32  }
0xf1: {  	v63 =	vld.idx.msk [tilespmem:v31+s16+$0x0], $0xffff  }
0xf2: {  	v32 =	vadd.f32 v61, v32;
	_ =	sdelay $0x1  }
0xf3: {  	v32 =	vadd.f32 v62, v32;
	_ =	sdelay $0x1  }
0xf4: {  	v32 =	vadd.f32 v63, v32;
	_ =	sdelay $0x1  }
0xf5: {  	[tilespmem:$0x1E200] =	vst v32  }
0xf6: {  	[tilespmem:s12], [sflag:$0x2] =	stream.linear.gather [hbm4b:s6+s3], $0x2000, $0x38;
	[tilespmem:$0x1E270] =	vst v63  }
0xf7: {  	_ =	swait.ge [sflag:s17], $0x2000  }
0xf8: {  	s21 =	simm.s32 $0xFFFFFFFE;
	s22 =	simm.s32 $0x880;
	[sflag:s17] =	ssyncset.done $0x0  }
0xf9: {  	s23 =	simm.s32 $0x1100;
	s24 =	simm.s32 $0x1E080;
	[sflag:s17] =	ssyncadd.s32 $0xFFFFE000  }
.LBB2_4:
0xfa: {  	s25 =	sadd.s32 $0xFFFFEF00, s23  }
0xfb: {  	s26 =	sadd.s32 $0xFFFFF780, s22;
	s25 =	sand.u32 $0x800, s25  }
0xfc: {  	s26 =	sand.u32 $0x300, s26;
	s25 =	sadd.s32 $0x1BF70, s25  }
0xfd: {  	s28 =	sadd.s32 s26, s25  }
0xfe: {  	v32 =	vld [tilespmem:s28+$0x0];
	_ =	sdelay $0x1  }
0xff: {  	v33 =	vld [tilespmem:s28+$0x10];
	_ =	sdelay $0x1  }
0x100: {  	v34 =	vld [tilespmem:s28+$0x20];
	_ =	sdelay $0x1  }
0x101: {  	v35 =	vld [tilespmem:s28+$0x30]  }
0x102: {  	v36 =	vld [tilespmem:s28+$0x40]  }
0x103: {  	v32 =	vld.idx.msk [tilespmem:v32+s11+$0x0], $0xffff  }
0x104: {  	v37 =	vld [tilespmem:s28+$0x50]  }
0x105: {  	v33 =	vld.idx.msk [tilespmem:v33+s11+$0x0], $0xffff  }
0x106: {  	v38 =	vld [tilespmem:s28+$0x60]  }
0x107: {  	v34 =	vld.idx.msk [tilespmem:v34+s11+$0x0], $0xffff  }
0x108: {  	v39 =	vld [tilespmem:s28+$0x70];
	v32 =	vadd.f32 $0.0e+00, v32  }
0x109: {  	v35 =	vld.idx.msk [tilespmem:v35+s11+$0x0], $0xffff  }
0x10a: {  	v60 =	vld [tilespmem:s28+$0x400];
	v32 =	vadd.f32 v33, v32  }
0x10b: {  	v59 =	vld.idx.msk [tilespmem:v36+s11+$0x0], $0xffff  }
0x10c: {  	v62 =	vld [tilespmem:s28+$0x410];
	v32 =	vadd.f32 v34, v32  }
0x10d: {  	v61 =	vld.idx.msk [tilespmem:v37+s11+$0x0], $0xffff  }
0x10e: {  	v42 =	vld [tilespmem:s28+$0x420];
	v32 =	vadd.f32 v35, v32  }
0x10f: {  	v63 =	vld.idx.msk [tilespmem:v38+s11+$0x0], $0xffff  }
0x110: {  	v44 =	vld [tilespmem:s28+$0x430];
	v32 =	vadd.f32 v59, v32  }
0x111: {  	v43 =	vld.idx.msk [tilespmem:v39+s11+$0x0], $0xffff  }
0x112: {  	v45 =	vld [tilespmem:s28+$0x438];
	v32 =	vadd.f32 v61, v32  }
0x113: {  	v36 =	vld.idx.msk [tilespmem:v60+s11+$0x0], $0xffff  }
0x114: {  	v32 =	vadd.f32 v63, v32  }
0x115: {  	v46 =	vld.idx.msk [tilespmem:v62+s11+$0x0], $0xffff  }
0x116: {  	v32 =	vadd.f32 v43, v32  }
0x117: {  	v47 =	vld.idx.msk [tilespmem:v42+s11+$0x0], $0xffff  }
0x118: {  	v32 =	vadd.f32 v36, v32  }
0x119: {  	v48 =	vld.idx.msk [tilespmem:v44+s11+$0x0], $0xffff  }
0x11a: {  	v34 =	vld.idx.msk [tilespmem:v45+s11+$0x0], $0xffff;
	v32 =	vadd.f32 v46, v32;
	_ =	sdelay $0x1  }
0x11b: {  	v32 =	vadd.f32 v47, v32;
	_ =	sdelay $0x1  }
0x11c: {  	v32 =	vadd.f32 v48, v32  }
0x11d: {  	v49 =	vsel vm0, $0x0, v34  }
0x11e: {  	s31 =	sadd.s32 $0xFFFFFF00, s23;
	v32 =	vadd.f32 v49, v32  }
0x11f: {  	s28 =	sand.u32 $0x1800, s31  }
0x120: {  	s26 =	sor.u32 s26, s28;
	[tilespmem:s24+$0xFFFFFEF0] =	vst v32  }
0x121: {  	v32 =	vld [tilespmem:s26+$0x1BF70]  }
0x122: {  	s26 =	sadd.s32 $0x1BF70, s26  }
0x123: {  	v50 =	vld [tilespmem:s26+$0x10];
	_ =	sdelay $0x1  }
0x124: {  	v51 =	vld [tilespmem:s26+$0x20];
	_ =	sdelay $0x1  }
0x125: {  	v52 =	vld [tilespmem:s26+$0x30]  }
0x126: {  	v53 =	vld [tilespmem:s26+$0x40]  }
0x127: {  	v32 =	vld.idx.msk [tilespmem:v32+s11+$0x0], $0xffff  }
0x128: {  	v54 =	vld [tilespmem:s26+$0x50]  }
0x129: {  	v33 =	vld.idx.msk [tilespmem:v50+s11+$0x0], $0xffff  }
0x12a: {  	v55 =	vld [tilespmem:s26+$0x60]  }
0x12b: {  	v34 =	vld.idx.msk [tilespmem:v51+s11+$0x0], $0xffff  }
0x12c: {  	v56 =	vld [tilespmem:s26+$0x70];
	v32 =	vadd.f32 $0.0e+00, v32  }
0x12d: {  	v35 =	vld.idx.msk [tilespmem:v52+s11+$0x0], $0xffff  }
0x12e: {  	v58 =	vld [tilespmem:s26+$0x400];
	v32 =	vadd.f32 v33, v32  }
0x12f: {  	v57 =	vld.idx.msk [tilespmem:v53+s11+$0x0], $0xffff  }
0x130: {  	v60 =	vld [tilespmem:s26+$0x410];
	v32 =	vadd.f32 v34, v32  }
0x131: {  	v59 =	vld.idx.msk [tilespmem:v54+s11+$0x0], $0xffff  }
0x132: {  	v62 =	vld [tilespmem:s26+$0x420];
	v32 =	vadd.f32 v35, v32  }
0x133: {  	v61 =	vld.idx.msk [tilespmem:v55+s11+$0x0], $0xffff  }
0x134: {  	v42 =	vld [tilespmem:s26+$0x430];
	v32 =	vadd.f32 v57, v32  }
0x135: {  	v63 =	vld.idx.msk [tilespmem:v56+s11+$0x0], $0xffff  }
0x136: {  	v43 =	vld [tilespmem:s26+$0x438];
	v32 =	vadd.f32 v59, v32  }
0x137: {  	v36 =	vld.idx.msk [tilespmem:v58+s11+$0x0], $0xffff  }
0x138: {  	v32 =	vadd.f32 v61, v32  }
0x139: {  	v44 =	vld.idx.msk [tilespmem:v60+s11+$0x0], $0xffff  }
0x13a: {  	v32 =	vadd.f32 v63, v32  }
0x13b: {  	v45 =	vld.idx.msk [tilespmem:v62+s11+$0x0], $0xffff  }
0x13c: {  	v32 =	vadd.f32 v36, v32  }
0x13d: {  	v46 =	vld.idx.msk [tilespmem:v42+s11+$0x0], $0xffff  }
0x13e: {  	v34 =	vld.idx.msk [tilespmem:v43+s11+$0x0], $0xffff;
	v32 =	vadd.f32 v44, v32;
	_ =	sdelay $0x1  }
0x13f: {  	v32 =	vadd.f32 v45, v32;
	_ =	sdelay $0x1  }
0x140: {  	v32 =	vadd.f32 v46, v32  }
0x141: {  	v47 =	vsel vm0, $0x0, v34  }
0x142: {  	s29 =	sadd.s32 $0xFFFFF800, s22;
	v32 =	vadd.f32 v47, v32  }
0x143: {  	s26 =	sand.u32 $0x380, s29  }
0x144: {  	s25 =	sadd.s32 s26, s25;
	[tilespmem:s24+$0x0] =	vst v32  }
0x145: {  	v32 =	vld [tilespmem:s25+$0x0];
	_ =	sdelay $0x1  }
0x146: {  	v48 =	vld [tilespmem:s25+$0x10];
	_ =	sdelay $0x1  }
0x147: {  	v49 =	vld [tilespmem:s25+$0x20];
	_ =	sdelay $0x1  }
0x148: {  	v50 =	vld [tilespmem:s25+$0x30]  }
0x149: {  	v51 =	vld [tilespmem:s25+$0x40]  }
0x14a: {  	v32 =	vld.idx.msk [tilespmem:v32+s11+$0x0], $0xffff  }
0x14b: {  	v52 =	vld [tilespmem:s25+$0x50]  }
0x14c: {  	v33 =	vld.idx.msk [tilespmem:v48+s11+$0x0], $0xffff  }
0x14d: {  	v53 =	vld [tilespmem:s25+$0x60]  }
0x14e: {  	v34 =	vld.idx.msk [tilespmem:v49+s11+$0x0], $0xffff  }
0x14f: {  	v54 =	vld [tilespmem:s25+$0x70];
	v32 =	vadd.f32 $0.0e+00, v32  }
0x150: {  	v35 =	vld.idx.msk [tilespmem:v50+s11+$0x0], $0xffff  }
0x151: {  	v56 =	vld [tilespmem:s25+$0x400];
	v32 =	vadd.f32 v33, v32  }
0x152: {  	v55 =	vld.idx.msk [tilespmem:v51+s11+$0x0], $0xffff  }
0x153: {  	v58 =	vld [tilespmem:s25+$0x410];
	v32 =	vadd.f32 v34, v32  }
0x154: {  	v57 =	vld.idx.msk [tilespmem:v52+s11+$0x0], $0xffff  }
0x155: {  	v60 =	vld [tilespmem:s25+$0x420];
	v32 =	vadd.f32 v35, v32  }
0x156: {  	v59 =	vld.idx.msk [tilespmem:v53+s11+$0x0], $0xffff  }
0x157: {  	v62 =	vld [tilespmem:s25+$0x430];
	v32 =	vadd.f32 v55, v32  }
0x158: {  	v61 =	vld.idx.msk [tilespmem:v54+s11+$0x0], $0xffff  }
0x159: {  	v63 =	vld [tilespmem:s25+$0x438];
	v32 =	vadd.f32 v57, v32  }
0x15a: {  	v36 =	vld.idx.msk [tilespmem:v56+s11+$0x0], $0xffff  }
0x15b: {  	v32 =	vadd.f32 v59, v32  }
0x15c: {  	v40 =	vld.idx.msk [tilespmem:v58+s11+$0x0], $0xffff  }
0x15d: {  	v32 =	vadd.f32 v61, v32  }
0x15e: {  	v41 =	vld.idx.msk [tilespmem:v60+s11+$0x0], $0xffff  }
0x15f: {  	v32 =	vadd.f32 v36, v32  }
0x160: {  	v42 =	vld.idx.msk [tilespmem:v62+s11+$0x0], $0xffff  }
0x161: {  	v34 =	vld.idx.msk [tilespmem:v63+s11+$0x0], $0xffff;
	v32 =	vadd.f32 v40, v32;
	_ =	sdelay $0x1  }
0x162: {  	v32 =	vadd.f32 v41, v32;
	_ =	sdelay $0x1  }
0x163: {  	v32 =	vadd.f32 v42, v32  }
0x164: {  	v43 =	vsel vm0, $0x0, v34  }
0x165: {  	v32 =	vadd.f32 v43, v32  }
0x166: {  	s30 =	sand.u32 $0x1800, s23;
	s31 =	sand.u32 $0x380, s22  }
0x167: {  	s25 =	sor.u32 s31, s30;
	[tilespmem:s24+$0xFFFFFF01] =	vst v32  }
0x168: {  	v32 =	vld [tilespmem:s25+$0x1BF70]  }
0x169: {  	s25 =	sadd.s32 $0x1BF70, s25  }
0x16a: {  	v44 =	vld [tilespmem:s25+$0x10];
	_ =	sdelay $0x1  }
0x16b: {  	v45 =	vld [tilespmem:s25+$0x20];
	_ =	sdelay $0x1  }
0x16c: {  	v46 =	vld [tilespmem:s25+$0x30]  }
0x16d: {  	v47 =	vld [tilespmem:s25+$0x40]  }
0x16e: {  	v32 =	vld.idx.msk [tilespmem:v32+s11+$0x0], $0xffff  }
0x16f: {  	v48 =	vld [tilespmem:s25+$0x50]  }
0x170: {  	v33 =	vld.idx.msk [tilespmem:v44+s11+$0x0], $0xffff  }
0x171: {  	v49 =	vld [tilespmem:s25+$0x60]  }
0x172: {  	v34 =	vld.idx.msk [tilespmem:v45+s11+$0x0], $0xffff  }
0x173: {  	v50 =	vld [tilespmem:s25+$0x70];
	v32 =	vadd.f32 $0.0e+00, v32  }
0x174: {  	v35 =	vld.idx.msk [tilespmem:v46+s11+$0x0], $0xffff  }
0x175: {  	v52 =	vld [tilespmem:s25+$0x400];
	v32 =	vadd.f32 v33, v32  }
0x176: {  	v51 =	vld.idx.msk [tilespmem:v47+s11+$0x0], $0xffff  }
0x177: {  	v54 =	vld [tilespmem:s25+$0x410];
	v32 =	vadd.f32 v34, v32  }
0x178: {  	v53 =	vld.idx.msk [tilespmem:v48+s11+$0x0], $0xffff  }
0x179: {  	v56 =	vld [tilespmem:s25+$0x420];
	v32 =	vadd.f32 v35, v32  }
0x17a: {  	v55 =	vld.idx.msk [tilespmem:v49+s11+$0x0], $0xffff  }
0x17b: {  	v58 =	vld [tilespmem:s25+$0x430];
	v32 =	vadd.f32 v51, v32  }
0x17c: {  	v57 =	vld.idx.msk [tilespmem:v50+s11+$0x0], $0xffff  }
0x17d: {  	v59 =	vld [tilespmem:s25+$0x438];
	v32 =	vadd.f32 v53, v32  }
0x17e: {  	v36 =	vld.idx.msk [tilespmem:v52+s11+$0x0], $0xffff  }
0x17f: {  	v32 =	vadd.f32 v55, v32  }
0x180: {  	v60 =	vld.idx.msk [tilespmem:v54+s11+$0x0], $0xffff  }
0x181: {  	v32 =	vadd.f32 v57, v32  }
0x182: {  	v61 =	vld.idx.msk [tilespmem:v56+s11+$0x0], $0xffff  }
0x183: {  	v32 =	vadd.f32 v36, v32  }
0x184: {  	v62 =	vld.idx.msk [tilespmem:v58+s11+$0x0], $0xffff  }
0x185: {  	v34 =	vld.idx.msk [tilespmem:v59+s11+$0x0], $0xffff;
	v32 =	vadd.f32 v60, v32;
	_ =	sdelay $0x1  }
0x186: {  	s21 =	sadd.s32 $0x2, s21;
	v32 =	vadd.f32 v61, v32  }
0x187: {  	p1 =	slt.u32 s21, $0xE  }
.Ltmp1:
0x188: {  	v32 =	vadd.f32 v62, v32;
	(pc) =	sbr.rel @p1 .LBB2_4-.Ltmp1, $3  }
0x189: {  	v63 =	vsel vm0, $0x0, v34  }
0x18a: {  	v32 =	vadd.f32 v63, v32;
	_ =	sdelay $0x1  }
0x18b: {  	s23 =	sadd.s32 $0x200, s23;
	s22 =	sadd.s32 $0x100, s22;
	[tilespmem:s24+$0x11] =	vst v32;
	s24 =	sadd.s32 $0x22, s24  }
0x18c: {  	_ =	sdelay $0x3  }
0x18d: {  	v32 =	vld.idx.msk [tilespmem:v0+s16+$0x0], $0xffff;
	_ =	sdelay $0x1  }
0x18e: {  	v33 =	vld.idx.msk [tilespmem:v1+s16+$0x0], $0xffff;
	_ =	sdelay $0x1  }
0x18f: {  	v34 =	vld.idx.msk [tilespmem:v2+s16+$0x0], $0xffff  }
0x190: {  	v32 =	vadd.f32 $0.0e+00, v32  }
0x191: {  	v35 =	vld.idx.msk [tilespmem:v3+s16+$0x0], $0xffff  }
0x192: {  	v32 =	vadd.f32 v33, v32  }
0x193: {  	v37 =	vld.idx.msk [tilespmem:v4+s16+$0x0], $0xffff  }
0x194: {  	v32 =	vadd.f32 v34, v32  }
0x195: {  	v38 =	vld.idx.msk [tilespmem:v5+s16+$0x0], $0xffff  }
0x196: {  	v32 =	vadd.f32 v35, v32  }
0x197: {  	v39 =	vld.idx.msk [tilespmem:v6+s16+$0x0], $0xffff  }
0x198: {  	v32 =	vadd.f32 v37, v32  }
0x199: {  	v40 =	vld.idx.msk [tilespmem:v7+s16+$0x0], $0xffff  }
0x19a: {  	v32 =	vadd.f32 v38, v32  }
0x19b: {  	v41 =	vld.idx.msk [tilespmem:v8+s16+$0x0], $0xffff  }
0x19c: {  	v32 =	vadd.f32 v39, v32  }
0x19d: {  	v42 =	vld.idx.msk [tilespmem:v9+s16+$0x0], $0xffff  }
0x19e: {  	v32 =	vadd.f32 v40, v32  }
0x19f: {  	v43 =	vld.idx.msk [tilespmem:v10+s16+$0x0], $0xffff  }
0x1a0: {  	v32 =	vadd.f32 v41, v32  }
0x1a1: {  	v44 =	vld.idx.msk [tilespmem:v11+s16+$0x0], $0xffff  }
0x1a2: {  	v32 =	vadd.f32 v42, v32  }
0x1a3: {  	v45 =	vld.idx.msk [tilespmem:v12+s16+$0x0], $0xffff  }
0x1a4: {  	v32 =	vadd.f32 v43, v32  }
0x1a5: {  	v46 =	vld.idx.msk [tilespmem:v13+s16+$0x0], $0xffff  }
0x1a6: {  	v32 =	vadd.f32 v44, v32  }
0x1a7: {  	v47 =	vld.idx.msk [tilespmem:v14+s16+$0x0], $0xffff  }
0x1a8: {  	v32 =	vadd.f32 v45, v32  }
0x1a9: {  	v48 =	vld.idx.msk [tilespmem:v15+s16+$0x0], $0xffff  }
0x1aa: {  	v32 =	vadd.f32 v46, v32;
	_ =	sdelay $0x1  }
0x1ab: {  	v32 =	vadd.f32 v47, v32;
	_ =	sdelay $0x1  }
0x1ac: {  	v32 =	vadd.f32 v48, v32;
	_ =	sdelay $0x1  }
0x1ad: {  	[tilespmem:$0x1E210] =	vst v32  }
0x1ae: {  	v32 =	vld.idx.msk [tilespmem:v16+s16+$0x0], $0xffff;
	_ =	sdelay $0x1  }
0x1af: {  	v49 =	vld.idx.msk [tilespmem:v17+s16+$0x0], $0xffff;
	_ =	sdelay $0x1  }
0x1b0: {  	v50 =	vld.idx.msk [tilespmem:v18+s16+$0x0], $0xffff  }
0x1b1: {  	v32 =	vadd.f32 $0.0e+00, v32  }
0x1b2: {  	v51 =	vld.idx.msk [tilespmem:v19+s16+$0x0], $0xffff  }
0x1b3: {  	v32 =	vadd.f32 v49, v32  }
0x1b4: {  	v52 =	vld.idx.msk [tilespmem:v20+s16+$0x0], $0xffff  }
0x1b5: {  	v32 =	vadd.f32 v50, v32  }
0x1b6: {  	v53 =	vld.idx.msk [tilespmem:v21+s16+$0x0], $0xffff  }
0x1b7: {  	v32 =	vadd.f32 v51, v32  }
0x1b8: {  	v54 =	vld.idx.msk [tilespmem:v22+s16+$0x0], $0xffff  }
0x1b9: {  	v32 =	vadd.f32 v52, v32  }
0x1ba: {  	v55 =	vld.idx.msk [tilespmem:v23+s16+$0x0], $0xffff  }
0x1bb: {  	v32 =	vadd.f32 v53, v32  }
0x1bc: {  	v56 =	vld.idx.msk [tilespmem:v24+s16+$0x0], $0xffff  }
0x1bd: {  	v32 =	vadd.f32 v54, v32  }
0x1be: {  	v57 =	vld.idx.msk [tilespmem:v25+s16+$0x0], $0xffff  }
0x1bf: {  	v32 =	vadd.f32 v55, v32  }
0x1c0: {  	v58 =	vld.idx.msk [tilespmem:v26+s16+$0x0], $0xffff  }
0x1c1: {  	v32 =	vadd.f32 v56, v32  }
0x1c2: {  	v59 =	vld.idx.msk [tilespmem:v27+s16+$0x0], $0xffff  }
0x1c3: {  	v32 =	vadd.f32 v57, v32  }
0x1c4: {  	v60 =	vld.idx.msk [tilespmem:v28+s16+$0x0], $0xffff  }
0x1c5: {  	v32 =	vadd.f32 v58, v32  }
0x1c6: {  	v61 =	vld.idx.msk [tilespmem:v29+s16+$0x0], $0xffff  }
0x1c7: {  	v32 =	vadd.f32 v59, v32  }
0x1c8: {  	v62 =	vld.idx.msk [tilespmem:v30+s16+$0x0], $0xffff  }
0x1c9: {  	v32 =	vadd.f32 v60, v32  }
0x1ca: {  	v63 =	vld.idx.msk [tilespmem:v31+s16+$0x0], $0xffff  }
0x1cb: {  	v32 =	vadd.f32 v61, v32;
	_ =	sdelay $0x1  }
0x1cc: {  	v32 =	vadd.f32 v62, v32;
	_ =	sdelay $0x1  }
0x1cd: {  	v32 =	vadd.f32 v63, v32;
	_ =	sdelay $0x1  }
0x1ce: {  	[tilespmem:$0x1E220] =	vst v32  }
0x1cf: {  	[tilespmem:s13], [sflag:$0x3] =	stream.linear.gather [hbm4b:s7+s3], $0x2000, $0x38;
	[tilespmem:$0x1E270] =	vst v63  }
0x1d0: {  	_ =	swait.ge [sflag:s14], $0x2000  }
0x1d1: {  	s21 =	simm.s32 $0xFFFFFFFE;
	s22 =	simm.s32 $0x880;
	[sflag:s14] =	ssyncset.done $0x0  }
0x1d2: {  	s23 =	simm.s32 $0x1100;
	s24 =	simm.s32 $0x1E080;
	[sflag:s14] =	ssyncadd.s32 $0xFFFFE000  }
.LBB2_6:
0x1d3: {  	s25 =	sadd.s32 $0xFFFFEF00, s23  }
0x1d4: {  	s26 =	sadd.s32 $0xFFFFF780, s22;
	s25 =	sand.u32 $0x800, s25  }
0x1d5: {  	s26 =	sand.u32 $0x300, s26;
	s25 =	sadd.s32 $0x19F70, s25  }
0x1d6: {  	s28 =	sadd.s32 s26, s25  }
0x1d7: {  	v32 =	vld [tilespmem:s28+$0x0];
	_ =	sdelay $0x1  }
0x1d8: {  	v33 =	vld [tilespmem:s28+$0x10];
	_ =	sdelay $0x1  }
0x1d9: {  	v34 =	vld [tilespmem:s28+$0x20];
	_ =	sdelay $0x1  }
0x1da: {  	v35 =	vld [tilespmem:s28+$0x30]  }
0x1db: {  	v36 =	vld [tilespmem:s28+$0x40]  }
0x1dc: {  	v32 =	vld.idx.msk [tilespmem:v32+s11+$0x0], $0xffff  }
0x1dd: {  	v37 =	vld [tilespmem:s28+$0x50]  }
0x1de: {  	v33 =	vld.idx.msk [tilespmem:v33+s11+$0x0], $0xffff  }
0x1df: {  	v38 =	vld [tilespmem:s28+$0x60]  }
0x1e0: {  	v34 =	vld.idx.msk [tilespmem:v34+s11+$0x0], $0xffff  }
0x1e1: {  	v39 =	vld [tilespmem:s28+$0x70];
	v32 =	vadd.f32 $0.0e+00, v32  }
0x1e2: {  	v35 =	vld.idx.msk [tilespmem:v35+s11+$0x0], $0xffff  }
0x1e3: {  	v60 =	vld [tilespmem:s28+$0x400];
	v32 =	vadd.f32 v33, v32  }
0x1e4: {  	v59 =	vld.idx.msk [tilespmem:v36+s11+$0x0], $0xffff  }
0x1e5: {  	v62 =	vld [tilespmem:s28+$0x410];
	v32 =	vadd.f32 v34, v32  }
0x1e6: {  	v61 =	vld.idx.msk [tilespmem:v37+s11+$0x0], $0xffff  }
0x1e7: {  	v42 =	vld [tilespmem:s28+$0x420];
	v32 =	vadd.f32 v35, v32  }
0x1e8: {  	v63 =	vld.idx.msk [tilespmem:v38+s11+$0x0], $0xffff  }
0x1e9: {  	v44 =	vld [tilespmem:s28+$0x430];
	v32 =	vadd.f32 v59, v32  }
0x1ea: {  	v43 =	vld.idx.msk [tilespmem:v39+s11+$0x0], $0xffff  }
0x1eb: {  	v45 =	vld [tilespmem:s28+$0x438];
	v32 =	vadd.f32 v61, v32  }
0x1ec: {  	v36 =	vld.idx.msk [tilespmem:v60+s11+$0x0], $0xffff  }
0x1ed: {  	v32 =	vadd.f32 v63, v32  }
0x1ee: {  	v46 =	vld.idx.msk [tilespmem:v62+s11+$0x0], $0xffff  }
0x1ef: {  	v32 =	vadd.f32 v43, v32  }
0x1f0: {  	v47 =	vld.idx.msk [tilespmem:v42+s11+$0x0], $0xffff  }
0x1f1: {  	v32 =	vadd.f32 v36, v32  }
0x1f2: {  	v48 =	vld.idx.msk [tilespmem:v44+s11+$0x0], $0xffff  }
0x1f3: {  	v34 =	vld.idx.msk [tilespmem:v45+s11+$0x0], $0xffff;
	v32 =	vadd.f32 v46, v32;
	_ =	sdelay $0x1  }
0x1f4: {  	v32 =	vadd.f32 v47, v32;
	_ =	sdelay $0x1  }
0x1f5: {  	v32 =	vadd.f32 v48, v32  }
0x1f6: {  	v49 =	vsel vm0, $0x0, v34  }
0x1f7: {  	s31 =	sadd.s32 $0xFFFFFF00, s23;
	v32 =	vadd.f32 v49, v32  }
0x1f8: {  	s28 =	sand.u32 $0x1800, s31  }
0x1f9: {  	s26 =	sor.u32 s26, s28;
	[tilespmem:s24+$0xFFFFFEF0] =	vst v32  }
0x1fa: {  	v32 =	vld [tilespmem:s26+$0x19F70]  }
0x1fb: {  	s26 =	sadd.s32 $0x19F70, s26  }
0x1fc: {  	v50 =	vld [tilespmem:s26+$0x10];
	_ =	sdelay $0x1  }
0x1fd: {  	v51 =	vld [tilespmem:s26+$0x20];
	_ =	sdelay $0x1  }
0x1fe: {  	v52 =	vld [tilespmem:s26+$0x30]  }
0x1ff: {  	v53 =	vld [tilespmem:s26+$0x40]  }
0x200: {  	v32 =	vld.idx.msk [tilespmem:v32+s11+$0x0], $0xffff  }
0x201: {  	v54 =	vld [tilespmem:s26+$0x50]  }
0x202: {  	v33 =	vld.idx.msk [tilespmem:v50+s11+$0x0], $0xffff  }
0x203: {  	v55 =	vld [tilespmem:s26+$0x60]  }
0x204: {  	v34 =	vld.idx.msk [tilespmem:v51+s11+$0x0], $0xffff  }
0x205: {  	v56 =	vld [tilespmem:s26+$0x70];
	v32 =	vadd.f32 $0.0e+00, v32  }
0x206: {  	v35 =	vld.idx.msk [tilespmem:v52+s11+$0x0], $0xffff  }
0x207: {  	v58 =	vld [tilespmem:s26+$0x400];
	v32 =	vadd.f32 v33, v32  }
0x208: {  	v57 =	vld.idx.msk [tilespmem:v53+s11+$0x0], $0xffff  }
0x209: {  	v60 =	vld [tilespmem:s26+$0x410];
	v32 =	vadd.f32 v34, v32  }
0x20a: {  	v59 =	vld.idx.msk [tilespmem:v54+s11+$0x0], $0xffff  }
0x20b: {  	v62 =	vld [tilespmem:s26+$0x420];
	v32 =	vadd.f32 v35, v32  }
0x20c: {  	v61 =	vld.idx.msk [tilespmem:v55+s11+$0x0], $0xffff  }
0x20d: {  	v42 =	vld [tilespmem:s26+$0x430];
	v32 =	vadd.f32 v57, v32  }
0x20e: {  	v63 =	vld.idx.msk [tilespmem:v56+s11+$0x0], $0xffff  }
0x20f: {  	v43 =	vld [tilespmem:s26+$0x438];
	v32 =	vadd.f32 v59, v32  }
0x210: {  	v36 =	vld.idx.msk [tilespmem:v58+s11+$0x0], $0xffff  }
0x211: {  	v32 =	vadd.f32 v61, v32  }
0x212: {  	v44 =	vld.idx.msk [tilespmem:v60+s11+$0x0], $0xffff  }
0x213: {  	v32 =	vadd.f32 v63, v32  }
0x214: {  	v45 =	vld.idx.msk [tilespmem:v62+s11+$0x0], $0xffff  }
0x215: {  	v32 =	vadd.f32 v36, v32  }
0x216: {  	v46 =	vld.idx.msk [tilespmem:v42+s11+$0x0], $0xffff  }
0x217: {  	v34 =	vld.idx.msk [tilespmem:v43+s11+$0x0], $0xffff;
	v32 =	vadd.f32 v44, v32;
	_ =	sdelay $0x1  }
0x218: {  	v32 =	vadd.f32 v45, v32;
	_ =	sdelay $0x1  }
0x219: {  	v32 =	vadd.f32 v46, v32  }
0x21a: {  	v47 =	vsel vm0, $0x0, v34  }
0x21b: {  	s29 =	sadd.s32 $0xFFFFF800, s22;
	v32 =	vadd.f32 v47, v32  }
0x21c: {  	s26 =	sand.u32 $0x380, s29  }
0x21d: {  	s25 =	sadd.s32 s26, s25;
	[tilespmem:s24+$0x0] =	vst v32  }
0x21e: {  	v32 =	vld [tilespmem:s25+$0x0];
	_ =	sdelay $0x1  }
0x21f: {  	v48 =	vld [tilespmem:s25+$0x10];
	_ =	sdelay $0x1  }
0x220: {  	v49 =	vld [tilespmem:s25+$0x20];
	_ =	sdelay $0x1  }
0x221: {  	v50 =	vld [tilespmem:s25+$0x30]  }
0x222: {  	v51 =	vld [tilespmem:s25+$0x40]  }
0x223: {  	v32 =	vld.idx.msk [tilespmem:v32+s11+$0x0], $0xffff  }
0x224: {  	v52 =	vld [tilespmem:s25+$0x50]  }
0x225: {  	v33 =	vld.idx.msk [tilespmem:v48+s11+$0x0], $0xffff  }
0x226: {  	v53 =	vld [tilespmem:s25+$0x60]  }
0x227: {  	v34 =	vld.idx.msk [tilespmem:v49+s11+$0x0], $0xffff  }
0x228: {  	v54 =	vld [tilespmem:s25+$0x70];
	v32 =	vadd.f32 $0.0e+00, v32  }
0x229: {  	v35 =	vld.idx.msk [tilespmem:v50+s11+$0x0], $0xffff  }
0x22a: {  	v56 =	vld [tilespmem:s25+$0x400];
	v32 =	vadd.f32 v33, v32  }
0x22b: {  	v55 =	vld.idx.msk [tilespmem:v51+s11+$0x0], $0xffff  }
0x22c: {  	v58 =	vld [tilespmem:s25+$0x410];
	v32 =	vadd.f32 v34, v32  }
0x22d: {  	v57 =	vld.idx.msk [tilespmem:v52+s11+$0x0], $0xffff  }
0x22e: {  	v60 =	vld [tilespmem:s25+$0x420];
	v32 =	vadd.f32 v35, v32  }
0x22f: {  	v59 =	vld.idx.msk [tilespmem:v53+s11+$0x0], $0xffff  }
0x230: {  	v62 =	vld [tilespmem:s25+$0x430];
	v32 =	vadd.f32 v55, v32  }
0x231: {  	v61 =	vld.idx.msk [tilespmem:v54+s11+$0x0], $0xffff  }
0x232: {  	v63 =	vld [tilespmem:s25+$0x438];
	v32 =	vadd.f32 v57, v32  }
0x233: {  	v36 =	vld.idx.msk [tilespmem:v56+s11+$0x0], $0xffff  }
0x234: {  	v32 =	vadd.f32 v59, v32  }
0x235: {  	v40 =	vld.idx.msk [tilespmem:v58+s11+$0x0], $0xffff  }
0x236: {  	v32 =	vadd.f32 v61, v32  }
0x237: {  	v41 =	vld.idx.msk [tilespmem:v60+s11+$0x0], $0xffff  }
0x238: {  	v32 =	vadd.f32 v36, v32  }
0x239: {  	v42 =	vld.idx.msk [tilespmem:v62+s11+$0x0], $0xffff  }
0x23a: {  	v34 =	vld.idx.msk [tilespmem:v63+s11+$0x0], $0xffff;
	v32 =	vadd.f32 v40, v32;
	_ =	sdelay $0x1  }
0x23b: {  	v32 =	vadd.f32 v41, v32;
	_ =	sdelay $0x1  }
0x23c: {  	v32 =	vadd.f32 v42, v32  }
0x23d: {  	v43 =	vsel vm0, $0x0, v34  }
0x23e: {  	v32 =	vadd.f32 v43, v32  }
0x23f: {  	s30 =	sand.u32 $0x1800, s23;
	s31 =	sand.u32 $0x380, s22  }
0x240: {  	s25 =	sor.u32 s31, s30;
	[tilespmem:s24+$0xFFFFFF01] =	vst v32  }
0x241: {  	v32 =	vld [tilespmem:s25+$0x19F70]  }
0x242: {  	s25 =	sadd.s32 $0x19F70, s25  }
0x243: {  	v44 =	vld [tilespmem:s25+$0x10];
	_ =	sdelay $0x1  }
0x244: {  	v45 =	vld [tilespmem:s25+$0x20];
	_ =	sdelay $0x1  }
0x245: {  	v46 =	vld [tilespmem:s25+$0x30]  }
0x246: {  	v47 =	vld [tilespmem:s25+$0x40]  }
0x247: {  	v32 =	vld.idx.msk [tilespmem:v32+s11+$0x0], $0xffff  }
0x248: {  	v48 =	vld [tilespmem:s25+$0x50]  }
0x249: {  	v33 =	vld.idx.msk [tilespmem:v44+s11+$0x0], $0xffff  }
0x24a: {  	v49 =	vld [tilespmem:s25+$0x60]  }
0x24b: {  	v34 =	vld.idx.msk [tilespmem:v45+s11+$0x0], $0xffff  }
0x24c: {  	v50 =	vld [tilespmem:s25+$0x70];
	v32 =	vadd.f32 $0.0e+00, v32  }
0x24d: {  	v35 =	vld.idx.msk [tilespmem:v46+s11+$0x0], $0xffff  }
0x24e: {  	v52 =	vld [tilespmem:s25+$0x400];
	v32 =	vadd.f32 v33, v32  }
0x24f: {  	v51 =	vld.idx.msk [tilespmem:v47+s11+$0x0], $0xffff  }
0x250: {  	v54 =	vld [tilespmem:s25+$0x410];
	v32 =	vadd.f32 v34, v32  }
0x251: {  	v53 =	vld.idx.msk [tilespmem:v48+s11+$0x0], $0xffff  }
0x252: {  	v56 =	vld [tilespmem:s25+$0x420];
	v32 =	vadd.f32 v35, v32  }
0x253: {  	v55 =	vld.idx.msk [tilespmem:v49+s11+$0x0], $0xffff  }
0x254: {  	v58 =	vld [tilespmem:s25+$0x430];
	v32 =	vadd.f32 v51, v32  }
0x255: {  	v57 =	vld.idx.msk [tilespmem:v50+s11+$0x0], $0xffff  }
0x256: {  	v59 =	vld [tilespmem:s25+$0x438];
	v32 =	vadd.f32 v53, v32  }
0x257: {  	v36 =	vld.idx.msk [tilespmem:v52+s11+$0x0], $0xffff  }
0x258: {  	v32 =	vadd.f32 v55, v32  }
0x259: {  	v60 =	vld.idx.msk [tilespmem:v54+s11+$0x0], $0xffff  }
0x25a: {  	v32 =	vadd.f32 v57, v32  }
0x25b: {  	v61 =	vld.idx.msk [tilespmem:v56+s11+$0x0], $0xffff  }
0x25c: {  	v32 =	vadd.f32 v36, v32  }
0x25d: {  	v62 =	vld.idx.msk [tilespmem:v58+s11+$0x0], $0xffff  }
0x25e: {  	v34 =	vld.idx.msk [tilespmem:v59+s11+$0x0], $0xffff;
	v32 =	vadd.f32 v60, v32;
	_ =	sdelay $0x1  }
0x25f: {  	s21 =	sadd.s32 $0x2, s21;
	v32 =	vadd.f32 v61, v32  }
0x260: {  	p1 =	slt.u32 s21, $0xE  }
.Ltmp2:
0x261: {  	v32 =	vadd.f32 v62, v32;
	(pc) =	sbr.rel @p1 .LBB2_6-.Ltmp2, $3  }
0x262: {  	v63 =	vsel vm0, $0x0, v34  }
0x263: {  	v32 =	vadd.f32 v63, v32;
	_ =	sdelay $0x1  }
0x264: {  	s23 =	sadd.s32 $0x200, s23;
	s22 =	sadd.s32 $0x100, s22;
	[tilespmem:s24+$0x11] =	vst v32;
	s24 =	sadd.s32 $0x22, s24  }
0x265: {  	_ =	sdelay $0x3  }
0x266: {  	v32 =	vld.idx.msk [tilespmem:v0+s16+$0x0], $0xffff;
	_ =	sdelay $0x1  }
0x267: {  	v33 =	vld.idx.msk [tilespmem:v1+s16+$0x0], $0xffff;
	_ =	sdelay $0x1  }
0x268: {  	v34 =	vld.idx.msk [tilespmem:v2+s16+$0x0], $0xffff  }
0x269: {  	v32 =	vadd.f32 $0.0e+00, v32  }
0x26a: {  	v35 =	vld.idx.msk [tilespmem:v3+s16+$0x0], $0xffff  }
0x26b: {  	v32 =	vadd.f32 v33, v32  }
0x26c: {  	v37 =	vld.idx.msk [tilespmem:v4+s16+$0x0], $0xffff  }
0x26d: {  	v32 =	vadd.f32 v34, v32  }
0x26e: {  	v38 =	vld.idx.msk [tilespmem:v5+s16+$0x0], $0xffff  }
0x26f: {  	v32 =	vadd.f32 v35, v32  }
0x270: {  	v39 =	vld.idx.msk [tilespmem:v6+s16+$0x0], $0xffff  }
0x271: {  	v32 =	vadd.f32 v37, v32  }
0x272: {  	v40 =	vld.idx.msk [tilespmem:v7+s16+$0x0], $0xffff  }
0x273: {  	v32 =	vadd.f32 v38, v32  }
0x274: {  	v41 =	vld.idx.msk [tilespmem:v8+s16+$0x0], $0xffff  }
0x275: {  	v32 =	vadd.f32 v39, v32  }
0x276: {  	v42 =	vld.idx.msk [tilespmem:v9+s16+$0x0], $0xffff  }
0x277: {  	v32 =	vadd.f32 v40, v32  }
0x278: {  	v43 =	vld.idx.msk [tilespmem:v10+s16+$0x0], $0xffff  }
0x279: {  	v32 =	vadd.f32 v41, v32  }
0x27a: {  	v44 =	vld.idx.msk [tilespmem:v11+s16+$0x0], $0xffff  }
0x27b: {  	v32 =	vadd.f32 v42, v32  }
0x27c: {  	v45 =	vld.idx.msk [tilespmem:v12+s16+$0x0], $0xffff  }
0x27d: {  	v32 =	vadd.f32 v43, v32  }
0x27e: {  	v46 =	vld.idx.msk [tilespmem:v13+s16+$0x0], $0xffff  }
0x27f: {  	v32 =	vadd.f32 v44, v32  }
0x280: {  	v47 =	vld.idx.msk [tilespmem:v14+s16+$0x0], $0xffff  }
0x281: {  	v32 =	vadd.f32 v45, v32  }
0x282: {  	v48 =	vld.idx.msk [tilespmem:v15+s16+$0x0], $0xffff  }
0x283: {  	v32 =	vadd.f32 v46, v32;
	_ =	sdelay $0x1  }
0x284: {  	v32 =	vadd.f32 v47, v32;
	_ =	sdelay $0x1  }
0x285: {  	v32 =	vadd.f32 v48, v32;
	_ =	sdelay $0x1  }
0x286: {  	[tilespmem:$0x1E230] =	vst v32  }
0x287: {  	v32 =	vld.idx.msk [tilespmem:v16+s16+$0x0], $0xffff;
	_ =	sdelay $0x1  }
0x288: {  	v49 =	vld.idx.msk [tilespmem:v17+s16+$0x0], $0xffff;
	_ =	sdelay $0x1  }
0x289: {  	v50 =	vld.idx.msk [tilespmem:v18+s16+$0x0], $0xffff  }
0x28a: {  	v32 =	vadd.f32 $0.0e+00, v32  }
0x28b: {  	v51 =	vld.idx.msk [tilespmem:v19+s16+$0x0], $0xffff  }
0x28c: {  	v32 =	vadd.f32 v49, v32  }
0x28d: {  	v52 =	vld.idx.msk [tilespmem:v20+s16+$0x0], $0xffff  }
0x28e: {  	v32 =	vadd.f32 v50, v32  }
0x28f: {  	v53 =	vld.idx.msk [tilespmem:v21+s16+$0x0], $0xffff  }
0x290: {  	v32 =	vadd.f32 v51, v32  }
0x291: {  	v54 =	vld.idx.msk [tilespmem:v22+s16+$0x0], $0xffff  }
0x292: {  	v32 =	vadd.f32 v52, v32  }
0x293: {  	v55 =	vld.idx.msk [tilespmem:v23+s16+$0x0], $0xffff  }
0x294: {  	v32 =	vadd.f32 v53, v32  }
0x295: {  	v56 =	vld.idx.msk [tilespmem:v24+s16+$0x0], $0xffff  }
0x296: {  	v32 =	vadd.f32 v54, v32  }
0x297: {  	v57 =	vld.idx.msk [tilespmem:v25+s16+$0x0], $0xffff  }
0x298: {  	v32 =	vadd.f32 v55, v32  }
0x299: {  	v58 =	vld.idx.msk [tilespmem:v26+s16+$0x0], $0xffff  }
0x29a: {  	v32 =	vadd.f32 v56, v32  }
0x29b: {  	v59 =	vld.idx.msk [tilespmem:v27+s16+$0x0], $0xffff  }
0x29c: {  	v32 =	vadd.f32 v57, v32  }
0x29d: {  	v60 =	vld.idx.msk [tilespmem:v28+s16+$0x0], $0xffff  }
0x29e: {  	v32 =	vadd.f32 v58, v32  }
0x29f: {  	v61 =	vld.idx.msk [tilespmem:v29+s16+$0x0], $0xffff  }
0x2a0: {  	v32 =	vadd.f32 v59, v32  }
0x2a1: {  	v62 =	vld.idx.msk [tilespmem:v30+s16+$0x0], $0xffff  }
0x2a2: {  	v32 =	vadd.f32 v60, v32  }
0x2a3: {  	v63 =	vld.idx.msk [tilespmem:v31+s16+$0x0], $0xffff  }
0x2a4: {  	v32 =	vadd.f32 v61, v32;
	_ =	sdelay $0x1  }
0x2a5: {  	v32 =	vadd.f32 v62, v32;
	_ =	sdelay $0x1  }
0x2a6: {  	v32 =	vadd.f32 v63, v32;
	_ =	sdelay $0x1  }
0x2a7: {  	[tilespmem:$0x1E240] =	vst v32  }
0x2a8: {  	_ =	swait.ge [sflag:s17], $0x2000  }
0x2a9: {  	s21 =	simm.s32 $0xFFFFFFFE;
	s22 =	simm.s32 $0x880;
	[sflag:s17] =	ssyncset.done $0x0  }
0x2aa: {  	s23 =	simm.s32 $0x1100;
	s24 =	simm.s32 $0x1E080;
	[sflag:s17] =	ssyncadd.s32 $0xFFFFE000  }
.LBB2_8:
0x2ab: {  	s25 =	sadd.s32 $0xFFFFEF00, s23  }
0x2ac: {  	s26 =	sadd.s32 $0xFFFFF780, s22;
	s25 =	sand.u32 $0x800, s25  }
0x2ad: {  	s26 =	sand.u32 $0x300, s26;
	s25 =	sadd.s32 $0x1BF70, s25  }
0x2ae: {  	s28 =	sadd.s32 s26, s25  }
0x2af: {  	v32 =	vld [tilespmem:s28+$0x0];
	_ =	sdelay $0x1  }
0x2b0: {  	v33 =	vld [tilespmem:s28+$0x10];
	_ =	sdelay $0x1  }
0x2b1: {  	v34 =	vld [tilespmem:s28+$0x20];
	_ =	sdelay $0x1  }
0x2b2: {  	v35 =	vld [tilespmem:s28+$0x30]  }
0x2b3: {  	v36 =	vld [tilespmem:s28+$0x40]  }
0x2b4: {  	v32 =	vld.idx.msk [tilespmem:v32+s11+$0x0], $0xffff  }
0x2b5: {  	v37 =	vld [tilespmem:s28+$0x50]  }
0x2b6: {  	v33 =	vld.idx.msk [tilespmem:v33+s11+$0x0], $0xffff  }
0x2b7: {  	v38 =	vld [tilespmem:s28+$0x60]  }
0x2b8: {  	v34 =	vld.idx.msk [tilespmem:v34+s11+$0x0], $0xffff  }
0x2b9: {  	v39 =	vld [tilespmem:s28+$0x70];
	v32 =	vadd.f32 $0.0e+00, v32  }
0x2ba: {  	v35 =	vld.idx.msk [tilespmem:v35+s11+$0x0], $0xffff  }
0x2bb: {  	v60 =	vld [tilespmem:s28+$0x400];
	v32 =	vadd.f32 v33, v32  }
0x2bc: {  	v59 =	vld.idx.msk [tilespmem:v36+s11+$0x0], $0xffff  }
0x2bd: {  	v62 =	vld [tilespmem:s28+$0x410];
	v32 =	vadd.f32 v34, v32  }
0x2be: {  	v61 =	vld.idx.msk [tilespmem:v37+s11+$0x0], $0xffff  }
0x2bf: {  	v42 =	vld [tilespmem:s28+$0x420];
	v32 =	vadd.f32 v35, v32  }
0x2c0: {  	v63 =	vld.idx.msk [tilespmem:v38+s11+$0x0], $0xffff  }
0x2c1: {  	v44 =	vld [tilespmem:s28+$0x430];
	v32 =	vadd.f32 v59, v32  }
0x2c2: {  	v43 =	vld.idx.msk [tilespmem:v39+s11+$0x0], $0xffff  }
0x2c3: {  	v45 =	vld [tilespmem:s28+$0x438];
	v32 =	vadd.f32 v61, v32  }
0x2c4: {  	v36 =	vld.idx.msk [tilespmem:v60+s11+$0x0], $0xffff  }
0x2c5: {  	v32 =	vadd.f32 v63, v32  }
0x2c6: {  	v46 =	vld.idx.msk [tilespmem:v62+s11+$0x0], $0xffff  }
0x2c7: {  	v32 =	vadd.f32 v43, v32  }
0x2c8: {  	v47 =	vld.idx.msk [tilespmem:v42+s11+$0x0], $0xffff  }
0x2c9: {  	v32 =	vadd.f32 v36, v32  }
0x2ca: {  	v48 =	vld.idx.msk [tilespmem:v44+s11+$0x0], $0xffff  }
0x2cb: {  	v34 =	vld.idx.msk [tilespmem:v45+s11+$0x0], $0xffff;
	v32 =	vadd.f32 v46, v32;
	_ =	sdelay $0x1  }
0x2cc: {  	v32 =	vadd.f32 v47, v32;
	_ =	sdelay $0x1  }
0x2cd: {  	v32 =	vadd.f32 v48, v32  }
0x2ce: {  	v49 =	vsel vm0, $0x0, v34  }
0x2cf: {  	s31 =	sadd.s32 $0xFFFFFF00, s23;
	v32 =	vadd.f32 v49, v32  }
0x2d0: {  	s28 =	sand.u32 $0x1800, s31  }
0x2d1: {  	s26 =	sor.u32 s26, s28;
	[tilespmem:s24+$0xFFFFFEF0] =	vst v32  }
0x2d2: {  	v32 =	vld [tilespmem:s26+$0x1BF70]  }
0x2d3: {  	s26 =	sadd.s32 $0x1BF70, s26  }
0x2d4: {  	v50 =	vld [tilespmem:s26+$0x10];
	_ =	sdelay $0x1  }
0x2d5: {  	v51 =	vld [tilespmem:s26+$0x20];
	_ =	sdelay $0x1  }
0x2d6: {  	v52 =	vld [tilespmem:s26+$0x30]  }
0x2d7: {  	v53 =	vld [tilespmem:s26+$0x40]  }
0x2d8: {  	v32 =	vld.idx.msk [tilespmem:v32+s11+$0x0], $0xffff  }
0x2d9: {  	v54 =	vld [tilespmem:s26+$0x50]  }
0x2da: {  	v33 =	vld.idx.msk [tilespmem:v50+s11+$0x0], $0xffff  }
0x2db: {  	v55 =	vld [tilespmem:s26+$0x60]  }
0x2dc: {  	v34 =	vld.idx.msk [tilespmem:v51+s11+$0x0], $0xffff  }
0x2dd: {  	v56 =	vld [tilespmem:s26+$0x70];
	v32 =	vadd.f32 $0.0e+00, v32  }
0x2de: {  	v35 =	vld.idx.msk [tilespmem:v52+s11+$0x0], $0xffff  }
0x2df: {  	v58 =	vld [tilespmem:s26+$0x400];
	v32 =	vadd.f32 v33, v32  }
0x2e0: {  	v57 =	vld.idx.msk [tilespmem:v53+s11+$0x0], $0xffff  }
0x2e1: {  	v60 =	vld [tilespmem:s26+$0x410];
	v32 =	vadd.f32 v34, v32  }
0x2e2: {  	v59 =	vld.idx.msk [tilespmem:v54+s11+$0x0], $0xffff  }
0x2e3: {  	v62 =	vld [tilespmem:s26+$0x420];
	v32 =	vadd.f32 v35, v32  }
0x2e4: {  	v61 =	vld.idx.msk [tilespmem:v55+s11+$0x0], $0xffff  }
0x2e5: {  	v42 =	vld [tilespmem:s26+$0x430];
	v32 =	vadd.f32 v57, v32  }
0x2e6: {  	v63 =	vld.idx.msk [tilespmem:v56+s11+$0x0], $0xffff  }
0x2e7: {  	v43 =	vld [tilespmem:s26+$0x438];
	v32 =	vadd.f32 v59, v32  }
0x2e8: {  	v36 =	vld.idx.msk [tilespmem:v58+s11+$0x0], $0xffff  }
0x2e9: {  	v32 =	vadd.f32 v61, v32  }
0x2ea: {  	v44 =	vld.idx.msk [tilespmem:v60+s11+$0x0], $0xffff  }
0x2eb: {  	v32 =	vadd.f32 v63, v32  }
0x2ec: {  	v45 =	vld.idx.msk [tilespmem:v62+s11+$0x0], $0xffff  }
0x2ed: {  	v32 =	vadd.f32 v36, v32  }
0x2ee: {  	v46 =	vld.idx.msk [tilespmem:v42+s11+$0x0], $0xffff  }
0x2ef: {  	v34 =	vld.idx.msk [tilespmem:v43+s11+$0x0], $0xffff;
	v32 =	vadd.f32 v44, v32;
	_ =	sdelay $0x1  }
0x2f0: {  	v32 =	vadd.f32 v45, v32;
	_ =	sdelay $0x1  }
0x2f1: {  	v32 =	vadd.f32 v46, v32  }
0x2f2: {  	v47 =	vsel vm0, $0x0, v34  }
0x2f3: {  	s29 =	sadd.s32 $0xFFFFF800, s22;
	v32 =	vadd.f32 v47, v32  }
0x2f4: {  	s26 =	sand.u32 $0x380, s29  }
0x2f5: {  	s25 =	sadd.s32 s26, s25;
	[tilespmem:s24+$0x0] =	vst v32  }
0x2f6: {  	v32 =	vld [tilespmem:s25+$0x0];
	_ =	sdelay $0x1  }
0x2f7: {  	v48 =	vld [tilespmem:s25+$0x10];
	_ =	sdelay $0x1  }
0x2f8: {  	v49 =	vld [tilespmem:s25+$0x20];
	_ =	sdelay $0x1  }
0x2f9: {  	v50 =	vld [tilespmem:s25+$0x30]  }
0x2fa: {  	v51 =	vld [tilespmem:s25+$0x40]  }
0x2fb: {  	v32 =	vld.idx.msk [tilespmem:v32+s11+$0x0], $0xffff  }
0x2fc: {  	v52 =	vld [tilespmem:s25+$0x50]  }
0x2fd: {  	v33 =	vld.idx.msk [tilespmem:v48+s11+$0x0], $0xffff  }
0x2fe: {  	v53 =	vld [tilespmem:s25+$0x60]  }
0x2ff: {  	v34 =	vld.idx.msk [tilespmem:v49+s11+$0x0], $0xffff  }
0x300: {  	v54 =	vld [tilespmem:s25+$0x70];
	v32 =	vadd.f32 $0.0e+00, v32  }
0x301: {  	v35 =	vld.idx.msk [tilespmem:v50+s11+$0x0], $0xffff  }
0x302: {  	v56 =	vld [tilespmem:s25+$0x400];
	v32 =	vadd.f32 v33, v32  }
0x303: {  	v55 =	vld.idx.msk [tilespmem:v51+s11+$0x0], $0xffff  }
0x304: {  	v58 =	vld [tilespmem:s25+$0x410];
	v32 =	vadd.f32 v34, v32  }
0x305: {  	v57 =	vld.idx.msk [tilespmem:v52+s11+$0x0], $0xffff  }
0x306: {  	v60 =	vld [tilespmem:s25+$0x420];
	v32 =	vadd.f32 v35, v32  }
0x307: {  	v59 =	vld.idx.msk [tilespmem:v53+s11+$0x0], $0xffff  }
0x308: {  	v62 =	vld [tilespmem:s25+$0x430];
	v32 =	vadd.f32 v55, v32  }
0x309: {  	v61 =	vld.idx.msk [tilespmem:v54+s11+$0x0], $0xffff  }
0x30a: {  	v63 =	vld [tilespmem:s25+$0x438];
	v32 =	vadd.f32 v57, v32  }
0x30b: {  	v36 =	vld.idx.msk [tilespmem:v56+s11+$0x0], $0xffff  }
0x30c: {  	v32 =	vadd.f32 v59, v32  }
0x30d: {  	v40 =	vld.idx.msk [tilespmem:v58+s11+$0x0], $0xffff  }
0x30e: {  	v32 =	vadd.f32 v61, v32  }
0x30f: {  	v41 =	vld.idx.msk [tilespmem:v60+s11+$0x0], $0xffff  }
0x310: {  	v32 =	vadd.f32 v36, v32  }
0x311: {  	v42 =	vld.idx.msk [tilespmem:v62+s11+$0x0], $0xffff  }
0x312: {  	v34 =	vld.idx.msk [tilespmem:v63+s11+$0x0], $0xffff;
	v32 =	vadd.f32 v40, v32;
	_ =	sdelay $0x1  }
0x313: {  	v32 =	vadd.f32 v41, v32;
	_ =	sdelay $0x1  }
0x314: {  	v32 =	vadd.f32 v42, v32  }
0x315: {  	v43 =	vsel vm0, $0x0, v34  }
0x316: {  	v32 =	vadd.f32 v43, v32  }
0x317: {  	s30 =	sand.u32 $0x1800, s23;
	s31 =	sand.u32 $0x380, s22  }
0x318: {  	s25 =	sor.u32 s31, s30;
	[tilespmem:s24+$0xFFFFFF01] =	vst v32  }
0x319: {  	v32 =	vld [tilespmem:s25+$0x1BF70]  }
0x31a: {  	s25 =	sadd.s32 $0x1BF70, s25  }
0x31b: {  	v44 =	vld [tilespmem:s25+$0x10];
	_ =	sdelay $0x1  }
0x31c: {  	v45 =	vld [tilespmem:s25+$0x20];
	_ =	sdelay $0x1  }
0x31d: {  	v46 =	vld [tilespmem:s25+$0x30]  }
0x31e: {  	v47 =	vld [tilespmem:s25+$0x40]  }
0x31f: {  	v32 =	vld.idx.msk [tilespmem:v32+s11+$0x0], $0xffff  }
0x320: {  	v48 =	vld [tilespmem:s25+$0x50]  }
0x321: {  	v33 =	vld.idx.msk [tilespmem:v44+s11+$0x0], $0xffff  }
0x322: {  	v49 =	vld [tilespmem:s25+$0x60]  }
0x323: {  	v34 =	vld.idx.msk [tilespmem:v45+s11+$0x0], $0xffff  }
0x324: {  	v50 =	vld [tilespmem:s25+$0x70];
	v32 =	vadd.f32 $0.0e+00, v32  }
0x325: {  	v35 =	vld.idx.msk [tilespmem:v46+s11+$0x0], $0xffff  }
0x326: {  	v52 =	vld [tilespmem:s25+$0x400];
	v32 =	vadd.f32 v33, v32  }
0x327: {  	v51 =	vld.idx.msk [tilespmem:v47+s11+$0x0], $0xffff  }
0x328: {  	v54 =	vld [tilespmem:s25+$0x410];
	v32 =	vadd.f32 v34, v32  }
0x329: {  	v53 =	vld.idx.msk [tilespmem:v48+s11+$0x0], $0xffff  }
0x32a: {  	v56 =	vld [tilespmem:s25+$0x420];
	v32 =	vadd.f32 v35, v32  }
0x32b: {  	v55 =	vld.idx.msk [tilespmem:v49+s11+$0x0], $0xffff  }
0x32c: {  	v58 =	vld [tilespmem:s25+$0x430];
	v32 =	vadd.f32 v51, v32  }
0x32d: {  	v57 =	vld.idx.msk [tilespmem:v50+s11+$0x0], $0xffff  }
0x32e: {  	v59 =	vld [tilespmem:s25+$0x438];
	v32 =	vadd.f32 v53, v32  }
0x32f: {  	v36 =	vld.idx.msk [tilespmem:v52+s11+$0x0], $0xffff  }
0x330: {  	v32 =	vadd.f32 v55, v32  }
0x331: {  	v60 =	vld.idx.msk [tilespmem:v54+s11+$0x0], $0xffff  }
0x332: {  	v32 =	vadd.f32 v57, v32  }
0x333: {  	v61 =	vld.idx.msk [tilespmem:v56+s11+$0x0], $0xffff  }
0x334: {  	v32 =	vadd.f32 v36, v32  }
0x335: {  	v62 =	vld.idx.msk [tilespmem:v58+s11+$0x0], $0xffff  }
0x336: {  	v34 =	vld.idx.msk [tilespmem:v59+s11+$0x0], $0xffff;
	v32 =	vadd.f32 v60, v32;
	_ =	sdelay $0x1  }
0x337: {  	s21 =	sadd.s32 $0x2, s21;
	v32 =	vadd.f32 v61, v32  }
0x338: {  	p1 =	slt.u32 s21, $0xE  }
.Ltmp3:
0x339: {  	v32 =	vadd.f32 v62, v32;
	(pc) =	sbr.rel @p1 .LBB2_8-.Ltmp3, $3  }
0x33a: {  	v63 =	vsel vm0, $0x0, v34  }
0x33b: {  	v32 =	vadd.f32 v63, v32;
	_ =	sdelay $0x1  }
0x33c: {  	s23 =	sadd.s32 $0x200, s23;
	s22 =	sadd.s32 $0x100, s22;
	[tilespmem:s24+$0x11] =	vst v32;
	s24 =	sadd.s32 $0x22, s24  }
0x33d: {  	_ =	sdelay $0x3  }
0x33e: {  	v32 =	vld.idx.msk [tilespmem:v0+s16+$0x0], $0xffff;
	_ =	sdelay $0x1  }
0x33f: {  	v33 =	vld.idx.msk [tilespmem:v1+s16+$0x0], $0xffff;
	_ =	sdelay $0x1  }
0x340: {  	v34 =	vld.idx.msk [tilespmem:v2+s16+$0x0], $0xffff  }
0x341: {  	v32 =	vadd.f32 $0.0e+00, v32  }
0x342: {  	v35 =	vld.idx.msk [tilespmem:v3+s16+$0x0], $0xffff  }
0x343: {  	v32 =	vadd.f32 v33, v32  }
0x344: {  	v37 =	vld.idx.msk [tilespmem:v4+s16+$0x0], $0xffff  }
0x345: {  	v32 =	vadd.f32 v34, v32  }
0x346: {  	v38 =	vld.idx.msk [tilespmem:v5+s16+$0x0], $0xffff  }
0x347: {  	v32 =	vadd.f32 v35, v32  }
0x348: {  	v39 =	vld.idx.msk [tilespmem:v6+s16+$0x0], $0xffff  }
0x349: {  	v32 =	vadd.f32 v37, v32  }
0x34a: {  	v40 =	vld.idx.msk [tilespmem:v7+s16+$0x0], $0xffff  }
0x34b: {  	v32 =	vadd.f32 v38, v32  }
0x34c: {  	v41 =	vld.idx.msk [tilespmem:v8+s16+$0x0], $0xffff  }
0x34d: {  	v32 =	vadd.f32 v39, v32  }
0x34e: {  	v42 =	vld.idx.msk [tilespmem:v9+s16+$0x0], $0xffff  }
0x34f: {  	v32 =	vadd.f32 v40, v32  }
0x350: {  	v43 =	vld.idx.msk [tilespmem:v10+s16+$0x0], $0xffff  }
0x351: {  	v32 =	vadd.f32 v41, v32  }
0x352: {  	v44 =	vld.idx.msk [tilespmem:v11+s16+$0x0], $0xffff  }
0x353: {  	v32 =	vadd.f32 v42, v32  }
0x354: {  	v45 =	vld.idx.msk [tilespmem:v12+s16+$0x0], $0xffff  }
0x355: {  	v32 =	vadd.f32 v43, v32  }
0x356: {  	v46 =	vld.idx.msk [tilespmem:v13+s16+$0x0], $0xffff  }
0x357: {  	v32 =	vadd.f32 v44, v32  }
0x358: {  	v47 =	vld.idx.msk [tilespmem:v14+s16+$0x0], $0xffff  }
0x359: {  	v32 =	vadd.f32 v45, v32  }
0x35a: {  	v48 =	vld.idx.msk [tilespmem:v15+s16+$0x0], $0xffff  }
0x35b: {  	v32 =	vadd.f32 v46, v32;
	_ =	sdelay $0x1  }
0x35c: {  	v32 =	vadd.f32 v47, v32;
	_ =	sdelay $0x1  }
0x35d: {  	v32 =	vadd.f32 v48, v32;
	_ =	sdelay $0x1  }
0x35e: {  	[tilespmem:$0x1E250] =	vst v32  }
0x35f: {  	v32 =	vld.idx.msk [tilespmem:v16+s16+$0x0], $0xffff;
	_ =	sdelay $0x1  }
0x360: {  	v49 =	vld.idx.msk [tilespmem:v17+s16+$0x0], $0xffff;
	_ =	sdelay $0x1  }
0x361: {  	v50 =	vld.idx.msk [tilespmem:v18+s16+$0x0], $0xffff  }
0x362: {  	v32 =	vadd.f32 $0.0e+00, v32  }
0x363: {  	v51 =	vld.idx.msk [tilespmem:v19+s16+$0x0], $0xffff  }
0x364: {  	v32 =	vadd.f32 v49, v32  }
0x365: {  	v52 =	vld.idx.msk [tilespmem:v20+s16+$0x0], $0xffff  }
0x366: {  	v32 =	vadd.f32 v50, v32  }
0x367: {  	v53 =	vld.idx.msk [tilespmem:v21+s16+$0x0], $0xffff  }
0x368: {  	v32 =	vadd.f32 v51, v32  }
0x369: {  	v54 =	vld.idx.msk [tilespmem:v22+s16+$0x0], $0xffff  }
0x36a: {  	v32 =	vadd.f32 v52, v32  }
0x36b: {  	v55 =	vld.idx.msk [tilespmem:v23+s16+$0x0], $0xffff  }
0x36c: {  	v32 =	vadd.f32 v53, v32  }
0x36d: {  	v56 =	vld.idx.msk [tilespmem:v24+s16+$0x0], $0xffff  }
0x36e: {  	v32 =	vadd.f32 v54, v32  }
0x36f: {  	v57 =	vld.idx.msk [tilespmem:v25+s16+$0x0], $0xffff  }
0x370: {  	v32 =	vadd.f32 v55, v32  }
0x371: {  	v58 =	vld.idx.msk [tilespmem:v26+s16+$0x0], $0xffff  }
0x372: {  	v32 =	vadd.f32 v56, v32  }
0x373: {  	v59 =	vld.idx.msk [tilespmem:v27+s16+$0x0], $0xffff  }
0x374: {  	v32 =	vadd.f32 v57, v32  }
0x375: {  	v60 =	vld.idx.msk [tilespmem:v28+s16+$0x0], $0xffff  }
0x376: {  	v32 =	vadd.f32 v58, v32  }
0x377: {  	v61 =	vld.idx.msk [tilespmem:v29+s16+$0x0], $0xffff  }
0x378: {  	v32 =	vadd.f32 v59, v32  }
0x379: {  	v62 =	vld.idx.msk [tilespmem:v30+s16+$0x0], $0xffff  }
0x37a: {  	v32 =	vadd.f32 v60, v32  }
0x37b: {  	v63 =	vld.idx.msk [tilespmem:v31+s16+$0x0], $0xffff  }
0x37c: {  	v32 =	vadd.f32 v61, v32;
	_ =	sdelay $0x1  }
0x37d: {  	v32 =	vadd.f32 v62, v32;
	_ =	sdelay $0x1  }
0x37e: {  	s20 =	sadd.s32 $0x1, s20;
	v32 =	vadd.f32 v63, v32  }
0x37f: {  	p1 =	sne.s32 s20, s9  }
.Ltmp4:
0x380: {  	[tilespmem:$0x1E260] =	vst v32;
	(pc) =	sbr.rel @p1 .LBB2_1-.Ltmp4, $4  }
0x381: {  	[hbm4b:s8+s3] =	stream.linear.scatter [tilespmem:s18], [sflag:$0x4], $0x80, $0x38;
	[tilespmem:$0x1E270] =	vst v63  }
0x382: {  	_ =	swait.ge [sflag:s19], $0x80  }
0x383: {  	[sflag:s19] =	ssyncset.done $0x0  }
0x384: {  	[sflag:s19] =	ssyncadd.s32 $0xFFFFFF80  }
0x385: {  	_ =	sfence.sel $0x180000  }
0x386: {  	[bflag:$0x0] =	sbarrier.arrive $0xFFFF  }
0x387: {  	_ =	strace $0x90000047  }
0x388: {  	s0 =	sadd.s32 @!p0 $0x100000, s1;
	[bflag:$0x2] =	sbarrier.arrive $0xFFFF  }
0x389: {  	[sflag:s0] =	ssyncadd.tile.s32 @!p0 $0x1;
	_ =	shalt  }
.Lfunc_end2:
_tile_overlayer_lowered:
.L_overlay_start_2:
0x38a: {  	(tag) =	ssettag $0x2  }
0x38b: {  	s0 =	rddreg [dreg:$0x0];
	s2 =	stileid.u32  }
0x38c: {  	s1 =	rddreg [dreg:$0x1];
	p0 =	sne.s32 s2, $0x0  }
0x38d: {  	s3 =	rddreg [dreg:$0x2];
	[bflag:$0x3] =	sbarrier.arrive $0xFFFF;
	s2 =	simm.s32 @!p0 $0x1C04  }
0x38e: {  	[timem:s3], [sflag:s2] =	dma.local @!p0 [hbm:s0], s1  }
0x38f: {  	s0 =	simm.s32 @!p0 $0x4  }
0x390: {  	_ =	swait.ge @!p0 [sflag:s0], s1  }
0x391: {  	s1 =	ssub.s32 @!p0 $0x0, s1;
	[sflag:s0] =	ssyncset.done @!p0 $0x0  }
0x392: {  	[sflag:s0] =	ssyncadd.s32 @!p0 s1  }
0x393: {  	[bflag:$0x3] =	sbarrier.arrive $0xFFFF  }
0x394: {  	_ =	shalt  }

</sc_bundles>
